<compile_context>
chip_gen: v7x
topology: tpu7x:2x2x1
jax: 0.10.2.dev20260603
libtpu: 0.0.44.dev20260713+nightly
codegen_flags: <defaults>
</compile_context>

<pallas_src>
import functools
import math

import jax
import jax.numpy as jnp
from jax import lax
from jax.experimental import pallas as pl
from jax.experimental.pallas import tpu as pltpu
from jax.experimental.pallas import tpu_sc as plsc

_GAMMA = 12.0
_EPS = 2.0
_EMB_DIM = 64
_EMB_RANGE = (_GAMMA + _EPS) / _EMB_DIM
_PHASE_SCALE = math.pi / _EMB_RANGE

_B = 16384
_NC = 2
_NS = 16
_NW = _NC * _NS
_N_PER_W = _B // _NW
_CHUNK = 64
_NCHUNK = _N_PER_W // _CHUNK
_NREL = 1000
_TRIG_ROWS = 1024

_SIN_C = (9.999995999200e-01, -1.666655263541e-01, 8.332402988790e-03,
          -1.980863334289e-04, 2.699714637300e-06, -2.036224490555e-08)
_COS_C = (9.999992107855e-01, -4.999942133863e-01, 4.165977780684e-02,
          -1.385878991970e-03, 2.420294136687e-05, -2.197296381879e-07)


def _horner(x2, coef):
    r = jnp.full((16,), coef[-1], jnp.float32)
    for c in coef[-2::-1]:
        r = r * x2 + c
    return r


def _rsqrt_newton(x):
    i = lax.bitcast_convert_type(x, jnp.int32)
    i = 0x5F3759DF - lax.shift_right_arithmetic(i, 1)
    y = lax.bitcast_convert_type(i, jnp.float32)
    xh = 0.5 * x
    for _ in range(2):
        y = y * (1.5 - (xh * y) * y)
    return y


def _sc_score(sample, ent, rel):
    mesh = plsc.VectorSubcoreMesh(core_axis_name="c", subcore_axis_name="s")

    buf = lambda shape, dt=jnp.float32: pltpu.VMEM(shape, dt)

    @functools.partial(
        pl.kernel,
        out_type=(
            jax.ShapeDtypeStruct((_B,), jnp.float32),
            jax.ShapeDtypeStruct((_NC * _TRIG_ROWS, 128), jnp.float32),
        ),
        mesh=mesh,
        compiler_params=pltpu.CompilerParams(needs_layout_passes=False),
        scratch_types=[
            buf((64, _EMB_DIM)),
            buf((_N_PER_W, 3), jnp.int32),
            buf((2 * _N_PER_W,), jnp.int32),
            buf((_N_PER_W,), jnp.int32),
            [buf((2 * _CHUNK, 128)) for _ in range(2)],
            [buf((_CHUNK, 128)) for _ in range(2)],
            buf((_N_PER_W,)),
            pltpu.SemaphoreType.DMA,
            pltpu.SemaphoreType.DMA,
        ],
    )
    def sc_kernel(samp_hbm, ent_hbm, rel_hbm, out_hbm, trig_hbm, rel_v,
                  samp_v, htid_v, rid_v, ht_v, trig_v, out_v,
                  sem0, sem1):
        sc = lax.axis_index("c")
        tile = lax.axis_index("s")
        wid = tile * _NC + sc
        base = wid * _N_PER_W
        lane = lax.iota(jnp.int32, 16)
        col0 = jnp.zeros((16,), jnp.int32)
        col1 = col0 + 1
        col2 = col0 + 2
        sems = (sem0, sem1)

        samp_cp = pltpu.async_copy(samp_hbm.at[pl.ds(base, _N_PER_W)],
                                   samp_v, sem1)

        rows_off = jnp.minimum(tile * 64, _NREL - 64)
        pltpu.sync_copy(rel_hbm.at[pl.ds(rows_off, 64)], rel_v)
        tloc_v = ht_v[0]

        def trig_row(r, _):
            for k in range(4):
                ph = rel_v[r, pl.ds(k * 16, 16)] * _PHASE_SCALE
                x2 = ph * ph
                tloc_v[r, pl.ds(k * 16, 16)] = _horner(x2, _COS_C)
                tloc_v[r, pl.ds(64 + k * 16, 16)] = ph * _horner(x2, _SIN_C)
            return _

        lax.fori_loop(0, 64, trig_row, 0)
        pltpu.sync_copy(tloc_v.at[pl.ds(0, 64)],
                        trig_hbm.at[pl.ds(sc * _TRIG_ROWS + rows_off, 64)])

        samp_cp.wait()
        gpc = _CHUNK // 16
        trig_base = sc * _TRIG_ROWS

        def extract_body(j, _):
            rows = j * 16 + lane
            c = j // gpc
            g = j - c * gpc
            hslot = pl.ds(c * 2 * _CHUNK + g * 16, 16)
            tslot = pl.ds(c * 2 * _CHUNK + _CHUNK + g * 16, 16)
            htid_v[hslot] = plsc.load_gather(samp_v, [rows, col0])
            htid_v[tslot] = plsc.load_gather(samp_v, [rows, col2])
            rid_v[pl.ds(j * 16, 16)] = (
                plsc.load_gather(samp_v, [rows, col1]) + trig_base)
            return _

        lax.fori_loop(0, _N_PER_W // 16, extract_body, 0)
        plsc.subcore_barrier()

        def issue(c, b):
            c = jnp.minimum(c, _NCHUNK - 1)
            pltpu.async_copy(
                ent_hbm.at[htid_v.at[pl.ds(c * 2 * _CHUNK, 2 * _CHUNK)]],
                ht_v[b], sems[b])
            pltpu.async_copy(
                trig_hbm.at[rid_v.at[pl.ds(c * _CHUNK, _CHUNK)]],
                trig_v[b], sems[b])

        def drain(b):
            pltpu.make_async_copy(
                ent_hbm.at[htid_v.at[pl.ds(0, 2 * _CHUNK)]],
                ht_v[b], sems[b]).wait()
            pltpu.make_async_copy(
                trig_hbm.at[rid_v.at[pl.ds(0, _CHUNK)]],
                trig_v[b], sems[b]).wait()

        def compute(c, b):
            ht, trig = ht_v[b], trig_v[b]

            @plsc.parallel_loop(0, _CHUNK // 16)
            def group_body(g):
                def sample_body(j, vec):
                    s = g * 16 + j
                    acc = jnp.zeros((16,), jnp.float32)
                    for k in range(4):
                        re_h = ht[s, pl.ds(k * 16, 16)]
                        im_h = ht[s, pl.ds(64 + k * 16, 16)]
                        re_t = ht[_CHUNK + s, pl.ds(k * 16, 16)]
                        im_t = ht[_CHUNK + s, pl.ds(64 + k * 16, 16)]
                        re_r = trig[s, pl.ds(k * 16, 16)]
                        im_r = trig[s, pl.ds(64 + k * 16, 16)]
                        a = re_h * re_r - im_h * im_r - re_t
                        bb = re_h * im_r + im_h * re_r - im_t
                        x = a * a + bb * bb
                        acc = acc + x * _rsqrt_newton(x)
                    total = _GAMMA - jnp.sum(acc)
                    return jnp.where(lane == j, total, vec)

                vec = lax.fori_loop(0, 16, sample_body,
                                    jnp.zeros((16,), jnp.float32),
                                    unroll=2)
                out_v[pl.ds(c * _CHUNK + g * 16, 16)] = vec

        issue(0, 0)

        def pair_body(p, _):
            c0 = 2 * p
            issue(c0 + 1, 1)
            drain(0)
            compute(c0, 0)
            issue(c0 + 2, 0)
            drain(1)
            compute(c0 + 1, 1)
            return _

        lax.fori_loop(0, _NCHUNK // 2, pair_body, 0)
        drain(0)
        pltpu.sync_copy(out_v, out_hbm.at[pl.ds(base, _N_PER_W)])

    return sc_kernel(sample, ent, rel)[0]


def kernel(sample, entity_embedding, relation_embedding):
    score = _sc_score(sample, entity_embedding, relation_embedding)
    return score.reshape(_B, 1)

# --- scband reference (transcript-rebuilt; emitter-appended) ---
"""Pipeline reference for scband-my-rotat-e-79774722556267 (READ-ONLY COPY).

The authoritative reference and input builder live on the scoring server;
editing this copy changes nothing except your own understanding.
"""

import jax, jax.numpy as jnp
import numpy as np

ENTITIES = 1000000
RELATIONS = 1000
EMB_DIM = 64
ENTITY_DIM = EMB_DIM * 2
GAMMA = 12.0
EPSILON = 2.0
EMB_RANGE = (GAMMA + EPSILON) / EMB_DIM
BATCH = 16384


def setup_inputs(seed: int = 0) -> dict:
    key = jax.random.key(seed)
    k1, k2, k3 = jax.random.split(key, 3)
    sample = jax.random.randint(k1, (BATCH, 3), 0, RELATIONS)
    entity_embedding = jax.random.uniform(k2, (ENTITIES, ENTITY_DIM), minval=-EMB_RANGE, maxval=EMB_RANGE, dtype=jnp.float32)
    relation_embedding = jax.random.uniform(k3, (RELATIONS, EMB_DIM), minval=-EMB_RANGE, maxval=EMB_RANGE, dtype=jnp.float32)
    return {"sample": sample, "entity_embedding": entity_embedding, "relation_embedding": relation_embedding}


def reference(sample, entity_embedding, relation_embedding):
    # mode == 'single'
    pi = 3.141592653589793
    head = jnp.take(entity_embedding, sample[:, 0], axis=0)[:, None, :]
    relation = jnp.take(relation_embedding, sample[:, 1], axis=0)[:, None, :]
    tail = jnp.take(entity_embedding, sample[:, 2], axis=0)[:, None, :]
    re_head, im_head = jnp.split(head, 2, axis=2)
    re_tail, im_tail = jnp.split(tail, 2, axis=2)
    phase_relation = relation / (EMB_RANGE / pi)
    re_relation = jnp.cos(phase_relation)
    im_relation = jnp.sin(phase_relation)
    re_score = re_head * re_relation - im_head * im_relation
    im_score = re_head * im_relation + im_head * re_relation
    re_score = re_score - re_tail
    im_score = im_score - im_tail
    score = jnp.sqrt(re_score ** 2 + im_score ** 2)  # norm over stacked dim 0
    score = GAMMA - jnp.sum(score, axis=2)
    return score

if __name__ == "__main__":
    import jax
    _d = setup_inputs()
    print(jax.jit(kernel)(*tuple(_d.values())))

</pallas_src>

<mosaic_0001>
#map = affine_map<(d0, d1) -> (0, 0)>
#map1 = affine_map<(d0, d1) -> (0)>
module attributes {stable_mosaic.version = 14 : i64} {
  func.func @sc_kernel(%arg0: i32, %arg1: i32, %arg2: memref<16384x3xi32, #tpu.memory_space<hbm>>, %arg3: memref<1000000x128xf32, #tpu.memory_space<hbm>>, %arg4: memref<1000x64xf32, #tpu.memory_space<hbm>>, %arg5: memref<16384xf32, #tpu.memory_space<hbm>>, %arg6: memref<2048x128xf32, #tpu.memory_space<hbm>>, %arg7: memref<64x64xf32, #tpu.memory_space<vmem>>, %arg8: memref<512x3xi32, #tpu.memory_space<vmem>>, %arg9: memref<1024xi32, #tpu.memory_space<vmem>>, %arg10: memref<512xi32, #tpu.memory_space<vmem>>, %arg11: memref<128x128xf32, #tpu.memory_space<vmem>>, %arg12: memref<128x128xf32, #tpu.memory_space<vmem>>, %arg13: memref<64x128xf32, #tpu.memory_space<vmem>>, %arg14: memref<64x128xf32, #tpu.memory_space<vmem>>, %arg15: memref<512xf32, #tpu.memory_space<vmem>>, %arg16: memref<!tpu.dma_semaphore, #tpu.memory_space<semaphore_mem>>, %arg17: memref<!tpu.dma_semaphore, #tpu.memory_space<semaphore_mem>>) attributes {dimension_semantics = [#tpu.dimension_semantics<core_parallel>, #tpu.dimension_semantics<subcore_parallel>], iteration_bounds = array<i64: 2, 16>, scalar_prefetch = 0 : i64, scratch_operands = 11 : i64, tpu.core_type = #tpu.core_type<sc_vector_subcore>, window_params = [{transform_indices = #map}, {transform_indices = #map}, {transform_indices = #map}, {transform_indices = #map1}, {transform_indices = #map}]} {
    %mul3A = arith.constant 2 : i32
    %mul3A_0 = arith.muli %arg1, %mul3A : i32
    %add3A = arith.addi %mul3A_0, %arg0 : i32
    %mul3A_1 = arith.constant 512 : i32
    %mul3A_2 = arith.muli %add3A, %mul3A_1 : i32
    %iota3A = tpu.iota {dimensions = array<i32: 0>} : vector<16xi32>
    %broadcast_in_dim3A = arith.constant 0 : i32
    %broadcast_in_dim3A_3 = vector.broadcast %broadcast_in_dim3A : i32 to vector<16xi32>
    %add3A_4 = arith.constant 1 : i32
    %add3A_5 = vector.broadcast %add3A_4 : i32 to vector<16xi32>
    %add3A_6 = arith.addi %broadcast_in_dim3A_3, %add3A_5 : vector<16xi32>
    %add3A_7 = arith.constant 2 : i32
    %add3A_8 = vector.broadcast %add3A_7 : i32 to vector<16xi32>
    %add3A_9 = arith.addi %broadcast_in_dim3A_3, %add3A_8 : vector<16xi32>
    %dma_start3A = arith.constant 0 : i32
    %dma_start3A_10 = tpu.memref_slice %arg2[%mul3A_2, %dma_start3A] : memref<16384x3xi32, #tpu.memory_space<hbm>> -> memref<512x3xi32, #tpu.memory_space<hbm>>
    %dma_start3A_11 = arith.constant 0 : i32
    %dma_start3A_12 = tpu.memref_slice %arg2[%mul3A_2, %dma_start3A_11] : memref<16384x3xi32, #tpu.memory_space<hbm>> -> memref<512x3xi32, #tpu.memory_space<hbm>>
    tpu.enqueue_dma source(%dma_start3A_12 : memref<512x3xi32, #tpu.memory_space<hbm>>) target(%arg8 : memref<512x3xi32, #tpu.memory_space<vmem>>) target_semaphore(%arg17 : memref<!tpu.dma_semaphore, #tpu.memory_space<semaphore_mem>>)
    %mul3A_13 = arith.constant 64 : i32
    %mul3A_14 = arith.muli %arg1, %mul3A_13 : i32
    %min3A = arith.constant 936 : i32
    %min3A_15 = arith.minsi %mul3A_14, %min3A : i32
    "tpu.region"() ({
      %run_scoped3A = tpu.sem_alloc : memref<!tpu.dma_semaphore, #tpu.memory_space<semaphore_mem>>
      %dma_start3A_68 = arith.constant 0 : i32
      %dma_start3A_69 = tpu.memref_slice %arg4[%min3A_15, %dma_start3A_68] : memref<1000x64xf32, #tpu.memory_space<hbm>> -> memref<64x64xf32, #tpu.memory_space<hbm>>
      %dma_start3A_70 = arith.constant 0 : i32
      %dma_start3A_71 = tpu.memref_slice %arg4[%min3A_15, %dma_start3A_70] : memref<1000x64xf32, #tpu.memory_space<hbm>> -> memref<64x64xf32, #tpu.memory_space<hbm>>
      tpu.enqueue_dma source(%dma_start3A_71 : memref<64x64xf32, #tpu.memory_space<hbm>>) target(%arg7 : memref<64x64xf32, #tpu.memory_space<vmem>>) target_semaphore(%run_scoped3A : memref<!tpu.dma_semaphore, #tpu.memory_space<semaphore_mem>>)
      %dma_wait3A_72 = arith.constant 0 : i32
      %dma_wait3A_73 = tpu.memref_slice %arg4[%min3A_15, %dma_wait3A_72] : memref<1000x64xf32, #tpu.memory_space<hbm>> -> memref<64x64xf32, #tpu.memory_space<hbm>>
      %dma_wait3A_74 = arith.constant 0 : i32
      %dma_wait3A_75 = tpu.memref_slice %arg4[%min3A_15, %dma_wait3A_74] : memref<1000x64xf32, #tpu.memory_space<hbm>> -> memref<64x64xf32, #tpu.memory_space<hbm>>
      tpu.wait_dma2 semaphore(%run_scoped3A : memref<!tpu.dma_semaphore, #tpu.memory_space<semaphore_mem>>) src(%dma_wait3A_75 : memref<64x64xf32, #tpu.memory_space<hbm>>) dst(%arg7 : memref<64x64xf32, #tpu.memory_space<vmem>>)
      tpu.yield
    }) : () -> ()
    %scan3A = arith.constant 0 : i32
    %scan3A_16 = arith.constant 0 : i32
    %scan3A_17 = arith.constant 64 : i32
    %scan3A_18 = arith.addi %scan3A_16, %scan3A_17 : i32
    %scan3A_19 = arith.constant 1 : i32
    scf.for %scan3A_68 = %scan3A_16 to %scan3A_18 step %scan3A_19  : i32 {
      %get3A = arith.index_cast %scan3A_68 : i32 to index
      %get3A_69 = arith.constant 0 : index
      %get3A_70 = tpu.vector_load %arg7[%get3A, %get3A_69] {strides = array<i32>} : memref<64x64xf32, #tpu.memory_space<vmem>>, vector<16xf32>,
      %mul3A_71 = arith.constant 14.3615665 : f32
      %mul3A_72 = vector.broadcast %mul3A_71 : f32 to vector<16xf32>
      %mul3A_73 = arith.mulf %get3A_70, %mul3A_72 : vector<16xf32>
      %mul3A_74 = arith.mulf %mul3A_73, %mul3A_73 : vector<16xf32>
      %broadcast_in_dim3A_75 = arith.constant -2.19729642E-7 : f32
      %broadcast_in_dim3A_76 = vector.broadcast %broadcast_in_dim3A_75 : f32 to vector<16xf32>
      %mul3A_77 = arith.mulf %broadcast_in_dim3A_76, %mul3A_74 : vector<16xf32>
      %add3A_78 = arith.constant 2.42029419E-5 : f32
      %add3A_79 = vector.broadcast %add3A_78 : f32 to vector<16xf32>
      %add3A_80 = arith.addf %mul3A_77, %add3A_79 : vector<16xf32>
      %mul3A_81 = arith.mulf %add3A_80, %mul3A_74 : vector<16xf32>
      %add3A_82 = arith.constant -0.001385879 : f32
      %add3A_83 = vector.broadcast %add3A_82 : f32 to vector<16xf32>
      %add3A_84 = arith.addf %mul3A_81, %add3A_83 : vector<16xf32>
      %mul3A_85 = arith.mulf %add3A_84, %mul3A_74 : vector<16xf32>
      %add3A_86 = arith.constant 0.0416597761 : f32
      %add3A_87 = vector.broadcast %add3A_86 : f32 to vector<16xf32>
      %add3A_88 = arith.addf %mul3A_85, %add3A_87 : vector<16xf32>
      %mul3A_89 = arith.mulf %add3A_88, %mul3A_74 : vector<16xf32>
      %add3A_90 = arith.constant -0.499994218 : f32
      %add3A_91 = vector.broadcast %add3A_90 : f32 to vector<16xf32>
      %add3A_92 = arith.addf %mul3A_89, %add3A_91 : vector<16xf32>
      %mul3A_93 = arith.mulf %add3A_92, %mul3A_74 : vector<16xf32>
      %add3A_94 = arith.constant 0.999999225 : f32
      %add3A_95 = vector.broadcast %add3A_94 : f32 to vector<16xf32>
      %add3A_96 = arith.addf %mul3A_93, %add3A_95 : vector<16xf32>
      %swap3A = arith.index_cast %scan3A_68 : i32 to index
      %swap3A_97 = arith.constant 0 : index
      %swap3A_98 = tpu.vector_load %arg11[%swap3A, %swap3A_97] {strides = array<i32>} : memref<128x128xf32, #tpu.memory_space<vmem>>, vector<16xf32>,
      tpu.vector_store %arg11[%swap3A, %swap3A_97], %add3A_96 {strides = array<i32>} : memref<128x128xf32, #tpu.memory_space<vmem>>, vector<16xf32>,
      %broadcast_in_dim3A_99 = arith.constant -2.03622452E-8 : f32
      %broadcast_in_dim3A_100 = vector.broadcast %broadcast_in_dim3A_99 : f32 to vector<16xf32>
      %mul3A_101 = arith.mulf %broadcast_in_dim3A_100, %mul3A_74 : vector<16xf32>
      %add3A_102 = arith.constant 2.69971474E-6 : f32
      %add3A_103 = vector.broadcast %add3A_102 : f32 to vector<16xf32>
      %add3A_104 = arith.addf %mul3A_101, %add3A_103 : vector<16xf32>
      %mul3A_105 = arith.mulf %add3A_104, %mul3A_74 : vector<16xf32>
      %add3A_106 = arith.constant -1.98086331E-4 : f32
      %add3A_107 = vector.broadcast %add3A_106 : f32 to vector<16xf32>
      %add3A_108 = arith.addf %mul3A_105, %add3A_107 : vector<16xf32>
      %mul3A_109 = arith.mulf %add3A_108, %mul3A_74 : vector<16xf32>
      %add3A_110 = arith.constant 0.00833240337 : f32
      %add3A_111 = vector.broadcast %add3A_110 : f32 to vector<16xf32>
      %add3A_112 = arith.addf %mul3A_109, %add3A_111 : vector<16xf32>
      %mul3A_113 = arith.mulf %add3A_112, %mul3A_74 : vector<16xf32>
      %add3A_114 = arith.constant -0.166665524 : f32
      %add3A_115 = vector.broadcast %add3A_114 : f32 to vector<16xf32>
      %add3A_116 = arith.addf %mul3A_113, %add3A_115 : vector<16xf32>
      %mul3A_117 = arith.mulf %add3A_116, %mul3A_74 : vector<16xf32>
      %add3A_118 = arith.constant 0.999999582 : f32
      %add3A_119 = vector.broadcast %add3A_118 : f32 to vector<16xf32>
      %add3A_120 = arith.addf %mul3A_117, %add3A_119 : vector<16xf32>
      %mul3A_121 = arith.mulf %mul3A_73, %add3A_120 : vector<16xf32>
      %swap3A_122 = arith.index_cast %scan3A_68 : i32 to index
      %swap3A_123 = arith.constant 64 : index
      %swap3A_124 = tpu.vector_load %arg11[%swap3A_122, %swap3A_123] {strides = array<i32>} : memref<128x128xf32, #tpu.memory_space<vmem>>, vector<16xf32>,
      tpu.vector_store %arg11[%swap3A_122, %swap3A_123], %mul3A_121 {strides = array<i32>} : memref<128x128xf32, #tpu.memory_space<vmem>>, vector<16xf32>,
      %get3A_125 = arith.index_cast %scan3A_68 : i32 to index
      %get3A_126 = arith.constant 16 : index
      %get3A_127 = tpu.vector_load %arg7[%get3A_125, %get3A_126] {strides = array<i32>} : memref<64x64xf32, #tpu.memory_space<vmem>>, vector<16xf32>,
      %mul3A_128 = arith.constant 14.3615665 : f32
      %mul3A_129 = vector.broadcast %mul3A_128 : f32 to vector<16xf32>
      %mul3A_130 = arith.mulf %get3A_127, %mul3A_129 : vector<16xf32>
      %mul3A_131 = arith.mulf %mul3A_130, %mul3A_130 : vector<16xf32>
      %broadcast_in_dim3A_132 = arith.constant -2.19729642E-7 : f32
      %broadcast_in_dim3A_133 = vector.broadcast %broadcast_in_dim3A_132 : f32 to vector<16xf32>
      %mul3A_134 = arith.mulf %broadcast_in_dim3A_133, %mul3A_131 : vector<16xf32>
      %add3A_135 = arith.constant 2.42029419E-5 : f32
      %add3A_136 = vector.broadcast %add3A_135 : f32 to vector<16xf32>
      %add3A_137 = arith.addf %mul3A_134, %add3A_136 : vector<16xf32>
      %mul3A_138 = arith.mulf %add3A_137, %mul3A_131 : vector<16xf32>
      %add3A_139 = arith.constant -0.001385879 : f32
      %add3A_140 = vector.broadcast %add3A_139 : f32 to vector<16xf32>
      %add3A_141 = arith.addf %mul3A_138, %add3A_140 : vector<16xf32>
      %mul3A_142 = arith.mulf %add3A_141, %mul3A_131 : vector<16xf32>
      %add3A_143 = arith.constant 0.0416597761 : f32
      %add3A_144 = vector.broadcast %add3A_143 : f32 to vector<16xf32>
      %add3A_145 = arith.addf %mul3A_142, %add3A_144 : vector<16xf32>
      %mul3A_146 = arith.mulf %add3A_145, %mul3A_131 : vector<16xf32>
      %add3A_147 = arith.constant -0.499994218 : f32
      %add3A_148 = vector.broadcast %add3A_147 : f32 to vector<16xf32>
      %add3A_149 = arith.addf %mul3A_146, %add3A_148 : vector<16xf32>
      %mul3A_150 = arith.mulf %add3A_149, %mul3A_131 : vector<16xf32>
      %add3A_151 = arith.constant 0.999999225 : f32
      %add3A_152 = vector.broadcast %add3A_151 : f32 to vector<16xf32>
      %add3A_153 = arith.addf %mul3A_150, %add3A_152 : vector<16xf32>
      %swap3A_154 = arith.index_cast %scan3A_68 : i32 to index
      %swap3A_155 = arith.constant 16 : index
      %swap3A_156 = tpu.vector_load %arg11[%swap3A_154, %swap3A_155] {strides = array<i32>} : memref<128x128xf32, #tpu.memory_space<vmem>>, vector<16xf32>,
      tpu.vector_store %arg11[%swap3A_154, %swap3A_155], %add3A_153 {strides = array<i32>} : memref<128x128xf32, #tpu.memory_space<vmem>>, vector<16xf32>,
      %broadcast_in_dim3A_157 = arith.constant -2.03622452E-8 : f32
      %broadcast_in_dim3A_158 = vector.broadcast %broadcast_in_dim3A_157 : f32 to vector<16xf32>
      %mul3A_159 = arith.mulf %broadcast_in_dim3A_158, %mul3A_131 : vector<16xf32>
      %add3A_160 = arith.constant 2.69971474E-6 : f32
      %add3A_161 = vector.broadcast %add3A_160 : f32 to vector<16xf32>
      %add3A_162 = arith.addf %mul3A_159, %add3A_161 : vector<16xf32>
      %mul3A_163 = arith.mulf %add3A_162, %mul3A_131 : vector<16xf32>
      %add3A_164 = arith.constant -1.98086331E-4 : f32
      %add3A_165 = vector.broadcast %add3A_164 : f32 to vector<16xf32>
      %add3A_166 = arith.addf %mul3A_163, %add3A_165 : vector<16xf32>
      %mul3A_167 = arith.mulf %add3A_166, %mul3A_131 : vector<16xf32>
      %add3A_168 = arith.constant 0.00833240337 : f32
      %add3A_169 = vector.broadcast %add3A_168 : f32 to vector<16xf32>
      %add3A_170 = arith.addf %mul3A_167, %add3A_169 : vector<16xf32>
      %mul3A_171 = arith.mulf %add3A_170, %mul3A_131 : vector<16xf32>
      %add3A_172 = arith.constant -0.166665524 : f32
      %add3A_173 = vector.broadcast %add3A_172 : f32 to vector<16xf32>
      %add3A_174 = arith.addf %mul3A_171, %add3A_173 : vector<16xf32>
      %mul3A_175 = arith.mulf %add3A_174, %mul3A_131 : vector<16xf32>
      %add3A_176 = arith.constant 0.999999582 : f32
      %add3A_177 = vector.broadcast %add3A_176 : f32 to vector<16xf32>
      %add3A_178 = arith.addf %mul3A_175, %add3A_177 : vector<16xf32>
      %mul3A_179 = arith.mulf %mul3A_130, %add3A_178 : vector<16xf32>
      %swap3A_180 = arith.index_cast %scan3A_68 : i32 to index
      %swap3A_181 = arith.constant 80 : index
      %swap3A_182 = tpu.vector_load %arg11[%swap3A_180, %swap3A_181] {strides = array<i32>} : memref<128x128xf32, #tpu.memory_space<vmem>>, vector<16xf32>,
      tpu.vector_store %arg11[%swap3A_180, %swap3A_181], %mul3A_179 {strides = array<i32>} : memref<128x128xf32, #tpu.memory_space<vmem>>, vector<16xf32>,
      %get3A_183 = arith.index_cast %scan3A_68 : i32 to index
      %get3A_184 = arith.constant 32 : index
      %get3A_185 = tpu.vector_load %arg7[%get3A_183, %get3A_184] {strides = array<i32>} : memref<64x64xf32, #tpu.memory_space<vmem>>, vector<16xf32>,
      %mul3A_186 = arith.constant 14.3615665 : f32
      %mul3A_187 = vector.broadcast %mul3A_186 : f32 to vector<16xf32>
      %mul3A_188 = arith.mulf %get3A_185, %mul3A_187 : vector<16xf32>
      %mul3A_189 = arith.mulf %mul3A_188, %mul3A_188 : vector<16xf32>
      %broadcast_in_dim3A_190 = arith.constant -2.19729642E-7 : f32
      %broadcast_in_dim3A_191 = vector.broadcast %broadcast_in_dim3A_190 : f32 to vector<16xf32>
      %mul3A_192 = arith.mulf %broadcast_in_dim3A_191, %mul3A_189 : vector<16xf32>
      %add3A_193 = arith.constant 2.42029419E-5 : f32
      %add3A_194 = vector.broadcast %add3A_193 : f32 to vector<16xf32>
      %add3A_195 = arith.addf %mul3A_192, %add3A_194 : vector<16xf32>
      %mul3A_196 = arith.mulf %add3A_195, %mul3A_189 : vector<16xf32>
      %add3A_197 = arith.constant -0.001385879 : f32
      %add3A_198 = vector.broadcast %add3A_197 : f32 to vector<16xf32>
      %add3A_199 = arith.addf %mul3A_196, %add3A_198 : vector<16xf32>
      %mul3A_200 = arith.mulf %add3A_199, %mul3A_189 : vector<16xf32>
      %add3A_201 = arith.constant 0.0416597761 : f32
      %add3A_202 = vector.broadcast %add3A_201 : f32 to vector<16xf32>
      %add3A_203 = arith.addf %mul3A_200, %add3A_202 : vector<16xf32>
      %mul3A_204 = arith.mulf %add3A_203, %mul3A_189 : vector<16xf32>
      %add3A_205 = arith.constant -0.499994218 : f32
      %add3A_206 = vector.broadcast %add3A_205 : f32 to vector<16xf32>
      %add3A_207 = arith.addf %mul3A_204, %add3A_206 : vector<16xf32>
      %mul3A_208 = arith.mulf %add3A_207, %mul3A_189 : vector<16xf32>
      %add3A_209 = arith.constant 0.999999225 : f32
      %add3A_210 = vector.broadcast %add3A_209 : f32 to vector<16xf32>
      %add3A_211 = arith.addf %mul3A_208, %add3A_210 : vector<16xf32>
      %swap3A_212 = arith.index_cast %scan3A_68 : i32 to index
      %swap3A_213 = arith.constant 32 : index
      %swap3A_214 = tpu.vector_load %arg11[%swap3A_212, %swap3A_213] {strides = array<i32>} : memref<128x128xf32, #tpu.memory_space<vmem>>, vector<16xf32>,
      tpu.vector_store %arg11[%swap3A_212, %swap3A_213], %add3A_211 {strides = array<i32>} : memref<128x128xf32, #tpu.memory_space<vmem>>, vector<16xf32>,
      %broadcast_in_dim3A_215 = arith.constant -2.03622452E-8 : f32
      %broadcast_in_dim3A_216 = vector.broadcast %broadcast_in_dim3A_215 : f32 to vector<16xf32>
      %mul3A_217 = arith.mulf %broadcast_in_dim3A_216, %mul3A_189 : vector<16xf32>
      %add3A_218 = arith.constant 2.69971474E-6 : f32
      %add3A_219 = vector.broadcast %add3A_218 : f32 to vector<16xf32>
      %add3A_220 = arith.addf %mul3A_217, %add3A_219 : vector<16xf32>
      %mul3A_221 = arith.mulf %add3A_220, %mul3A_189 : vector<16xf32>
      %add3A_222 = arith.constant -1.98086331E-4 : f32
      %add3A_223 = vector.broadcast %add3A_222 : f32 to vector<16xf32>
      %add3A_224 = arith.addf %mul3A_221, %add3A_223 : vector<16xf32>
      %mul3A_225 = arith.mulf %add3A_224, %mul3A_189 : vector<16xf32>
      %add3A_226 = arith.constant 0.00833240337 : f32
      %add3A_227 = vector.broadcast %add3A_226 : f32 to vector<16xf32>
      %add3A_228 = arith.addf %mul3A_225, %add3A_227 : vector<16xf32>
      %mul3A_229 = arith.mulf %add3A_228, %mul3A_189 : vector<16xf32>
      %add3A_230 = arith.constant -0.166665524 : f32
      %add3A_231 = vector.broadcast %add3A_230 : f32 to vector<16xf32>
      %add3A_232 = arith.addf %mul3A_229, %add3A_231 : vector<16xf32>
      %mul3A_233 = arith.mulf %add3A_232, %mul3A_189 : vector<16xf32>
      %add3A_234 = arith.constant 0.999999582 : f32
      %add3A_235 = vector.broadcast %add3A_234 : f32 to vector<16xf32>
      %add3A_236 = arith.addf %mul3A_233, %add3A_235 : vector<16xf32>
      %mul3A_237 = arith.mulf %mul3A_188, %add3A_236 : vector<16xf32>
      %swap3A_238 = arith.index_cast %scan3A_68 : i32 to index
      %swap3A_239 = arith.constant 96 : index
      %swap3A_240 = tpu.vector_load %arg11[%swap3A_238, %swap3A_239] {strides = array<i32>} : memref<128x128xf32, #tpu.memory_space<vmem>>, vector<16xf32>,
      tpu.vector_store %arg11[%swap3A_238, %swap3A_239], %mul3A_237 {strides = array<i32>} : memref<128x128xf32, #tpu.memory_space<vmem>>, vector<16xf32>,
      %get3A_241 = arith.index_cast %scan3A_68 : i32 to index
      %get3A_242 = arith.constant 48 : index
      %get3A_243 = tpu.vector_load %arg7[%get3A_241, %get3A_242] {strides = array<i32>} : memref<64x64xf32, #tpu.memory_space<vmem>>, vector<16xf32>,
      %mul3A_244 = arith.constant 14.3615665 : f32
      %mul3A_245 = vector.broadcast %mul3A_244 : f32 to vector<16xf32>
      %mul3A_246 = arith.mulf %get3A_243, %mul3A_245 : vector<16xf32>
      %mul3A_247 = arith.mulf %mul3A_246, %mul3A_246 : vector<16xf32>
      %broadcast_in_dim3A_248 = arith.constant -2.19729642E-7 : f32
      %broadcast_in_dim3A_249 = vector.broadcast %broadcast_in_dim3A_248 : f32 to vector<16xf32>
      %mul3A_250 = arith.mulf %broadcast_in_dim3A_249, %mul3A_247 : vector<16xf32>
      %add3A_251 = arith.constant 2.42029419E-5 : f32
      %add3A_252 = vector.broadcast %add3A_251 : f32 to vector<16xf32>
      %add3A_253 = arith.addf %mul3A_250, %add3A_252 : vector<16xf32>
      %mul3A_254 = arith.mulf %add3A_253, %mul3A_247 : vector<16xf32>
      %add3A_255 = arith.constant -0.001385879 : f32
      %add3A_256 = vector.broadcast %add3A_255 : f32 to vector<16xf32>
      %add3A_257 = arith.addf %mul3A_254, %add3A_256 : vector<16xf32>
      %mul3A_258 = arith.mulf %add3A_257, %mul3A_247 : vector<16xf32>
      %add3A_259 = arith.constant 0.0416597761 : f32
      %add3A_260 = vector.broadcast %add3A_259 : f32 to vector<16xf32>
      %add3A_261 = arith.addf %mul3A_258, %add3A_260 : vector<16xf32>
      %mul3A_262 = arith.mulf %add3A_261, %mul3A_247 : vector<16xf32>
      %add3A_263 = arith.constant -0.499994218 : f32
      %add3A_264 = vector.broadcast %add3A_263 : f32 to vector<16xf32>
      %add3A_265 = arith.addf %mul3A_262, %add3A_264 : vector<16xf32>
      %mul3A_266 = arith.mulf %add3A_265, %mul3A_247 : vector<16xf32>
      %add3A_267 = arith.constant 0.999999225 : f32
      %add3A_268 = vector.broadcast %add3A_267 : f32 to vector<16xf32>
      %add3A_269 = arith.addf %mul3A_266, %add3A_268 : vector<16xf32>
      %swap3A_270 = arith.index_cast %scan3A_68 : i32 to index
      %swap3A_271 = arith.constant 48 : index
      %swap3A_272 = tpu.vector_load %arg11[%swap3A_270, %swap3A_271] {strides = array<i32>} : memref<128x128xf32, #tpu.memory_space<vmem>>, vector<16xf32>,
      tpu.vector_store %arg11[%swap3A_270, %swap3A_271], %add3A_269 {strides = array<i32>} : memref<128x128xf32, #tpu.memory_space<vmem>>, vector<16xf32>,
      %broadcast_in_dim3A_273 = arith.constant -2.03622452E-8 : f32
      %broadcast_in_dim3A_274 = vector.broadcast %broadcast_in_dim3A_273 : f32 to vector<16xf32>
      %mul3A_275 = arith.mulf %broadcast_in_dim3A_274, %mul3A_247 : vector<16xf32>
      %add3A_276 = arith.constant 2.69971474E-6 : f32
      %add3A_277 = vector.broadcast %add3A_276 : f32 to vector<16xf32>
      %add3A_278 = arith.addf %mul3A_275, %add3A_277 : vector<16xf32>
      %mul3A_279 = arith.mulf %add3A_278, %mul3A_247 : vector<16xf32>
      %add3A_280 = arith.constant -1.98086331E-4 : f32
      %add3A_281 = vector.broadcast %add3A_280 : f32 to vector<16xf32>
      %add3A_282 = arith.addf %mul3A_279, %add3A_281 : vector<16xf32>
      %mul3A_283 = arith.mulf %add3A_282, %mul3A_247 : vector<16xf32>
      %add3A_284 = arith.constant 0.00833240337 : f32
      %add3A_285 = vector.broadcast %add3A_284 : f32 to vector<16xf32>
      %add3A_286 = arith.addf %mul3A_283, %add3A_285 : vector<16xf32>
      %mul3A_287 = arith.mulf %add3A_286, %mul3A_247 : vector<16xf32>
      %add3A_288 = arith.constant -0.166665524 : f32
      %add3A_289 = vector.broadcast %add3A_288 : f32 to vector<16xf32>
      %add3A_290 = arith.addf %mul3A_287, %add3A_289 : vector<16xf32>
      %mul3A_291 = arith.mulf %add3A_290, %mul3A_247 : vector<16xf32>
      %add3A_292 = arith.constant 0.999999582 : f32
      %add3A_293 = vector.broadcast %add3A_292 : f32 to vector<16xf32>
      %add3A_294 = arith.addf %mul3A_291, %add3A_293 : vector<16xf32>
      %mul3A_295 = arith.mulf %mul3A_246, %add3A_294 : vector<16xf32>
      %swap3A_296 = arith.index_cast %scan3A_68 : i32 to index
      %swap3A_297 = arith.constant 112 : index
      %swap3A_298 = tpu.vector_load %arg11[%swap3A_296, %swap3A_297] {strides = array<i32>} : memref<128x128xf32, #tpu.memory_space<vmem>>, vector<16xf32>,
      tpu.vector_store %arg11[%swap3A_296, %swap3A_297], %mul3A_295 {strides = array<i32>} : memref<128x128xf32, #tpu.memory_space<vmem>>, vector<16xf32>,
    }
    %scan3A_20 = arith.constant 64 : i32
    %mul3A_21 = arith.constant 1024 : i32
    %mul3A_22 = arith.muli %arg0, %mul3A_21 : i32
    %add3A_23 = arith.addi %mul3A_22, %min3A_15 : i32
    "tpu.region"() ({
      %run_scoped3A = tpu.sem_alloc : memref<!tpu.dma_semaphore, #tpu.memory_space<semaphore_mem>>
      %dma_start3A_68 = arith.constant 0 : i32
      %dma_start3A_69 = arith.constant 0 : i32
      %dma_start3A_70 = tpu.memref_slice %arg11[%dma_start3A_68, %dma_start3A_69] : memref<128x128xf32, #tpu.memory_space<vmem>> -> memref<64x128xf32, #tpu.memory_space<vmem>>
      %dma_start3A_71 = arith.constant 0 : i32
      %dma_start3A_72 = tpu.memref_slice %arg6[%add3A_23, %dma_start3A_71] : memref<2048x128xf32, #tpu.memory_space<hbm>> -> memref<64x128xf32, #tpu.memory_space<hbm>>
      %dma_start3A_73 = arith.constant 0 : i32
      %dma_start3A_74 = tpu.memref_slice %arg6[%add3A_23, %dma_start3A_73] : memref<2048x128xf32, #tpu.memory_space<hbm>> -> memref<64x128xf32, #tpu.memory_space<hbm>>
      %dma_start3A_75 = arith.constant 0 : i32
      %dma_start3A_76 = arith.constant 0 : i32
      %dma_start3A_77 = tpu.memref_slice %arg11[%dma_start3A_75, %dma_start3A_76] : memref<128x128xf32, #tpu.memory_space<vmem>> -> memref<64x128xf32, #tpu.memory_space<vmem>>
      tpu.enqueue_dma source(%dma_start3A_77 : memref<64x128xf32, #tpu.memory_space<vmem>>) target(%dma_start3A_74 : memref<64x128xf32, #tpu.memory_space<hbm>>) target_semaphore(%run_scoped3A : memref<!tpu.dma_semaphore, #tpu.memory_space<semaphore_mem>>)
      %dma_wait3A_78 = arith.constant 0 : i32
      %dma_wait3A_79 = arith.constant 0 : i32
      %dma_wait3A_80 = tpu.memref_slice %arg11[%dma_wait3A_78, %dma_wait3A_79] : memref<128x128xf32, #tpu.memory_space<vmem>> -> memref<64x128xf32, #tpu.memory_space<vmem>>
      %dma_wait3A_81 = arith.constant 0 : i32
      %dma_wait3A_82 = tpu.memref_slice %arg6[%add3A_23, %dma_wait3A_81] : memref<2048x128xf32, #tpu.memory_space<hbm>> -> memref<64x128xf32, #tpu.memory_space<hbm>>
      %dma_wait3A_83 = arith.constant 0 : i32
      %dma_wait3A_84 = tpu.memref_slice %arg6[%add3A_23, %dma_wait3A_83] : memref<2048x128xf32, #tpu.memory_space<hbm>> -> memref<64x128xf32, #tpu.memory_space<hbm>>
      %dma_wait3A_85 = arith.constant 0 : i32
      %dma_wait3A_86 = arith.constant 0 : i32
      %dma_wait3A_87 = tpu.memref_slice %arg11[%dma_wait3A_85, %dma_wait3A_86] : memref<128x128xf32, #tpu.memory_space<vmem>> -> memref<64x128xf32, #tpu.memory_space<vmem>>
      tpu.wait_dma2 semaphore(%run_scoped3A : memref<!tpu.dma_semaphore, #tpu.memory_space<semaphore_mem>>) src(%dma_wait3A_87 : memref<64x128xf32, #tpu.memory_space<vmem>>) dst(%dma_wait3A_84 : memref<64x128xf32, #tpu.memory_space<hbm>>)
      tpu.yield
    }) : () -> ()
    %dma_wait3A = arith.constant 0 : i32
    %dma_wait3A_24 = tpu.memref_slice %arg2[%mul3A_2, %dma_wait3A] : memref<16384x3xi32, #tpu.memory_space<hbm>> -> memref<512x3xi32, #tpu.memory_space<hbm>>
    %dma_wait3A_25 = arith.constant 0 : i32
    %dma_wait3A_26 = tpu.memref_slice %arg2[%mul3A_2, %dma_wait3A_25] : memref<16384x3xi32, #tpu.memory_space<hbm>> -> memref<512x3xi32, #tpu.memory_space<hbm>>
    tpu.wait_dma2 semaphore(%arg17 : memref<!tpu.dma_semaphore, #tpu.memory_space<semaphore_mem>>) src(%dma_wait3A_26 : memref<512x3xi32, #tpu.memory_space<hbm>>) dst(%arg8 : memref<512x3xi32, #tpu.memory_space<vmem>>)
    %mul3A_27 = arith.constant 1024 : i32
    %mul3A_28 = arith.muli %arg0, %mul3A_27 : i32
    %scan3A_29 = arith.constant 0 : i32
    %scan3A_30 = arith.constant 0 : i32
    %scan3A_31 = arith.constant 32 : i32
    %scan3A_32 = arith.addi %scan3A_30, %scan3A_31 : i32
    %scan3A_33 = arith.constant 1 : i32
    scf.for %scan3A_68 = %scan3A_30 to %scan3A_32 step %scan3A_33  : i32 {
      %mul3A_69 = arith.constant 16 : i32
      %mul3A_70 = arith.muli %scan3A_68, %mul3A_69 : i32
      %add3A_71 = vector.broadcast %mul3A_70 : i32 to vector<16xi32>
      %add3A_72 = arith.addi %add3A_71, %iota3A : vector<16xi32>
      %jit3A = arith.constant 4 : i32
      %div3A = arith.divsi %scan3A_68, %jit3A : i32
      %sign3A = arith.constant 0 : i32
      %sign3A_73 = arith.cmpi sgt, %scan3A_68, %sign3A : i32
      %sign3A_74 = arith.extui %sign3A_73 : i1 to i32
      %sign3A_75 = arith.constant 0 : i32
      %sign3A_76 = arith.cmpi slt, %scan3A_68, %sign3A_75 : i32
      %sign3A_77 = arith.extui %sign3A_76 : i1 to i32
      %sign3A_78 = arith.subi %sign3A_74, %sign3A_77 : i32
      %sign3A_79 = arith.constant 0 : i32
      %sign3A_80 = arith.cmpi sgt, %jit3A, %sign3A_79 : i32
      %sign3A_81 = arith.extui %sign3A_80 : i1 to i32
      %sign3A_82 = arith.constant 0 : i32
      %sign3A_83 = arith.cmpi slt, %jit3A, %sign3A_82 : i32
      %sign3A_84 = arith.extui %sign3A_83 : i1 to i32
      %sign3A_85 = arith.subi %sign3A_81, %sign3A_84 : i32
      %ne3A = arith.cmpi ne, %sign3A_78, %sign3A_85 : i32
      %rem3A = arith.remsi %scan3A_68, %jit3A : i32
      %ne3A_86 = arith.constant 0 : i32
      %ne3A_87 = arith.cmpi ne, %rem3A, %ne3A_86 : i32
      %and3A = arith.andi %ne3A, %ne3A_87 : i1
      %sub3A = arith.constant 1 : i32
      %sub3A_88 = arith.subi %div3A, %sub3A : i32
      %select_n3A = arith.select %and3A, %sub3A_88, %div3A : i32
      %mul3A_89 = arith.constant 4 : i32
      %mul3A_90 = arith.muli %select_n3A, %mul3A_89 : i32
      %sub3A_91 = arith.subi %scan3A_68, %mul3A_90 : i32
      %mul3A_92 = arith.constant 2 : i32
      %mul3A_93 = arith.muli %select_n3A, %mul3A_92 : i32
      %mul3A_94 = arith.constant 64 : i32
      %mul3A_95 = arith.muli %mul3A_93, %mul3A_94 : i32
      %mul3A_96 = arith.constant 16 : i32
      %mul3A_97 = arith.muli %sub3A_91, %mul3A_96 : i32
      %add3A_98 = arith.addi %mul3A_95, %mul3A_97 : i32
      %mul3A_99 = arith.constant 2 : i32
      %mul3A_100 = arith.muli %select_n3A, %mul3A_99 : i32
      %mul3A_101 = arith.constant 64 : i32
      %mul3A_102 = arith.muli %mul3A_100, %mul3A_101 : i32
      %add3A_103 = arith.constant 64 : i32
      %add3A_104 = arith.addi %mul3A_102, %add3A_103 : i32
      %mul3A_105 = arith.constant 16 : i32
      %mul3A_106 = arith.muli %sub3A_91, %mul3A_105 : i32
      %add3A_107 = arith.addi %add3A_104, %mul3A_106 : i32
      %gather3A = tpu.vector_load_idx %arg8[%add3A_72, %broadcast_in_dim3A_3] : memref<512x3xi32, #tpu.memory_space<vmem>>[vector<16xi32>, vector<16xi32>], vector<16xi32>,
      %swap3A = arith.index_cast %add3A_98 : i32 to index
      %swap3A_108 = tpu.vector_load %arg9[%swap3A] {strides = array<i32>} : memref<1024xi32, #tpu.memory_space<vmem>>, vector<16xi32>,
      tpu.vector_store %arg9[%swap3A], %gather3A {strides = array<i32>} : memref<1024xi32, #tpu.memory_space<vmem>>, vector<16xi32>,
      %gather3A_109 = tpu.vector_load_idx %arg8[%add3A_72, %add3A_9] : memref<512x3xi32, #tpu.memory_space<vmem>>[vector<16xi32>, vector<16xi32>], vector<16xi32>,
      %swap3A_110 = arith.index_cast %add3A_107 : i32 to index
      %swap3A_111 = tpu.vector_load %arg9[%swap3A_110] {strides = array<i32>} : memref<1024xi32, #tpu.memory_space<vmem>>, vector<16xi32>,
      tpu.vector_store %arg9[%swap3A_110], %gather3A_109 {strides = array<i32>} : memref<1024xi32, #tpu.memory_space<vmem>>, vector<16xi32>,
      %gather3A_112 = tpu.vector_load_idx %arg8[%add3A_72, %add3A_6] : memref<512x3xi32, #tpu.memory_space<vmem>>[vector<16xi32>, vector<16xi32>], vector<16xi32>,
      %add3A_113 = vector.broadcast %mul3A_28 : i32 to vector<16xi32>
      %add3A_114 = arith.addi %gather3A_112, %add3A_113 : vector<16xi32>
      %mul3A_115 = arith.constant 16 : i32
      %mul3A_116 = arith.muli %scan3A_68, %mul3A_115 : i32
      %swap3A_117 = arith.index_cast %mul3A_116 : i32 to index
      %swap3A_118 = tpu.vector_load %arg10[%swap3A_117] {strides = array<i32>} : memref<512xi32, #tpu.memory_space<vmem>>, vector<16xi32>,
      tpu.vector_store %arg10[%swap3A_117], %add3A_114 {strides = array<i32>} : memref<512xi32, #tpu.memory_space<vmem>>, vector<16xi32>,
    }
    %scan3A_34 = arith.constant 32 : i32
    %barrier3A = arith.constant 0 : index
    tpu.barrier barrier_id(%barrier3A)
    %min3A_35 = arith.constant 0 : i32
    %min3A_36 = arith.constant 7 : i32
    %min3A_37 = arith.minsi %min3A_35, %min3A_36 : i32
    %mul3A_38 = arith.constant 2 : i32
    %mul3A_39 = arith.muli %min3A_37, %mul3A_38 : i32
    %mul3A_40 = arith.constant 64 : i32
    %mul3A_41 = arith.muli %mul3A_39, %mul3A_40 : i32
    %dma_start3A_42 = tpu.memref_slice %arg9[%mul3A_41] : memref<1024xi32, #tpu.memory_space<vmem>> -> memref<128xi32, #tpu.memory_space<vmem>>
    %dma_start3A_43 = arith.constant 0 : i32
    %dma_start3A_44 = arith.constant 0 : i32
    %dma_start3A_45 = tpu.memref_slice %arg3[%dma_start3A_43, %dma_start3A_44] : memref<1000000x128xf32, #tpu.memory_space<hbm>> -> memref<1000000x128xf32, #tpu.memory_space<hbm>>
    tpu.enqueue_indirect_dma source(%dma_start3A_45 : memref<1000000x128xf32, #tpu.memory_space<hbm>>) target(%arg11 : memref<128x128xf32, #tpu.memory_space<vmem>>) offsets(%dma_start3A_42 : memref<128xi32, #tpu.memory_space<vmem>>) semaphore(%arg16 : memref<!tpu.dma_semaphore, #tpu.memory_space<semaphore_mem>>)
    %mul3A_46 = arith.constant 64 : i32
    %mul3A_47 = arith.muli %min3A_37, %mul3A_46 : i32
    %dma_start3A_48 = tpu.memref_slice %arg10[%mul3A_47] : memref<512xi32, #tpu.memory_space<vmem>> -> memref<64xi32, #tpu.memory_space<vmem>>
    %dma_start3A_49 = arith.constant 0 : i32
    %dma_start3A_50 = arith.constant 0 : i32
    %dma_start3A_51 = tpu.memref_slice %arg6[%dma_start3A_49, %dma_start3A_50] : memref<2048x128xf32, #tpu.memory_space<hbm>> -> memref<2048x128xf32, #tpu.memory_space<hbm>>
    tpu.enqueue_indirect_dma source(%dma_start3A_51 : memref<2048x128xf32, #tpu.memory_space<hbm>>) target(%arg13 : memref<64x128xf32, #tpu.memory_space<vmem>>) offsets(%dma_start3A_48 : memref<64xi32, #tpu.memory_space<vmem>>) semaphore(%arg16 : memref<!tpu.dma_semaphore, #tpu.memory_space<semaphore_mem>>)
    %scan3A_52 = arith.constant 0 : i32
    %scan3A_53 = arith.constant 0 : i32
    %scan3A_54 = arith.constant 4 : i32
    %scan3A_55 = arith.addi %scan3A_53, %scan3A_54 : i32
    %scan3A_56 = arith.constant 1 : i32
    scf.for %scan3A_68 = %scan3A_53 to %scan3A_55 step %scan3A_56  : i32 {
      %mul3A_69 = arith.constant 2 : i32
      %mul3A_70 = arith.muli %mul3A_69, %scan3A_68 : i32
      %add3A_71 = arith.constant 1 : i32
      %add3A_72 = arith.addi %mul3A_70, %add3A_71 : i32
      %min3A_73 = arith.constant 7 : i32
      %min3A_74 = arith.minsi %add3A_72, %min3A_73 : i32
      %mul3A_75 = arith.constant 2 : i32
      %mul3A_76 = arith.muli %min3A_74, %mul3A_75 : i32
      %mul3A_77 = arith.constant 64 : i32
      %mul3A_78 = arith.muli %mul3A_76, %mul3A_77 : i32
      %dma_start3A_79 = tpu.memref_slice %arg9[%mul3A_78] : memref<1024xi32, #tpu.memory_space<vmem>> -> memref<128xi32, #tpu.memory_space<vmem>>
      %dma_start3A_80 = arith.constant 0 : i32
      %dma_start3A_81 = arith.constant 0 : i32
      %dma_start3A_82 = tpu.memref_slice %arg3[%dma_start3A_80, %dma_start3A_81] : memref<1000000x128xf32, #tpu.memory_space<hbm>> -> memref<1000000x128xf32, #tpu.memory_space<hbm>>
      tpu.enqueue_indirect_dma source(%dma_start3A_82 : memref<1000000x128xf32, #tpu.memory_space<hbm>>) target(%arg12 : memref<128x128xf32, #tpu.memory_space<vmem>>) offsets(%dma_start3A_79 : memref<128xi32, #tpu.memory_space<vmem>>) semaphore(%arg17 : memref<!tpu.dma_semaphore, #tpu.memory_space<semaphore_mem>>)
      %mul3A_83 = arith.constant 64 : i32
      %mul3A_84 = arith.muli %min3A_74, %mul3A_83 : i32
      %dma_start3A_85 = tpu.memref_slice %arg10[%mul3A_84] : memref<512xi32, #tpu.memory_space<vmem>> -> memref<64xi32, #tpu.memory_space<vmem>>
      %dma_start3A_86 = arith.constant 0 : i32
      %dma_start3A_87 = arith.constant 0 : i32
      %dma_start3A_88 = tpu.memref_slice %arg6[%dma_start3A_86, %dma_start3A_87] : memref<2048x128xf32, #tpu.memory_space<hbm>> -> memref<2048x128xf32, #tpu.memory_space<hbm>>
      tpu.enqueue_indirect_dma source(%dma_start3A_88 : memref<2048x128xf32, #tpu.memory_space<hbm>>) target(%arg14 : memref<64x128xf32, #tpu.memory_space<vmem>>) offsets(%dma_start3A_85 : memref<64xi32, #tpu.memory_space<vmem>>) semaphore(%arg17 : memref<!tpu.dma_semaphore, #tpu.memory_space<semaphore_mem>>)
      %dma_wait3A_89 = arith.constant 0 : i32
      %dma_wait3A_90 = tpu.memref_slice %arg9[%dma_wait3A_89] : memref<1024xi32, #tpu.memory_space<vmem>> -> memref<128xi32, #tpu.memory_space<vmem>>
      %dma_wait3A_91 = arith.constant 0 : i32
      %dma_wait3A_92 = arith.constant 0 : i32
      %dma_wait3A_93 = tpu.memref_slice %arg3[%dma_wait3A_91, %dma_wait3A_92] : memref<1000000x128xf32, #tpu.memory_space<hbm>> -> memref<1000000x128xf32, #tpu.memory_space<hbm>>
      tpu.wait_indirect_dma semaphore(%arg16 : memref<!tpu.dma_semaphore, #tpu.memory_space<semaphore_mem>>) src(%dma_wait3A_93 : memref<1000000x128xf32, #tpu.memory_space<hbm>>) dst(%arg11 : memref<128x128xf32, #tpu.memory_space<vmem>>)
      %dma_wait3A_94 = arith.constant 0 : i32
      %dma_wait3A_95 = tpu.memref_slice %arg10[%dma_wait3A_94] : memref<512xi32, #tpu.memory_space<vmem>> -> memref<64xi32, #tpu.memory_space<vmem>>
      %dma_wait3A_96 = arith.constant 0 : i32
      %dma_wait3A_97 = arith.constant 0 : i32
      %dma_wait3A_98 = tpu.memref_slice %arg6[%dma_wait3A_96, %dma_wait3A_97] : memref<2048x128xf32, #tpu.memory_space<hbm>> -> memref<2048x128xf32, #tpu.memory_space<hbm>>
      tpu.wait_indirect_dma semaphore(%arg16 : memref<!tpu.dma_semaphore, #tpu.memory_space<semaphore_mem>>) src(%dma_wait3A_98 : memref<2048x128xf32, #tpu.memory_space<hbm>>) dst(%arg13 : memref<64x128xf32, #tpu.memory_space<vmem>>)
      %parallel_loop3A = arith.constant 0 : i32
      %parallel_loop3A_99 = arith.constant 4 : i32
      %parallel_loop3A_100 = arith.constant 1 : i32
      scf.for %parallel_loop3A_134 = %parallel_loop3A to %parallel_loop3A_99 step %parallel_loop3A_100  : i32 {
        %parallel_loop3A_135 = arith.constant 0.000000e+00 : f32
        %parallel_loop3A_136 = vector.broadcast %parallel_loop3A_135 : f32 to vector<16xf32>
        %parallel_loop3A_137 = arith.constant 0 : i32
        %parallel_loop3A_138 = arith.constant 16 : i32
        %parallel_loop3A_139 = arith.addi %parallel_loop3A_137, %parallel_loop3A_138 : i32
        %parallel_loop3A_140 = arith.constant 2 : i32
        %parallel_loop3A_141 = scf.for %scan3A_150 = %parallel_loop3A_137 to %parallel_loop3A_139 step %parallel_loop3A_140 iter_args(%scan3A_151 = %parallel_loop3A_136) -> (vector<16xf32>)  : i32 {
          %parallel_loop3A_152 = arith.constant 16 : i32
          %parallel_loop3A_153 = arith.muli %parallel_loop3A_134, %parallel_loop3A_152 : i32
          %parallel_loop3A_154 = arith.addi %parallel_loop3A_153, %scan3A_150 : i32
          %parallel_loop3A_155 = arith.constant 0.000000e+00 : f32
          %parallel_loop3A_156 = vector.broadcast %parallel_loop3A_155 : f32 to vector<16xf32>
          %parallel_loop3A_157 = arith.index_cast %parallel_loop3A_154 : i32 to index
          %parallel_loop3A_158 = arith.constant 0 : index
          %parallel_loop3A_159 = tpu.vector_load %arg11[%parallel_loop3A_157, %parallel_loop3A_158] {strides = array<i32>} : memref<128x128xf32, #tpu.memory_space<vmem>>, vector<16xf32>,
          %parallel_loop3A_160 = arith.index_cast %parallel_loop3A_154 : i32 to index
          %parallel_loop3A_161 = arith.constant 64 : index
          %parallel_loop3A_162 = tpu.vector_load %arg11[%parallel_loop3A_160, %parallel_loop3A_161] {strides = array<i32>} : memref<128x128xf32, #tpu.memory_space<vmem>>, vector<16xf32>,
          %parallel_loop3A_163 = arith.constant 64 : i32
          %parallel_loop3A_164 = arith.addi %parallel_loop3A_163, %parallel_loop3A_154 : i32
          %parallel_loop3A_165 = arith.index_cast %parallel_loop3A_164 : i32 to index
          %parallel_loop3A_166 = arith.constant 0 : index
          %parallel_loop3A_167 = tpu.vector_load %arg11[%parallel_loop3A_165, %parallel_loop3A_166] {strides = array<i32>} : memref<128x128xf32, #tpu.memory_space<vmem>>, vector<16xf32>,
          %parallel_loop3A_168 = arith.constant 64 : i32
          %parallel_loop3A_169 = arith.addi %parallel_loop3A_168, %parallel_loop3A_154 : i32
          %parallel_loop3A_170 = arith.index_cast %parallel_loop3A_169 : i32 to index
          %parallel_loop3A_171 = arith.constant 64 : index
          %parallel_loop3A_172 = tpu.vector_load %arg11[%parallel_loop3A_170, %parallel_loop3A_171] {strides = array<i32>} : memref<128x128xf32, #tpu.memory_space<vmem>>, vector<16xf32>,
          %parallel_loop3A_173 = arith.index_cast %parallel_loop3A_154 : i32 to index
          %parallel_loop3A_174 = arith.constant 0 : index
          %parallel_loop3A_175 = tpu.vector_load %arg13[%parallel_loop3A_173, %parallel_loop3A_174] {strides = array<i32>} : memref<64x128xf32, #tpu.memory_space<vmem>>, vector<16xf32>,
          %parallel_loop3A_176 = arith.index_cast %parallel_loop3A_154 : i32 to index
          %parallel_loop3A_177 = arith.constant 64 : index
          %parallel_loop3A_178 = tpu.vector_load %arg13[%parallel_loop3A_176, %parallel_loop3A_177] {strides = array<i32>} : memref<64x128xf32, #tpu.memory_space<vmem>>, vector<16xf32>,
          %parallel_loop3A_179 = arith.mulf %parallel_loop3A_159, %parallel_loop3A_175 : vector<16xf32>
          %parallel_loop3A_180 = arith.mulf %parallel_loop3A_162, %parallel_loop3A_178 : vector<16xf32>
          %parallel_loop3A_181 = arith.subf %parallel_loop3A_179, %parallel_loop3A_180 : vector<16xf32>
          %parallel_loop3A_182 = arith.subf %parallel_loop3A_181, %parallel_loop3A_167 : vector<16xf32>
          %parallel_loop3A_183 = arith.mulf %parallel_loop3A_159, %parallel_loop3A_178 : vector<16xf32>
          %parallel_loop3A_184 = arith.mulf %parallel_loop3A_162, %parallel_loop3A_175 : vector<16xf32>
          %parallel_loop3A_185 = arith.addf %parallel_loop3A_183, %parallel_loop3A_184 : vector<16xf32>
          %parallel_loop3A_186 = arith.subf %parallel_loop3A_185, %parallel_loop3A_172 : vector<16xf32>
          %parallel_loop3A_187 = arith.mulf %parallel_loop3A_182, %parallel_loop3A_182 : vector<16xf32>
          %parallel_loop3A_188 = arith.mulf %parallel_loop3A_186, %parallel_loop3A_186 : vector<16xf32>
          %parallel_loop3A_189 = arith.addf %parallel_loop3A_187, %parallel_loop3A_188 : vector<16xf32>
          %parallel_loop3A_190 = tpu.bitcast %parallel_loop3A_189 : vector<16xf32> -> vector<16xi32>
          %parallel_loop3A_191 = arith.constant 1 : i32
          %parallel_loop3A_192 = vector.broadcast %parallel_loop3A_191 : i32 to vector<16xi32>
          %parallel_loop3A_193 = arith.shrsi %parallel_loop3A_190, %parallel_loop3A_192 : vector<16xi32>
          %parallel_loop3A_194 = arith.constant 1597463007 : i32
          %parallel_loop3A_195 = vector.broadcast %parallel_loop3A_194 : i32 to vector<16xi32>
          %parallel_loop3A_196 = arith.subi %parallel_loop3A_195, %parallel_loop3A_193 : vector<16xi32>
          %parallel_loop3A_197 = tpu.bitcast %parallel_loop3A_196 : vector<16xi32> -> vector<16xf32>
          %parallel_loop3A_198 = arith.constant 5.000000e-01 : f32
          %parallel_loop3A_199 = vector.broadcast %parallel_loop3A_198 : f32 to vector<16xf32>
          %parallel_loop3A_200 = arith.mulf %parallel_loop3A_199, %parallel_loop3A_189 : vector<16xf32>
          %parallel_loop3A_201 = arith.mulf %parallel_loop3A_200, %parallel_loop3A_197 : vector<16xf32>
          %parallel_loop3A_202 = arith.mulf %parallel_loop3A_201, %parallel_loop3A_197 : vector<16xf32>
          %parallel_loop3A_203 = arith.constant 1.500000e+00 : f32
          %parallel_loop3A_204 = vector.broadcast %parallel_loop3A_203 : f32 to vector<16xf32>
          %parallel_loop3A_205 = arith.subf %parallel_loop3A_204, %parallel_loop3A_202 : vector<16xf32>
          %parallel_loop3A_206 = arith.mulf %parallel_loop3A_197, %parallel_loop3A_205 : vector<16xf32>
          %parallel_loop3A_207 = arith.mulf %parallel_loop3A_200, %parallel_loop3A_206 : vector<16xf32>
          %parallel_loop3A_208 = arith.mulf %parallel_loop3A_207, %parallel_loop3A_206 : vector<16xf32>
          %parallel_loop3A_209 = arith.constant 1.500000e+00 : f32
          %parallel_loop3A_210 = vector.broadcast %parallel_loop3A_209 : f32 to vector<16xf32>
          %parallel_loop3A_211 = arith.subf %parallel_loop3A_210, %parallel_loop3A_208 : vector<16xf32>
          %parallel_loop3A_212 = arith.mulf %parallel_loop3A_206, %parallel_loop3A_211 : vector<16xf32>
          %parallel_loop3A_213 = arith.mulf %parallel_loop3A_189, %parallel_loop3A_212 : vector<16xf32>
          %parallel_loop3A_214 = arith.addf %parallel_loop3A_156, %parallel_loop3A_213 : vector<16xf32>
          %parallel_loop3A_215 = arith.index_cast %parallel_loop3A_154 : i32 to index
          %parallel_loop3A_216 = arith.constant 16 : index
          %parallel_loop3A_217 = tpu.vector_load %arg11[%parallel_loop3A_215, %parallel_loop3A_216] {strides = array<i32>} : memref<128x128xf32, #tpu.memory_space<vmem>>, vector<16xf32>,
          %parallel_loop3A_218 = arith.index_cast %parallel_loop3A_154 : i32 to index
          %parallel_loop3A_219 = arith.constant 80 : index
          %parallel_loop3A_220 = tpu.vector_load %arg11[%parallel_loop3A_218, %parallel_loop3A_219] {strides = array<i32>} : memref<128x128xf32, #tpu.memory_space<vmem>>, vector<16xf32>,
          %parallel_loop3A_221 = arith.constant 64 : i32
          %parallel_loop3A_222 = arith.addi %parallel_loop3A_221, %parallel_loop3A_154 : i32
          %parallel_loop3A_223 = arith.index_cast %parallel_loop3A_222 : i32 to index
          %parallel_loop3A_224 = arith.constant 16 : index
          %parallel_loop3A_225 = tpu.vector_load %arg11[%parallel_loop3A_223, %parallel_loop3A_224] {strides = array<i32>} : memref<128x128xf32, #tpu.memory_space<vmem>>, vector<16xf32>,
          %parallel_loop3A_226 = arith.constant 64 : i32
          %parallel_loop3A_227 = arith.addi %parallel_loop3A_226, %parallel_loop3A_154 : i32
          %parallel_loop3A_228 = arith.index_cast %parallel_loop3A_227 : i32 to index
          %parallel_loop3A_229 = arith.constant 80 : index
          %parallel_loop3A_230 = tpu.vector_load %arg11[%parallel_loop3A_228, %parallel_loop3A_229] {strides = array<i32>} : memref<128x128xf32, #tpu.memory_space<vmem>>, vector<16xf32>,
          %parallel_loop3A_231 = arith.index_cast %parallel_loop3A_154 : i32 to index
          %parallel_loop3A_232 = arith.constant 16 : index
          %parallel_loop3A_233 = tpu.vector_load %arg13[%parallel_loop3A_231, %parallel_loop3A_232] {strides = array<i32>} : memref<64x128xf32, #tpu.memory_space<vmem>>, vector<16xf32>,
          %parallel_loop3A_234 = arith.index_cast %parallel_loop3A_154 : i32 to index
          %parallel_loop3A_235 = arith.constant 80 : index
          %parallel_loop3A_236 = tpu.vector_load %arg13[%parallel_loop3A_234, %parallel_loop3A_235] {strides = array<i32>} : memref<64x128xf32, #tpu.memory_space<vmem>>, vector<16xf32>,
          %parallel_loop3A_237 = arith.mulf %parallel_loop3A_217, %parallel_loop3A_233 : vector<16xf32>
          %parallel_loop3A_238 = arith.mulf %parallel_loop3A_220, %parallel_loop3A_236 : vector<16xf32>
          %parallel_loop3A_239 = arith.subf %parallel_loop3A_237, %parallel_loop3A_238 : vector<16xf32>
          %parallel_loop3A_240 = arith.subf %parallel_loop3A_239, %parallel_loop3A_225 : vector<16xf32>
          %parallel_loop3A_241 = arith.mulf %parallel_loop3A_217, %parallel_loop3A_236 : vector<16xf32>
          %parallel_loop3A_242 = arith.mulf %parallel_loop3A_220, %parallel_loop3A_233 : vector<16xf32>
          %parallel_loop3A_243 = arith.addf %parallel_loop3A_241, %parallel_loop3A_242 : vector<16xf32>
          %parallel_loop3A_244 = arith.subf %parallel_loop3A_243, %parallel_loop3A_230 : vector<16xf32>
          %parallel_loop3A_245 = arith.mulf %parallel_loop3A_240, %parallel_loop3A_240 : vector<16xf32>
          %parallel_loop3A_246 = arith.mulf %parallel_loop3A_244, %parallel_loop3A_244 : vector<16xf32>
          %parallel_loop3A_247 = arith.addf %parallel_loop3A_245, %parallel_loop3A_246 : vector<16xf32>
          %parallel_loop3A_248 = tpu.bitcast %parallel_loop3A_247 : vector<16xf32> -> vector<16xi32>
          %parallel_loop3A_249 = arith.constant 1 : i32
          %parallel_loop3A_250 = vector.broadcast %parallel_loop3A_249 : i32 to vector<16xi32>
          %parallel_loop3A_251 = arith.shrsi %parallel_loop3A_248, %parallel_loop3A_250 : vector<16xi32>
          %parallel_loop3A_252 = arith.constant 1597463007 : i32
          %parallel_loop3A_253 = vector.broadcast %parallel_loop3A_252 : i32 to vector<16xi32>
          %parallel_loop3A_254 = arith.subi %parallel_loop3A_253, %parallel_loop3A_251 : vector<16xi32>
          %parallel_loop3A_255 = tpu.bitcast %parallel_loop3A_254 : vector<16xi32> -> vector<16xf32>
          %parallel_loop3A_256 = arith.constant 5.000000e-01 : f32
          %parallel_loop3A_257 = vector.broadcast %parallel_loop3A_256 : f32 to vector<16xf32>
          %parallel_loop3A_258 = arith.mulf %parallel_loop3A_257, %parallel_loop3A_247 : vector<16xf32>
          %parallel_loop3A_259 = arith.mulf %parallel_loop3A_258, %parallel_loop3A_255 : vector<16xf32>
          %parallel_loop3A_260 = arith.mulf %parallel_loop3A_259, %parallel_loop3A_255 : vector<16xf32>
          %parallel_loop3A_261 = arith.constant 1.500000e+00 : f32
          %parallel_loop3A_262 = vector.broadcast %parallel_loop3A_261 : f32 to vector<16xf32>
          %parallel_loop3A_263 = arith.subf %parallel_loop3A_262, %parallel_loop3A_260 : vector<16xf32>
          %parallel_loop3A_264 = arith.mulf %parallel_loop3A_255, %parallel_loop3A_263 : vector<16xf32>
          %parallel_loop3A_265 = arith.mulf %parallel_loop3A_258, %parallel_loop3A_264 : vector<16xf32>
          %parallel_loop3A_266 = arith.mulf %parallel_loop3A_265, %parallel_loop3A_264 : vector<16xf32>
          %parallel_loop3A_267 = arith.constant 1.500000e+00 : f32
          %parallel_loop3A_268 = vector.broadcast %parallel_loop3A_267 : f32 to vector<16xf32>
          %parallel_loop3A_269 = arith.subf %parallel_loop3A_268, %parallel_loop3A_266 : vector<16xf32>
          %parallel_loop3A_270 = arith.mulf %parallel_loop3A_264, %parallel_loop3A_269 : vector<16xf32>
          %parallel_loop3A_271 = arith.mulf %parallel_loop3A_247, %parallel_loop3A_270 : vector<16xf32>
          %parallel_loop3A_272 = arith.addf %parallel_loop3A_214, %parallel_loop3A_271 : vector<16xf32>
          %parallel_loop3A_273 = arith.index_cast %parallel_loop3A_154 : i32 to index
          %parallel_loop3A_274 = arith.constant 32 : index
          %parallel_loop3A_275 = tpu.vector_load %arg11[%parallel_loop3A_273, %parallel_loop3A_274] {strides = array<i32>} : memref<128x128xf32, #tpu.memory_space<vmem>>, vector<16xf32>,
          %parallel_loop3A_276 = arith.index_cast %parallel_loop3A_154 : i32 to index
          %parallel_loop3A_277 = arith.constant 96 : index
          %parallel_loop3A_278 = tpu.vector_load %arg11[%parallel_loop3A_276, %parallel_loop3A_277] {strides = array<i32>} : memref<128x128xf32, #tpu.memory_space<vmem>>, vector<16xf32>,
          %parallel_loop3A_279 = arith.constant 64 : i32
          %parallel_loop3A_280 = arith.addi %parallel_loop3A_279, %parallel_loop3A_154 : i32
          %parallel_loop3A_281 = arith.index_cast %parallel_loop3A_280 : i32 to index
          %parallel_loop3A_282 = arith.constant 32 : index
          %parallel_loop3A_283 = tpu.vector_load %arg11[%parallel_loop3A_281, %parallel_loop3A_282] {strides = array<i32>} : memref<128x128xf32, #tpu.memory_space<vmem>>, vector<16xf32>,
          %parallel_loop3A_284 = arith.constant 64 : i32
          %parallel_loop3A_285 = arith.addi %parallel_loop3A_284, %parallel_loop3A_154 : i32
          %parallel_loop3A_286 = arith.index_cast %parallel_loop3A_285 : i32 to index
          %parallel_loop3A_287 = arith.constant 96 : index
          %parallel_loop3A_288 = tpu.vector_load %arg11[%parallel_loop3A_286, %parallel_loop3A_287] {strides = array<i32>} : memref<128x128xf32, #tpu.memory_space<vmem>>, vector<16xf32>,
          %parallel_loop3A_289 = arith.index_cast %parallel_loop3A_154 : i32 to index
          %parallel_loop3A_290 = arith.constant 32 : index
          %parallel_loop3A_291 = tpu.vector_load %arg13[%parallel_loop3A_289, %parallel_loop3A_290] {strides = array<i32>} : memref<64x128xf32, #tpu.memory_space<vmem>>, vector<16xf32>,
          %parallel_loop3A_292 = arith.index_cast %parallel_loop3A_154 : i32 to index
          %parallel_loop3A_293 = arith.constant 96 : index
          %parallel_loop3A_294 = tpu.vector_load %arg13[%parallel_loop3A_292, %parallel_loop3A_293] {strides = array<i32>} : memref<64x128xf32, #tpu.memory_space<vmem>>, vector<16xf32>,
          %parallel_loop3A_295 = arith.mulf %parallel_loop3A_275, %parallel_loop3A_291 : vector<16xf32>
          %parallel_loop3A_296 = arith.mulf %parallel_loop3A_278, %parallel_loop3A_294 : vector<16xf32>
          %parallel_loop3A_297 = arith.subf %parallel_loop3A_295, %parallel_loop3A_296 : vector<16xf32>
          %parallel_loop3A_298 = arith.subf %parallel_loop3A_297, %parallel_loop3A_283 : vector<16xf32>
          %parallel_loop3A_299 = arith.mulf %parallel_loop3A_275, %parallel_loop3A_294 : vector<16xf32>
          %parallel_loop3A_300 = arith.mulf %parallel_loop3A_278, %parallel_loop3A_291 : vector<16xf32>
          %parallel_loop3A_301 = arith.addf %parallel_loop3A_299, %parallel_loop3A_300 : vector<16xf32>
          %parallel_loop3A_302 = arith.subf %parallel_loop3A_301, %parallel_loop3A_288 : vector<16xf32>
          %parallel_loop3A_303 = arith.mulf %parallel_loop3A_298, %parallel_loop3A_298 : vector<16xf32>
          %parallel_loop3A_304 = arith.mulf %parallel_loop3A_302, %parallel_loop3A_302 : vector<16xf32>
          %parallel_loop3A_305 = arith.addf %parallel_loop3A_303, %parallel_loop3A_304 : vector<16xf32>
          %parallel_loop3A_306 = tpu.bitcast %parallel_loop3A_305 : vector<16xf32> -> vector<16xi32>
          %parallel_loop3A_307 = arith.constant 1 : i32
          %parallel_loop3A_308 = vector.broadcast %parallel_loop3A_307 : i32 to vector<16xi32>
          %parallel_loop3A_309 = arith.shrsi %parallel_loop3A_306, %parallel_loop3A_308 : vector<16xi32>
          %parallel_loop3A_310 = arith.constant 1597463007 : i32
          %parallel_loop3A_311 = vector.broadcast %parallel_loop3A_310 : i32 to vector<16xi32>
          %parallel_loop3A_312 = arith.subi %parallel_loop3A_311, %parallel_loop3A_309 : vector<16xi32>
          %parallel_loop3A_313 = tpu.bitcast %parallel_loop3A_312 : vector<16xi32> -> vector<16xf32>
          %parallel_loop3A_314 = arith.constant 5.000000e-01 : f32
          %parallel_loop3A_315 = vector.broadcast %parallel_loop3A_314 : f32 to vector<16xf32>
          %parallel_loop3A_316 = arith.mulf %parallel_loop3A_315, %parallel_loop3A_305 : vector<16xf32>
          %parallel_loop3A_317 = arith.mulf %parallel_loop3A_316, %parallel_loop3A_313 : vector<16xf32>
          %parallel_loop3A_318 = arith.mulf %parallel_loop3A_317, %parallel_loop3A_313 : vector<16xf32>
          %parallel_loop3A_319 = arith.constant 1.500000e+00 : f32
          %parallel_loop3A_320 = vector.broadcast %parallel_loop3A_319 : f32 to vector<16xf32>
          %parallel_loop3A_321 = arith.subf %parallel_loop3A_320, %parallel_loop3A_318 : vector<16xf32>
          %parallel_loop3A_322 = arith.mulf %parallel_loop3A_313, %parallel_loop3A_321 : vector<16xf32>
          %parallel_loop3A_323 = arith.mulf %parallel_loop3A_316, %parallel_loop3A_322 : vector<16xf32>
          %parallel_loop3A_324 = arith.mulf %parallel_loop3A_323, %parallel_loop3A_322 : vector<16xf32>
          %parallel_loop3A_325 = arith.constant 1.500000e+00 : f32
          %parallel_loop3A_326 = vector.broadcast %parallel_loop3A_325 : f32 to vector<16xf32>
          %parallel_loop3A_327 = arith.subf %parallel_loop3A_326, %parallel_loop3A_324 : vector<16xf32>
          %parallel_loop3A_328 = arith.mulf %parallel_loop3A_322, %parallel_loop3A_327 : vector<16xf32>
          %parallel_loop3A_329 = arith.mulf %parallel_loop3A_305, %parallel_loop3A_328 : vector<16xf32>
          %parallel_loop3A_330 = arith.addf %parallel_loop3A_272, %parallel_loop3A_329 : vector<16xf32>
          %parallel_loop3A_331 = arith.index_cast %parallel_loop3A_154 : i32 to index
          %parallel_loop3A_332 = arith.constant 48 : index
          %parallel_loop3A_333 = tpu.vector_load %arg11[%parallel_loop3A_331, %parallel_loop3A_332] {strides = array<i32>} : memref<128x128xf32, #tpu.memory_space<vmem>>, vector<16xf32>,
          %parallel_loop3A_334 = arith.index_cast %parallel_loop3A_154 : i32 to index
          %parallel_loop3A_335 = arith.constant 112 : index
          %parallel_loop3A_336 = tpu.vector_load %arg11[%parallel_loop3A_334, %parallel_loop3A_335] {strides = array<i32>} : memref<128x128xf32, #tpu.memory_space<vmem>>, vector<16xf32>,
          %parallel_loop3A_337 = arith.constant 64 : i32
          %parallel_loop3A_338 = arith.addi %parallel_loop3A_337, %parallel_loop3A_154 : i32
          %parallel_loop3A_339 = arith.index_cast %parallel_loop3A_338 : i32 to index
          %parallel_loop3A_340 = arith.constant 48 : index
          %parallel_loop3A_341 = tpu.vector_load %arg11[%parallel_loop3A_339, %parallel_loop3A_340] {strides = array<i32>} : memref<128x128xf32, #tpu.memory_space<vmem>>, vector<16xf32>,
          %parallel_loop3A_342 = arith.constant 64 : i32
          %parallel_loop3A_343 = arith.addi %parallel_loop3A_342, %parallel_loop3A_154 : i32
          %parallel_loop3A_344 = arith.index_cast %parallel_loop3A_343 : i32 to index
          %parallel_loop3A_345 = arith.constant 112 : index
          %parallel_loop3A_346 = tpu.vector_load %arg11[%parallel_loop3A_344, %parallel_loop3A_345] {strides = array<i32>} : memref<128x128xf32, #tpu.memory_space<vmem>>, vector<16xf32>,
          %parallel_loop3A_347 = arith.index_cast %parallel_loop3A_154 : i32 to index
          %parallel_loop3A_348 = arith.constant 48 : index
          %parallel_loop3A_349 = tpu.vector_load %arg13[%parallel_loop3A_347, %parallel_loop3A_348] {strides = array<i32>} : memref<64x128xf32, #tpu.memory_space<vmem>>, vector<16xf32>,
          %parallel_loop3A_350 = arith.index_cast %parallel_loop3A_154 : i32 to index
          %parallel_loop3A_351 = arith.constant 112 : index
          %parallel_loop3A_352 = tpu.vector_load %arg13[%parallel_loop3A_350, %parallel_loop3A_351] {strides = array<i32>} : memref<64x128xf32, #tpu.memory_space<vmem>>, vector<16xf32>,
          %parallel_loop3A_353 = arith.mulf %parallel_loop3A_333, %parallel_loop3A_349 : vector<16xf32>
          %parallel_loop3A_354 = arith.mulf %parallel_loop3A_336, %parallel_loop3A_352 : vector<16xf32>
          %parallel_loop3A_355 = arith.subf %parallel_loop3A_353, %parallel_loop3A_354 : vector<16xf32>
          %parallel_loop3A_356 = arith.subf %parallel_loop3A_355, %parallel_loop3A_341 : vector<16xf32>
          %parallel_loop3A_357 = arith.mulf %parallel_loop3A_333, %parallel_loop3A_352 : vector<16xf32>
          %parallel_loop3A_358 = arith.mulf %parallel_loop3A_336, %parallel_loop3A_349 : vector<16xf32>
          %parallel_loop3A_359 = arith.addf %parallel_loop3A_357, %parallel_loop3A_358 : vector<16xf32>
          %parallel_loop3A_360 = arith.subf %parallel_loop3A_359, %parallel_loop3A_346 : vector<16xf32>
          %parallel_loop3A_361 = arith.mulf %parallel_loop3A_356, %parallel_loop3A_356 : vector<16xf32>
          %parallel_loop3A_362 = arith.mulf %parallel_loop3A_360, %parallel_loop3A_360 : vector<16xf32>
          %parallel_loop3A_363 = arith.addf %parallel_loop3A_361, %parallel_loop3A_362 : vector<16xf32>
          %parallel_loop3A_364 = tpu.bitcast %parallel_loop3A_363 : vector<16xf32> -> vector<16xi32>
          %parallel_loop3A_365 = arith.constant 1 : i32
          %parallel_loop3A_366 = vector.broadcast %parallel_loop3A_365 : i32 to vector<16xi32>
          %parallel_loop3A_367 = arith.shrsi %parallel_loop3A_364, %parallel_loop3A_366 : vector<16xi32>
          %parallel_loop3A_368 = arith.constant 1597463007 : i32
          %parallel_loop3A_369 = vector.broadcast %parallel_loop3A_368 : i32 to vector<16xi32>
          %parallel_loop3A_370 = arith.subi %parallel_loop3A_369, %parallel_loop3A_367 : vector<16xi32>
          %parallel_loop3A_371 = tpu.bitcast %parallel_loop3A_370 : vector<16xi32> -> vector<16xf32>
          %parallel_loop3A_372 = arith.constant 5.000000e-01 : f32
          %parallel_loop3A_373 = vector.broadcast %parallel_loop3A_372 : f32 to vector<16xf32>
          %parallel_loop3A_374 = arith.mulf %parallel_loop3A_373, %parallel_loop3A_363 : vector<16xf32>
          %parallel_loop3A_375 = arith.mulf %parallel_loop3A_374, %parallel_loop3A_371 : vector<16xf32>
          %parallel_loop3A_376 = arith.mulf %parallel_loop3A_375, %parallel_loop3A_371 : vector<16xf32>
          %parallel_loop3A_377 = arith.constant 1.500000e+00 : f32
          %parallel_loop3A_378 = vector.broadcast %parallel_loop3A_377 : f32 to vector<16xf32>
          %parallel_loop3A_379 = arith.subf %parallel_loop3A_378, %parallel_loop3A_376 : vector<16xf32>
          %parallel_loop3A_380 = arith.mulf %parallel_loop3A_371, %parallel_loop3A_379 : vector<16xf32>
          %parallel_loop3A_381 = arith.mulf %parallel_loop3A_374, %parallel_loop3A_380 : vector<16xf32>
          %parallel_loop3A_382 = arith.mulf %parallel_loop3A_381, %parallel_loop3A_380 : vector<16xf32>
          %parallel_loop3A_383 = arith.constant 1.500000e+00 : f32
          %parallel_loop3A_384 = vector.broadcast %parallel_loop3A_383 : f32 to vector<16xf32>
          %parallel_loop3A_385 = arith.subf %parallel_loop3A_384, %parallel_loop3A_382 : vector<16xf32>
          %parallel_loop3A_386 = arith.mulf %parallel_loop3A_380, %parallel_loop3A_385 : vector<16xf32>
          %parallel_loop3A_387 = arith.mulf %parallel_loop3A_363, %parallel_loop3A_386 : vector<16xf32>
          %parallel_loop3A_388 = arith.addf %parallel_loop3A_330, %parallel_loop3A_387 : vector<16xf32>
          %parallel_loop3A_389 = arith.constant true
          %parallel_loop3A_390 = vector.broadcast %parallel_loop3A_389 : i1 to vector<16xi1>
          %parallel_loop3A_391 = tpu.scan <sum>, %parallel_loop3A_388 masked %parallel_loop3A_390 : vector<16xf32>, vector<16xi1> -> vector<16xf32>
          %parallel_loop3A_392 = vector.extract %parallel_loop3A_391[15] : f32 from vector<16xf32>
          %parallel_loop3A_393 = arith.constant 1.200000e+01 : f32
          %parallel_loop3A_394 = arith.subf %parallel_loop3A_393, %parallel_loop3A_392 : f32
          %parallel_loop3A_395 = vector.broadcast %scan3A_150 : i32 to vector<16xi32>
          %parallel_loop3A_396 = arith.cmpi eq, %iota3A, %parallel_loop3A_395 : vector<16xi32>
          %parallel_loop3A_397 = vector.broadcast %parallel_loop3A_394 : f32 to vector<16xf32>
          %parallel_loop3A_398 = arith.select %parallel_loop3A_396, %parallel_loop3A_397, %scan3A_151 : vector<16xi1>, vector<16xf32>
          %parallel_loop3A_399 = arith.constant 1 : i32
          %parallel_loop3A_400 = arith.addi %scan3A_150, %parallel_loop3A_399 : i32
          %parallel_loop3A_401 = arith.constant 16 : i32
          %parallel_loop3A_402 = arith.muli %parallel_loop3A_134, %parallel_loop3A_401 : i32
          %parallel_loop3A_403 = arith.addi %parallel_loop3A_402, %parallel_loop3A_400 : i32
          %parallel_loop3A_404 = arith.constant 0.000000e+00 : f32
          %parallel_loop3A_405 = vector.broadcast %parallel_loop3A_404 : f32 to vector<16xf32>
          %parallel_loop3A_406 = arith.index_cast %parallel_loop3A_403 : i32 to index
          %parallel_loop3A_407 = arith.constant 0 : index
          %parallel_loop3A_408 = tpu.vector_load %arg11[%parallel_loop3A_406, %parallel_loop3A_407] {strides = array<i32>} : memref<128x128xf32, #tpu.memory_space<vmem>>, vector<16xf32>,
          %parallel_loop3A_409 = arith.index_cast %parallel_loop3A_403 : i32 to index
          %parallel_loop3A_410 = arith.constant 64 : index
          %parallel_loop3A_411 = tpu.vector_load %arg11[%parallel_loop3A_409, %parallel_loop3A_410] {strides = array<i32>} : memref<128x128xf32, #tpu.memory_space<vmem>>, vector<16xf32>,
          %parallel_loop3A_412 = arith.constant 64 : i32
          %parallel_loop3A_413 = arith.addi %parallel_loop3A_412, %parallel_loop3A_403 : i32
          %parallel_loop3A_414 = arith.index_cast %parallel_loop3A_413 : i32 to index
          %parallel_loop3A_415 = arith.constant 0 : index
          %parallel_loop3A_416 = tpu.vector_load %arg11[%parallel_loop3A_414, %parallel_loop3A_415] {strides = array<i32>} : memref<128x128xf32, #tpu.memory_space<vmem>>, vector<16xf32>,
          %parallel_loop3A_417 = arith.constant 64 : i32
          %parallel_loop3A_418 = arith.addi %parallel_loop3A_417, %parallel_loop3A_403 : i32
          %parallel_loop3A_419 = arith.index_cast %parallel_loop3A_418 : i32 to index
          %parallel_loop3A_420 = arith.constant 64 : index
          %parallel_loop3A_421 = tpu.vector_load %arg11[%parallel_loop3A_419, %parallel_loop3A_420] {strides = array<i32>} : memref<128x128xf32, #tpu.memory_space<vmem>>, vector<16xf32>,
          %parallel_loop3A_422 = arith.index_cast %parallel_loop3A_403 : i32 to index
          %parallel_loop3A_423 = arith.constant 0 : index
          %parallel_loop3A_424 = tpu.vector_load %arg13[%parallel_loop3A_422, %parallel_loop3A_423] {strides = array<i32>} : memref<64x128xf32, #tpu.memory_space<vmem>>, vector<16xf32>,
          %parallel_loop3A_425 = arith.index_cast %parallel_loop3A_403 : i32 to index
          %parallel_loop3A_426 = arith.constant 64 : index
          %parallel_loop3A_427 = tpu.vector_load %arg13[%parallel_loop3A_425, %parallel_loop3A_426] {strides = array<i32>} : memref<64x128xf32, #tpu.memory_space<vmem>>, vector<16xf32>,
          %parallel_loop3A_428 = arith.mulf %parallel_loop3A_408, %parallel_loop3A_424 : vector<16xf32>
          %parallel_loop3A_429 = arith.mulf %parallel_loop3A_411, %parallel_loop3A_427 : vector<16xf32>
          %parallel_loop3A_430 = arith.subf %parallel_loop3A_428, %parallel_loop3A_429 : vector<16xf32>
          %parallel_loop3A_431 = arith.subf %parallel_loop3A_430, %parallel_loop3A_416 : vector<16xf32>
          %parallel_loop3A_432 = arith.mulf %parallel_loop3A_408, %parallel_loop3A_427 : vector<16xf32>
          %parallel_loop3A_433 = arith.mulf %parallel_loop3A_411, %parallel_loop3A_424 : vector<16xf32>
          %parallel_loop3A_434 = arith.addf %parallel_loop3A_432, %parallel_loop3A_433 : vector<16xf32>
          %parallel_loop3A_435 = arith.subf %parallel_loop3A_434, %parallel_loop3A_421 : vector<16xf32>
          %parallel_loop3A_436 = arith.mulf %parallel_loop3A_431, %parallel_loop3A_431 : vector<16xf32>
          %parallel_loop3A_437 = arith.mulf %parallel_loop3A_435, %parallel_loop3A_435 : vector<16xf32>
          %parallel_loop3A_438 = arith.addf %parallel_loop3A_436, %parallel_loop3A_437 : vector<16xf32>
          %parallel_loop3A_439 = tpu.bitcast %parallel_loop3A_438 : vector<16xf32> -> vector<16xi32>
          %parallel_loop3A_440 = arith.constant 1 : i32
          %parallel_loop3A_441 = vector.broadcast %parallel_loop3A_440 : i32 to vector<16xi32>
          %parallel_loop3A_442 = arith.shrsi %parallel_loop3A_439, %parallel_loop3A_441 : vector<16xi32>
          %parallel_loop3A_443 = arith.constant 1597463007 : i32
          %parallel_loop3A_444 = vector.broadcast %parallel_loop3A_443 : i32 to vector<16xi32>
          %parallel_loop3A_445 = arith.subi %parallel_loop3A_444, %parallel_loop3A_442 : vector<16xi32>
          %parallel_loop3A_446 = tpu.bitcast %parallel_loop3A_445 : vector<16xi32> -> vector<16xf32>
          %parallel_loop3A_447 = arith.constant 5.000000e-01 : f32
          %parallel_loop3A_448 = vector.broadcast %parallel_loop3A_447 : f32 to vector<16xf32>
          %parallel_loop3A_449 = arith.mulf %parallel_loop3A_448, %parallel_loop3A_438 : vector<16xf32>
          %parallel_loop3A_450 = arith.mulf %parallel_loop3A_449, %parallel_loop3A_446 : vector<16xf32>
          %parallel_loop3A_451 = arith.mulf %parallel_loop3A_450, %parallel_loop3A_446 : vector<16xf32>
          %parallel_loop3A_452 = arith.constant 1.500000e+00 : f32
          %parallel_loop3A_453 = vector.broadcast %parallel_loop3A_452 : f32 to vector<16xf32>
          %parallel_loop3A_454 = arith.subf %parallel_loop3A_453, %parallel_loop3A_451 : vector<16xf32>
          %parallel_loop3A_455 = arith.mulf %parallel_loop3A_446, %parallel_loop3A_454 : vector<16xf32>
          %parallel_loop3A_456 = arith.mulf %parallel_loop3A_449, %parallel_loop3A_455 : vector<16xf32>
          %parallel_loop3A_457 = arith.mulf %parallel_loop3A_456, %parallel_loop3A_455 : vector<16xf32>
          %parallel_loop3A_458 = arith.constant 1.500000e+00 : f32
          %parallel_loop3A_459 = vector.broadcast %parallel_loop3A_458 : f32 to vector<16xf32>
          %parallel_loop3A_460 = arith.subf %parallel_loop3A_459, %parallel_loop3A_457 : vector<16xf32>
          %parallel_loop3A_461 = arith.mulf %parallel_loop3A_455, %parallel_loop3A_460 : vector<16xf32>
          %parallel_loop3A_462 = arith.mulf %parallel_loop3A_438, %parallel_loop3A_461 : vector<16xf32>
          %parallel_loop3A_463 = arith.addf %parallel_loop3A_405, %parallel_loop3A_462 : vector<16xf32>
          %parallel_loop3A_464 = arith.index_cast %parallel_loop3A_403 : i32 to index
          %parallel_loop3A_465 = arith.constant 16 : index
          %parallel_loop3A_466 = tpu.vector_load %arg11[%parallel_loop3A_464, %parallel_loop3A_465] {strides = array<i32>} : memref<128x128xf32, #tpu.memory_space<vmem>>, vector<16xf32>,
          %parallel_loop3A_467 = arith.index_cast %parallel_loop3A_403 : i32 to index
          %parallel_loop3A_468 = arith.constant 80 : index
          %parallel_loop3A_469 = tpu.vector_load %arg11[%parallel_loop3A_467, %parallel_loop3A_468] {strides = array<i32>} : memref<128x128xf32, #tpu.memory_space<vmem>>, vector<16xf32>,
          %parallel_loop3A_470 = arith.constant 64 : i32
          %parallel_loop3A_471 = arith.addi %parallel_loop3A_470, %parallel_loop3A_403 : i32
          %parallel_loop3A_472 = arith.index_cast %parallel_loop3A_471 : i32 to index
          %parallel_loop3A_473 = arith.constant 16 : index
          %parallel_loop3A_474 = tpu.vector_load %arg11[%parallel_loop3A_472, %parallel_loop3A_473] {strides = array<i32>} : memref<128x128xf32, #tpu.memory_space<vmem>>, vector<16xf32>,
          %parallel_loop3A_475 = arith.constant 64 : i32
          %parallel_loop3A_476 = arith.addi %parallel_loop3A_475, %parallel_loop3A_403 : i32
          %parallel_loop3A_477 = arith.index_cast %parallel_loop3A_476 : i32 to index
          %parallel_loop3A_478 = arith.constant 80 : index
          %parallel_loop3A_479 = tpu.vector_load %arg11[%parallel_loop3A_477, %parallel_loop3A_478] {strides = array<i32>} : memref<128x128xf32, #tpu.memory_space<vmem>>, vector<16xf32>,
          %parallel_loop3A_480 = arith.index_cast %parallel_loop3A_403 : i32 to index
          %parallel_loop3A_481 = arith.constant 16 : index
          %parallel_loop3A_482 = tpu.vector_load %arg13[%parallel_loop3A_480, %parallel_loop3A_481] {strides = array<i32>} : memref<64x128xf32, #tpu.memory_space<vmem>>, vector<16xf32>,
          %parallel_loop3A_483 = arith.index_cast %parallel_loop3A_403 : i32 to index
          %parallel_loop3A_484 = arith.constant 80 : index
          %parallel_loop3A_485 = tpu.vector_load %arg13[%parallel_loop3A_483, %parallel_loop3A_484] {strides = array<i32>} : memref<64x128xf32, #tpu.memory_space<vmem>>, vector<16xf32>,
          %parallel_loop3A_486 = arith.mulf %parallel_loop3A_466, %parallel_loop3A_482 : vector<16xf32>
          %parallel_loop3A_487 = arith.mulf %parallel_loop3A_469, %parallel_loop3A_485 : vector<16xf32>
          %parallel_loop3A_488 = arith.subf %parallel_loop3A_486, %parallel_loop3A_487 : vector<16xf32>
          %parallel_loop3A_489 = arith.subf %parallel_loop3A_488, %parallel_loop3A_474 : vector<16xf32>
          %parallel_loop3A_490 = arith.mulf %parallel_loop3A_466, %parallel_loop3A_485 : vector<16xf32>
          %parallel_loop3A_491 = arith.mulf %parallel_loop3A_469, %parallel_loop3A_482 : vector<16xf32>
          %parallel_loop3A_492 = arith.addf %parallel_loop3A_490, %parallel_loop3A_491 : vector<16xf32>
          %parallel_loop3A_493 = arith.subf %parallel_loop3A_492, %parallel_loop3A_479 : vector<16xf32>
          %parallel_loop3A_494 = arith.mulf %parallel_loop3A_489, %parallel_loop3A_489 : vector<16xf32>
          %parallel_loop3A_495 = arith.mulf %parallel_loop3A_493, %parallel_loop3A_493 : vector<16xf32>
          %parallel_loop3A_496 = arith.addf %parallel_loop3A_494, %parallel_loop3A_495 : vector<16xf32>
          %parallel_loop3A_497 = tpu.bitcast %parallel_loop3A_496 : vector<16xf32> -> vector<16xi32>
          %parallel_loop3A_498 = arith.constant 1 : i32
          %parallel_loop3A_499 = vector.broadcast %parallel_loop3A_498 : i32 to vector<16xi32>
          %parallel_loop3A_500 = arith.shrsi %parallel_loop3A_497, %parallel_loop3A_499 : vector<16xi32>
          %parallel_loop3A_501 = arith.constant 1597463007 : i32
          %parallel_loop3A_502 = vector.broadcast %parallel_loop3A_501 : i32 to vector<16xi32>
          %parallel_loop3A_503 = arith.subi %parallel_loop3A_502, %parallel_loop3A_500 : vector<16xi32>
          %parallel_loop3A_504 = tpu.bitcast %parallel_loop3A_503 : vector<16xi32> -> vector<16xf32>
          %parallel_loop3A_505 = arith.constant 5.000000e-01 : f32
          %parallel_loop3A_506 = vector.broadcast %parallel_loop3A_505 : f32 to vector<16xf32>
          %parallel_loop3A_507 = arith.mulf %parallel_loop3A_506, %parallel_loop3A_496 : vector<16xf32>
          %parallel_loop3A_508 = arith.mulf %parallel_loop3A_507, %parallel_loop3A_504 : vector<16xf32>
          %parallel_loop3A_509 = arith.mulf %parallel_loop3A_508, %parallel_loop3A_504 : vector<16xf32>
          %parallel_loop3A_510 = arith.constant 1.500000e+00 : f32
          %parallel_loop3A_511 = vector.broadcast %parallel_loop3A_510 : f32 to vector<16xf32>
          %parallel_loop3A_512 = arith.subf %parallel_loop3A_511, %parallel_loop3A_509 : vector<16xf32>
          %parallel_loop3A_513 = arith.mulf %parallel_loop3A_504, %parallel_loop3A_512 : vector<16xf32>
          %parallel_loop3A_514 = arith.mulf %parallel_loop3A_507, %parallel_loop3A_513 : vector<16xf32>
          %parallel_loop3A_515 = arith.mulf %parallel_loop3A_514, %parallel_loop3A_513 : vector<16xf32>
          %parallel_loop3A_516 = arith.constant 1.500000e+00 : f32
          %parallel_loop3A_517 = vector.broadcast %parallel_loop3A_516 : f32 to vector<16xf32>
          %parallel_loop3A_518 = arith.subf %parallel_loop3A_517, %parallel_loop3A_515 : vector<16xf32>
          %parallel_loop3A_519 = arith.mulf %parallel_loop3A_513, %parallel_loop3A_518 : vector<16xf32>
          %parallel_loop3A_520 = arith.mulf %parallel_loop3A_496, %parallel_loop3A_519 : vector<16xf32>
          %parallel_loop3A_521 = arith.addf %parallel_loop3A_463, %parallel_loop3A_520 : vector<16xf32>
          %parallel_loop3A_522 = arith.index_cast %parallel_loop3A_403 : i32 to index
          %parallel_loop3A_523 = arith.constant 32 : index
          %parallel_loop3A_524 = tpu.vector_load %arg11[%parallel_loop3A_522, %parallel_loop3A_523] {strides = array<i32>} : memref<128x128xf32, #tpu.memory_space<vmem>>, vector<16xf32>,
          %parallel_loop3A_525 = arith.index_cast %parallel_loop3A_403 : i32 to index
          %parallel_loop3A_526 = arith.constant 96 : index
          %parallel_loop3A_527 = tpu.vector_load %arg11[%parallel_loop3A_525, %parallel_loop3A_526] {strides = array<i32>} : memref<128x128xf32, #tpu.memory_space<vmem>>, vector<16xf32>,
          %parallel_loop3A_528 = arith.constant 64 : i32
          %parallel_loop3A_529 = arith.addi %parallel_loop3A_528, %parallel_loop3A_403 : i32
          %parallel_loop3A_530 = arith.index_cast %parallel_loop3A_529 : i32 to index
          %parallel_loop3A_531 = arith.constant 32 : index
          %parallel_loop3A_532 = tpu.vector_load %arg11[%parallel_loop3A_530, %parallel_loop3A_531] {strides = array<i32>} : memref<128x128xf32, #tpu.memory_space<vmem>>, vector<16xf32>,
          %parallel_loop3A_533 = arith.constant 64 : i32
          %parallel_loop3A_534 = arith.addi %parallel_loop3A_533, %parallel_loop3A_403 : i32
          %parallel_loop3A_535 = arith.index_cast %parallel_loop3A_534 : i32 to index
          %parallel_loop3A_536 = arith.constant 96 : index
          %parallel_loop3A_537 = tpu.vector_load %arg11[%parallel_loop3A_535, %parallel_loop3A_536] {strides = array<i32>} : memref<128x128xf32, #tpu.memory_space<vmem>>, vector<16xf32>,
          %parallel_loop3A_538 = arith.index_cast %parallel_loop3A_403 : i32 to index
          %parallel_loop3A_539 = arith.constant 32 : index
          %parallel_loop3A_540 = tpu.vector_load %arg13[%parallel_loop3A_538, %parallel_loop3A_539] {strides = array<i32>} : memref<64x128xf32, #tpu.memory_space<vmem>>, vector<16xf32>,
          %parallel_loop3A_541 = arith.index_cast %parallel_loop3A_403 : i32 to index
          %parallel_loop3A_542 = arith.constant 96 : index
          %parallel_loop3A_543 = tpu.vector_load %arg13[%parallel_loop3A_541, %parallel_loop3A_542] {strides = array<i32>} : memref<64x128xf32, #tpu.memory_space<vmem>>, vector<16xf32>,
          %parallel_loop3A_544 = arith.mulf %parallel_loop3A_524, %parallel_loop3A_540 : vector<16xf32>
          %parallel_loop3A_545 = arith.mulf %parallel_loop3A_527, %parallel_loop3A_543 : vector<16xf32>
          %parallel_loop3A_546 = arith.subf %parallel_loop3A_544, %parallel_loop3A_545 : vector<16xf32>
          %parallel_loop3A_547 = arith.subf %parallel_loop3A_546, %parallel_loop3A_532 : vector<16xf32>
          %parallel_loop3A_548 = arith.mulf %parallel_loop3A_524, %parallel_loop3A_543 : vector<16xf32>
          %parallel_loop3A_549 = arith.mulf %parallel_loop3A_527, %parallel_loop3A_540 : vector<16xf32>
          %parallel_loop3A_550 = arith.addf %parallel_loop3A_548, %parallel_loop3A_549 : vector<16xf32>
          %parallel_loop3A_551 = arith.subf %parallel_loop3A_550, %parallel_loop3A_537 : vector<16xf32>
          %parallel_loop3A_552 = arith.mulf %parallel_loop3A_547, %parallel_loop3A_547 : vector<16xf32>
          %parallel_loop3A_553 = arith.mulf %parallel_loop3A_551, %parallel_loop3A_551 : vector<16xf32>
          %parallel_loop3A_554 = arith.addf %parallel_loop3A_552, %parallel_loop3A_553 : vector<16xf32>
          %parallel_loop3A_555 = tpu.bitcast %parallel_loop3A_554 : vector<16xf32> -> vector<16xi32>
          %parallel_loop3A_556 = arith.constant 1 : i32
          %parallel_loop3A_557 = vector.broadcast %parallel_loop3A_556 : i32 to vector<16xi32>
          %parallel_loop3A_558 = arith.shrsi %parallel_loop3A_555, %parallel_loop3A_557 : vector<16xi32>
          %parallel_loop3A_559 = arith.constant 1597463007 : i32
          %parallel_loop3A_560 = vector.broadcast %parallel_loop3A_559 : i32 to vector<16xi32>
          %parallel_loop3A_561 = arith.subi %parallel_loop3A_560, %parallel_loop3A_558 : vector<16xi32>
          %parallel_loop3A_562 = tpu.bitcast %parallel_loop3A_561 : vector<16xi32> -> vector<16xf32>
          %parallel_loop3A_563 = arith.constant 5.000000e-01 : f32
          %parallel_loop3A_564 = vector.broadcast %parallel_loop3A_563 : f32 to vector<16xf32>
          %parallel_loop3A_565 = arith.mulf %parallel_loop3A_564, %parallel_loop3A_554 : vector<16xf32>
          %parallel_loop3A_566 = arith.mulf %parallel_loop3A_565, %parallel_loop3A_562 : vector<16xf32>
          %parallel_loop3A_567 = arith.mulf %parallel_loop3A_566, %parallel_loop3A_562 : vector<16xf32>
          %parallel_loop3A_568 = arith.constant 1.500000e+00 : f32
          %parallel_loop3A_569 = vector.broadcast %parallel_loop3A_568 : f32 to vector<16xf32>
          %parallel_loop3A_570 = arith.subf %parallel_loop3A_569, %parallel_loop3A_567 : vector<16xf32>
          %parallel_loop3A_571 = arith.mulf %parallel_loop3A_562, %parallel_loop3A_570 : vector<16xf32>
          %parallel_loop3A_572 = arith.mulf %parallel_loop3A_565, %parallel_loop3A_571 : vector<16xf32>
          %parallel_loop3A_573 = arith.mulf %parallel_loop3A_572, %parallel_loop3A_571 : vector<16xf32>
          %parallel_loop3A_574 = arith.constant 1.500000e+00 : f32
          %parallel_loop3A_575 = vector.broadcast %parallel_loop3A_574 : f32 to vector<16xf32>
          %parallel_loop3A_576 = arith.subf %parallel_loop3A_575, %parallel_loop3A_573 : vector<16xf32>
          %parallel_loop3A_577 = arith.mulf %parallel_loop3A_571, %parallel_loop3A_576 : vector<16xf32>
          %parallel_loop3A_578 = arith.mulf %parallel_loop3A_554, %parallel_loop3A_577 : vector<16xf32>
          %parallel_loop3A_579 = arith.addf %parallel_loop3A_521, %parallel_loop3A_578 : vector<16xf32>
          %parallel_loop3A_580 = arith.index_cast %parallel_loop3A_403 : i32 to index
          %parallel_loop3A_581 = arith.constant 48 : index
          %parallel_loop3A_582 = tpu.vector_load %arg11[%parallel_loop3A_580, %parallel_loop3A_581] {strides = array<i32>} : memref<128x128xf32, #tpu.memory_space<vmem>>, vector<16xf32>,
          %parallel_loop3A_583 = arith.index_cast %parallel_loop3A_403 : i32 to index
          %parallel_loop3A_584 = arith.constant 112 : index
          %parallel_loop3A_585 = tpu.vector_load %arg11[%parallel_loop3A_583, %parallel_loop3A_584] {strides = array<i32>} : memref<128x128xf32, #tpu.memory_space<vmem>>, vector<16xf32>,
          %parallel_loop3A_586 = arith.constant 64 : i32
          %parallel_loop3A_587 = arith.addi %parallel_loop3A_586, %parallel_loop3A_403 : i32
          %parallel_loop3A_588 = arith.index_cast %parallel_loop3A_587 : i32 to index
          %parallel_loop3A_589 = arith.constant 48 : index
          %parallel_loop3A_590 = tpu.vector_load %arg11[%parallel_loop3A_588, %parallel_loop3A_589] {strides = array<i32>} : memref<128x128xf32, #tpu.memory_space<vmem>>, vector<16xf32>,
          %parallel_loop3A_591 = arith.constant 64 : i32
          %parallel_loop3A_592 = arith.addi %parallel_loop3A_591, %parallel_loop3A_403 : i32
          %parallel_loop3A_593 = arith.index_cast %parallel_loop3A_592 : i32 to index
          %parallel_loop3A_594 = arith.constant 112 : index
          %parallel_loop3A_595 = tpu.vector_load %arg11[%parallel_loop3A_593, %parallel_loop3A_594] {strides = array<i32>} : memref<128x128xf32, #tpu.memory_space<vmem>>, vector<16xf32>,
          %parallel_loop3A_596 = arith.index_cast %parallel_loop3A_403 : i32 to index
          %parallel_loop3A_597 = arith.constant 48 : index
          %parallel_loop3A_598 = tpu.vector_load %arg13[%parallel_loop3A_596, %parallel_loop3A_597] {strides = array<i32>} : memref<64x128xf32, #tpu.memory_space<vmem>>, vector<16xf32>,
          %parallel_loop3A_599 = arith.index_cast %parallel_loop3A_403 : i32 to index
          %parallel_loop3A_600 = arith.constant 112 : index
          %parallel_loop3A_601 = tpu.vector_load %arg13[%parallel_loop3A_599, %parallel_loop3A_600] {strides = array<i32>} : memref<64x128xf32, #tpu.memory_space<vmem>>, vector<16xf32>,
          %parallel_loop3A_602 = arith.mulf %parallel_loop3A_582, %parallel_loop3A_598 : vector<16xf32>
          %parallel_loop3A_603 = arith.mulf %parallel_loop3A_585, %parallel_loop3A_601 : vector<16xf32>
          %parallel_loop3A_604 = arith.subf %parallel_loop3A_602, %parallel_loop3A_603 : vector<16xf32>
          %parallel_loop3A_605 = arith.subf %parallel_loop3A_604, %parallel_loop3A_590 : vector<16xf32>
          %parallel_loop3A_606 = arith.mulf %parallel_loop3A_582, %parallel_loop3A_601 : vector<16xf32>
          %parallel_loop3A_607 = arith.mulf %parallel_loop3A_585, %parallel_loop3A_598 : vector<16xf32>
          %parallel_loop3A_608 = arith.addf %parallel_loop3A_606, %parallel_loop3A_607 : vector<16xf32>
          %parallel_loop3A_609 = arith.subf %parallel_loop3A_608, %parallel_loop3A_595 : vector<16xf32>
          %parallel_loop3A_610 = arith.mulf %parallel_loop3A_605, %parallel_loop3A_605 : vector<16xf32>
          %parallel_loop3A_611 = arith.mulf %parallel_loop3A_609, %parallel_loop3A_609 : vector<16xf32>
          %parallel_loop3A_612 = arith.addf %parallel_loop3A_610, %parallel_loop3A_611 : vector<16xf32>
          %parallel_loop3A_613 = tpu.bitcast %parallel_loop3A_612 : vector<16xf32> -> vector<16xi32>
          %parallel_loop3A_614 = arith.constant 1 : i32
          %parallel_loop3A_615 = vector.broadcast %parallel_loop3A_614 : i32 to vector<16xi32>
          %parallel_loop3A_616 = arith.shrsi %parallel_loop3A_613, %parallel_loop3A_615 : vector<16xi32>
          %parallel_loop3A_617 = arith.constant 1597463007 : i32
          %parallel_loop3A_618 = vector.broadcast %parallel_loop3A_617 : i32 to vector<16xi32>
          %parallel_loop3A_619 = arith.subi %parallel_loop3A_618, %parallel_loop3A_616 : vector<16xi32>
          %parallel_loop3A_620 = tpu.bitcast %parallel_loop3A_619 : vector<16xi32> -> vector<16xf32>
          %parallel_loop3A_621 = arith.constant 5.000000e-01 : f32
          %parallel_loop3A_622 = vector.broadcast %parallel_loop3A_621 : f32 to vector<16xf32>
          %parallel_loop3A_623 = arith.mulf %parallel_loop3A_622, %parallel_loop3A_612 : vector<16xf32>
          %parallel_loop3A_624 = arith.mulf %parallel_loop3A_623, %parallel_loop3A_620 : vector<16xf32>
          %parallel_loop3A_625 = arith.mulf %parallel_loop3A_624, %parallel_loop3A_620 : vector<16xf32>
          %parallel_loop3A_626 = arith.constant 1.500000e+00 : f32
          %parallel_loop3A_627 = vector.broadcast %parallel_loop3A_626 : f32 to vector<16xf32>
          %parallel_loop3A_628 = arith.subf %parallel_loop3A_627, %parallel_loop3A_625 : vector<16xf32>
          %parallel_loop3A_629 = arith.mulf %parallel_loop3A_620, %parallel_loop3A_628 : vector<16xf32>
          %parallel_loop3A_630 = arith.mulf %parallel_loop3A_623, %parallel_loop3A_629 : vector<16xf32>
          %parallel_loop3A_631 = arith.mulf %parallel_loop3A_630, %parallel_loop3A_629 : vector<16xf32>
          %parallel_loop3A_632 = arith.constant 1.500000e+00 : f32
          %parallel_loop3A_633 = vector.broadcast %parallel_loop3A_632 : f32 to vector<16xf32>
          %parallel_loop3A_634 = arith.subf %parallel_loop3A_633, %parallel_loop3A_631 : vector<16xf32>
          %parallel_loop3A_635 = arith.mulf %parallel_loop3A_629, %parallel_loop3A_634 : vector<16xf32>
          %parallel_loop3A_636 = arith.mulf %parallel_loop3A_612, %parallel_loop3A_635 : vector<16xf32>
          %parallel_loop3A_637 = arith.addf %parallel_loop3A_579, %parallel_loop3A_636 : vector<16xf32>
          %parallel_loop3A_638 = arith.constant true
          %parallel_loop3A_639 = vector.broadcast %parallel_loop3A_638 : i1 to vector<16xi1>
          %parallel_loop3A_640 = tpu.scan <sum>, %parallel_loop3A_637 masked %parallel_loop3A_639 : vector<16xf32>, vector<16xi1> -> vector<16xf32>
          %parallel_loop3A_641 = vector.extract %parallel_loop3A_640[15] : f32 from vector<16xf32>
          %parallel_loop3A_642 = arith.constant 1.200000e+01 : f32
          %parallel_loop3A_643 = arith.subf %parallel_loop3A_642, %parallel_loop3A_641 : f32
          %parallel_loop3A_644 = vector.broadcast %parallel_loop3A_400 : i32 to vector<16xi32>
          %parallel_loop3A_645 = arith.cmpi eq, %iota3A, %parallel_loop3A_644 : vector<16xi32>
          %parallel_loop3A_646 = vector.broadcast %parallel_loop3A_643 : f32 to vector<16xf32>
          %parallel_loop3A_647 = arith.select %parallel_loop3A_645, %parallel_loop3A_646, %parallel_loop3A_398 : vector<16xi1>, vector<16xf32>
          scf.yield %parallel_loop3A_647 : vector<16xf32>
        }
        %parallel_loop3A_142 = arith.constant 16 : i32
        %parallel_loop3A_143 = arith.constant 64 : i32
        %parallel_loop3A_144 = arith.muli %mul3A_70, %parallel_loop3A_143 : i32
        %parallel_loop3A_145 = arith.constant 16 : i32
        %parallel_loop3A_146 = arith.muli %parallel_loop3A_134, %parallel_loop3A_145 : i32
        %parallel_loop3A_147 = arith.addi %parallel_loop3A_144, %parallel_loop3A_146 : i32
        %parallel_loop3A_148 = arith.index_cast %parallel_loop3A_147 : i32 to index
        %parallel_loop3A_149 = tpu.vector_load %arg15[%parallel_loop3A_148] {strides = array<i32>} : memref<512xf32, #tpu.memory_space<vmem>>, vector<16xf32>,
        tpu.vector_store %arg15[%parallel_loop3A_148], %parallel_loop3A_141 {strides = array<i32>} : memref<512xf32, #tpu.memory_space<vmem>>, vector<16xf32>,
      } {sc.loop_unroll_factor = 1 : i64, sc.parallel_access}
      %add3A_101 = arith.constant 2 : i32
      %add3A_102 = arith.addi %mul3A_70, %add3A_101 : i32
      %min3A_103 = arith.constant 7 : i32
      %min3A_104 = arith.minsi %add3A_102, %min3A_103 : i32
      %mul3A_105 = arith.constant 2 : i32
      %mul3A_106 = arith.muli %min3A_104, %mul3A_105 : i32
      %mul3A_107 = arith.constant 64 : i32
      %mul3A_108 = arith.muli %mul3A_106, %mul3A_107 : i32
      %dma_start3A_109 = tpu.memref_slice %arg9[%mul3A_108] : memref<1024xi32, #tpu.memory_space<vmem>> -> memref<128xi32, #tpu.memory_space<vmem>>
      %dma_start3A_110 = arith.constant 0 : i32
      %dma_start3A_111 = arith.constant 0 : i32
      %dma_start3A_112 = tpu.memref_slice %arg3[%dma_start3A_110, %dma_start3A_111] : memref<1000000x128xf32, #tpu.memory_space<hbm>> -> memref<1000000x128xf32, #tpu.memory_space<hbm>>
      tpu.enqueue_indirect_dma source(%dma_start3A_112 : memref<1000000x128xf32, #tpu.memory_space<hbm>>) target(%arg11 : memref<128x128xf32, #tpu.memory_space<vmem>>) offsets(%dma_start3A_109 : memref<128xi32, #tpu.memory_space<vmem>>) semaphore(%arg16 : memref<!tpu.dma_semaphore, #tpu.memory_space<semaphore_mem>>)
      %mul3A_113 = arith.constant 64 : i32
      %mul3A_114 = arith.muli %min3A_104, %mul3A_113 : i32
      %dma_start3A_115 = tpu.memref_slice %arg10[%mul3A_114] : memref<512xi32, #tpu.memory_space<vmem>> -> memref<64xi32, #tpu.memory_space<vmem>>
      %dma_start3A_116 = arith.constant 0 : i32
      %dma_start3A_117 = arith.constant 0 : i32
      %dma_start3A_118 = tpu.memref_slice %arg6[%dma_start3A_116, %dma_start3A_117] : memref<2048x128xf32, #tpu.memory_space<hbm>> -> memref<2048x128xf32, #tpu.memory_space<hbm>>
      tpu.enqueue_indirect_dma source(%dma_start3A_118 : memref<2048x128xf32, #tpu.memory_space<hbm>>) target(%arg13 : memref<64x128xf32, #tpu.memory_space<vmem>>) offsets(%dma_start3A_115 : memref<64xi32, #tpu.memory_space<vmem>>) semaphore(%arg16 : memref<!tpu.dma_semaphore, #tpu.memory_space<semaphore_mem>>)
      %dma_wait3A_119 = arith.constant 0 : i32
      %dma_wait3A_120 = tpu.memref_slice %arg9[%dma_wait3A_119] : memref<1024xi32, #tpu.memory_space<vmem>> -> memref<128xi32, #tpu.memory_space<vmem>>
      %dma_wait3A_121 = arith.constant 0 : i32
      %dma_wait3A_122 = arith.constant 0 : i32
      %dma_wait3A_123 = tpu.memref_slice %arg3[%dma_wait3A_121, %dma_wait3A_122] : memref<1000000x128xf32, #tpu.memory_space<hbm>> -> memref<1000000x128xf32, #tpu.memory_space<hbm>>
      tpu.wait_indirect_dma semaphore(%arg17 : memref<!tpu.dma_semaphore, #tpu.memory_space<semaphore_mem>>) src(%dma_wait3A_123 : memref<1000000x128xf32, #tpu.memory_space<hbm>>) dst(%arg12 : memref<128x128xf32, #tpu.memory_space<vmem>>)
      %dma_wait3A_124 = arith.constant 0 : i32
      %dma_wait3A_125 = tpu.memref_slice %arg10[%dma_wait3A_124] : memref<512xi32, #tpu.memory_space<vmem>> -> memref<64xi32, #tpu.memory_space<vmem>>
      %dma_wait3A_126 = arith.constant 0 : i32
      %dma_wait3A_127 = arith.constant 0 : i32
      %dma_wait3A_128 = tpu.memref_slice %arg6[%dma_wait3A_126, %dma_wait3A_127] : memref<2048x128xf32, #tpu.memory_space<hbm>> -> memref<2048x128xf32, #tpu.memory_space<hbm>>
      tpu.wait_indirect_dma semaphore(%arg17 : memref<!tpu.dma_semaphore, #tpu.memory_space<semaphore_mem>>) src(%dma_wait3A_128 : memref<2048x128xf32, #tpu.memory_space<hbm>>) dst(%arg14 : memref<64x128xf32, #tpu.memory_space<vmem>>)
      %add3A_129 = arith.constant 1 : i32
      %add3A_130 = arith.addi %mul3A_70, %add3A_129 : i32
      %parallel_loop3A_131 = arith.constant 0 : i32
      %parallel_loop3A_132 = arith.constant 4 : i32
      %parallel_loop3A_133 = arith.constant 1 : i32
      scf.for %parallel_loop3A_134 = %parallel_loop3A_131 to %parallel_loop3A_132 step %parallel_loop3A_133  : i32 {
        %parallel_loop3A_135 = arith.constant 0.000000e+00 : f32
        %parallel_loop3A_136 = vector.broadcast %parallel_loop3A_135 : f32 to vector<16xf32>
        %parallel_loop3A_137 = arith.constant 0 : i32
        %parallel_loop3A_138 = arith.constant 16 : i32
        %parallel_loop3A_139 = arith.addi %parallel_loop3A_137, %parallel_loop3A_138 : i32
        %parallel_loop3A_140 = arith.constant 2 : i32
        %parallel_loop3A_141 = scf.for %scan3A_150 = %parallel_loop3A_137 to %parallel_loop3A_139 step %parallel_loop3A_140 iter_args(%scan3A_151 = %parallel_loop3A_136) -> (vector<16xf32>)  : i32 {
          %parallel_loop3A_152 = arith.constant 16 : i32
          %parallel_loop3A_153 = arith.muli %parallel_loop3A_134, %parallel_loop3A_152 : i32
          %parallel_loop3A_154 = arith.addi %parallel_loop3A_153, %scan3A_150 : i32
          %parallel_loop3A_155 = arith.constant 0.000000e+00 : f32
          %parallel_loop3A_156 = vector.broadcast %parallel_loop3A_155 : f32 to vector<16xf32>
          %parallel_loop3A_157 = arith.index_cast %parallel_loop3A_154 : i32 to index
          %parallel_loop3A_158 = arith.constant 0 : index
          %parallel_loop3A_159 = tpu.vector_load %arg12[%parallel_loop3A_157, %parallel_loop3A_158] {strides = array<i32>} : memref<128x128xf32, #tpu.memory_space<vmem>>, vector<16xf32>,
          %parallel_loop3A_160 = arith.index_cast %parallel_loop3A_154 : i32 to index
          %parallel_loop3A_161 = arith.constant 64 : index
          %parallel_loop3A_162 = tpu.vector_load %arg12[%parallel_loop3A_160, %parallel_loop3A_161] {strides = array<i32>} : memref<128x128xf32, #tpu.memory_space<vmem>>, vector<16xf32>,
          %parallel_loop3A_163 = arith.constant 64 : i32
          %parallel_loop3A_164 = arith.addi %parallel_loop3A_163, %parallel_loop3A_154 : i32
          %parallel_loop3A_165 = arith.index_cast %parallel_loop3A_164 : i32 to index
          %parallel_loop3A_166 = arith.constant 0 : index
          %parallel_loop3A_167 = tpu.vector_load %arg12[%parallel_loop3A_165, %parallel_loop3A_166] {strides = array<i32>} : memref<128x128xf32, #tpu.memory_space<vmem>>, vector<16xf32>,
          %parallel_loop3A_168 = arith.constant 64 : i32
          %parallel_loop3A_169 = arith.addi %parallel_loop3A_168, %parallel_loop3A_154 : i32
          %parallel_loop3A_170 = arith.index_cast %parallel_loop3A_169 : i32 to index
          %parallel_loop3A_171 = arith.constant 64 : index
          %parallel_loop3A_172 = tpu.vector_load %arg12[%parallel_loop3A_170, %parallel_loop3A_171] {strides = array<i32>} : memref<128x128xf32, #tpu.memory_space<vmem>>, vector<16xf32>,
          %parallel_loop3A_173 = arith.index_cast %parallel_loop3A_154 : i32 to index
          %parallel_loop3A_174 = arith.constant 0 : index
          %parallel_loop3A_175 = tpu.vector_load %arg14[%parallel_loop3A_173, %parallel_loop3A_174] {strides = array<i32>} : memref<64x128xf32, #tpu.memory_space<vmem>>, vector<16xf32>,
          %parallel_loop3A_176 = arith.index_cast %parallel_loop3A_154 : i32 to index
          %parallel_loop3A_177 = arith.constant 64 : index
          %parallel_loop3A_178 = tpu.vector_load %arg14[%parallel_loop3A_176, %parallel_loop3A_177] {strides = array<i32>} : memref<64x128xf32, #tpu.memory_space<vmem>>, vector<16xf32>,
          %parallel_loop3A_179 = arith.mulf %parallel_loop3A_159, %parallel_loop3A_175 : vector<16xf32>
          %parallel_loop3A_180 = arith.mulf %parallel_loop3A_162, %parallel_loop3A_178 : vector<16xf32>
          %parallel_loop3A_181 = arith.subf %parallel_loop3A_179, %parallel_loop3A_180 : vector<16xf32>
          %parallel_loop3A_182 = arith.subf %parallel_loop3A_181, %parallel_loop3A_167 : vector<16xf32>
          %parallel_loop3A_183 = arith.mulf %parallel_loop3A_159, %parallel_loop3A_178 : vector<16xf32>
          %parallel_loop3A_184 = arith.mulf %parallel_loop3A_162, %parallel_loop3A_175 : vector<16xf32>
          %parallel_loop3A_185 = arith.addf %parallel_loop3A_183, %parallel_loop3A_184 : vector<16xf32>
          %parallel_loop3A_186 = arith.subf %parallel_loop3A_185, %parallel_loop3A_172 : vector<16xf32>
          %parallel_loop3A_187 = arith.mulf %parallel_loop3A_182, %parallel_loop3A_182 : vector<16xf32>
          %parallel_loop3A_188 = arith.mulf %parallel_loop3A_186, %parallel_loop3A_186 : vector<16xf32>
          %parallel_loop3A_189 = arith.addf %parallel_loop3A_187, %parallel_loop3A_188 : vector<16xf32>
          %parallel_loop3A_190 = tpu.bitcast %parallel_loop3A_189 : vector<16xf32> -> vector<16xi32>
          %parallel_loop3A_191 = arith.constant 1 : i32
          %parallel_loop3A_192 = vector.broadcast %parallel_loop3A_191 : i32 to vector<16xi32>
          %parallel_loop3A_193 = arith.shrsi %parallel_loop3A_190, %parallel_loop3A_192 : vector<16xi32>
          %parallel_loop3A_194 = arith.constant 1597463007 : i32
          %parallel_loop3A_195 = vector.broadcast %parallel_loop3A_194 : i32 to vector<16xi32>
          %parallel_loop3A_196 = arith.subi %parallel_loop3A_195, %parallel_loop3A_193 : vector<16xi32>
          %parallel_loop3A_197 = tpu.bitcast %parallel_loop3A_196 : vector<16xi32> -> vector<16xf32>
          %parallel_loop3A_198 = arith.constant 5.000000e-01 : f32
          %parallel_loop3A_199 = vector.broadcast %parallel_loop3A_198 : f32 to vector<16xf32>
          %parallel_loop3A_200 = arith.mulf %parallel_loop3A_199, %parallel_loop3A_189 : vector<16xf32>
          %parallel_loop3A_201 = arith.mulf %parallel_loop3A_200, %parallel_loop3A_197 : vector<16xf32>
          %parallel_loop3A_202 = arith.mulf %parallel_loop3A_201, %parallel_loop3A_197 : vector<16xf32>
          %parallel_loop3A_203 = arith.constant 1.500000e+00 : f32
          %parallel_loop3A_204 = vector.broadcast %parallel_loop3A_203 : f32 to vector<16xf32>
          %parallel_loop3A_205 = arith.subf %parallel_loop3A_204, %parallel_loop3A_202 : vector<16xf32>
          %parallel_loop3A_206 = arith.mulf %parallel_loop3A_197, %parallel_loop3A_205 : vector<16xf32>
          %parallel_loop3A_207 = arith.mulf %parallel_loop3A_200, %parallel_loop3A_206 : vector<16xf32>
          %parallel_loop3A_208 = arith.mulf %parallel_loop3A_207, %parallel_loop3A_206 : vector<16xf32>
          %parallel_loop3A_209 = arith.constant 1.500000e+00 : f32
          %parallel_loop3A_210 = vector.broadcast %parallel_loop3A_209 : f32 to vector<16xf32>
          %parallel_loop3A_211 = arith.subf %parallel_loop3A_210, %parallel_loop3A_208 : vector<16xf32>
          %parallel_loop3A_212 = arith.mulf %parallel_loop3A_206, %parallel_loop3A_211 : vector<16xf32>
          %parallel_loop3A_213 = arith.mulf %parallel_loop3A_189, %parallel_loop3A_212 : vector<16xf32>
          %parallel_loop3A_214 = arith.addf %parallel_loop3A_156, %parallel_loop3A_213 : vector<16xf32>
          %parallel_loop3A_215 = arith.index_cast %parallel_loop3A_154 : i32 to index
          %parallel_loop3A_216 = arith.constant 16 : index
          %parallel_loop3A_217 = tpu.vector_load %arg12[%parallel_loop3A_215, %parallel_loop3A_216] {strides = array<i32>} : memref<128x128xf32, #tpu.memory_space<vmem>>, vector<16xf32>,
          %parallel_loop3A_218 = arith.index_cast %parallel_loop3A_154 : i32 to index
          %parallel_loop3A_219 = arith.constant 80 : index
          %parallel_loop3A_220 = tpu.vector_load %arg12[%parallel_loop3A_218, %parallel_loop3A_219] {strides = array<i32>} : memref<128x128xf32, #tpu.memory_space<vmem>>, vector<16xf32>,
          %parallel_loop3A_221 = arith.constant 64 : i32
          %parallel_loop3A_222 = arith.addi %parallel_loop3A_221, %parallel_loop3A_154 : i32
          %parallel_loop3A_223 = arith.index_cast %parallel_loop3A_222 : i32 to index
          %parallel_loop3A_224 = arith.constant 16 : index
          %parallel_loop3A_225 = tpu.vector_load %arg12[%parallel_loop3A_223, %parallel_loop3A_224] {strides = array<i32>} : memref<128x128xf32, #tpu.memory_space<vmem>>, vector<16xf32>,
          %parallel_loop3A_226 = arith.constant 64 : i32
          %parallel_loop3A_227 = arith.addi %parallel_loop3A_226, %parallel_loop3A_154 : i32
          %parallel_loop3A_228 = arith.index_cast %parallel_loop3A_227 : i32 to index
          %parallel_loop3A_229 = arith.constant 80 : index
          %parallel_loop3A_230 = tpu.vector_load %arg12[%parallel_loop3A_228, %parallel_loop3A_229] {strides = array<i32>} : memref<128x128xf32, #tpu.memory_space<vmem>>, vector<16xf32>,
          %parallel_loop3A_231 = arith.index_cast %parallel_loop3A_154 : i32 to index
          %parallel_loop3A_232 = arith.constant 16 : index
          %parallel_loop3A_233 = tpu.vector_load %arg14[%parallel_loop3A_231, %parallel_loop3A_232] {strides = array<i32>} : memref<64x128xf32, #tpu.memory_space<vmem>>, vector<16xf32>,
          %parallel_loop3A_234 = arith.index_cast %parallel_loop3A_154 : i32 to index
          %parallel_loop3A_235 = arith.constant 80 : index
          %parallel_loop3A_236 = tpu.vector_load %arg14[%parallel_loop3A_234, %parallel_loop3A_235] {strides = array<i32>} : memref<64x128xf32, #tpu.memory_space<vmem>>, vector<16xf32>,
          %parallel_loop3A_237 = arith.mulf %parallel_loop3A_217, %parallel_loop3A_233 : vector<16xf32>
          %parallel_loop3A_238 = arith.mulf %parallel_loop3A_220, %parallel_loop3A_236 : vector<16xf32>
          %parallel_loop3A_239 = arith.subf %parallel_loop3A_237, %parallel_loop3A_238 : vector<16xf32>
          %parallel_loop3A_240 = arith.subf %parallel_loop3A_239, %parallel_loop3A_225 : vector<16xf32>
          %parallel_loop3A_241 = arith.mulf %parallel_loop3A_217, %parallel_loop3A_236 : vector<16xf32>
          %parallel_loop3A_242 = arith.mulf %parallel_loop3A_220, %parallel_loop3A_233 : vector<16xf32>
          %parallel_loop3A_243 = arith.addf %parallel_loop3A_241, %parallel_loop3A_242 : vector<16xf32>
          %parallel_loop3A_244 = arith.subf %parallel_loop3A_243, %parallel_loop3A_230 : vector<16xf32>
          %parallel_loop3A_245 = arith.mulf %parallel_loop3A_240, %parallel_loop3A_240 : vector<16xf32>
          %parallel_loop3A_246 = arith.mulf %parallel_loop3A_244, %parallel_loop3A_244 : vector<16xf32>
          %parallel_loop3A_247 = arith.addf %parallel_loop3A_245, %parallel_loop3A_246 : vector<16xf32>
          %parallel_loop3A_248 = tpu.bitcast %parallel_loop3A_247 : vector<16xf32> -> vector<16xi32>
          %parallel_loop3A_249 = arith.constant 1 : i32
          %parallel_loop3A_250 = vector.broadcast %parallel_loop3A_249 : i32 to vector<16xi32>
          %parallel_loop3A_251 = arith.shrsi %parallel_loop3A_248, %parallel_loop3A_250 : vector<16xi32>
          %parallel_loop3A_252 = arith.constant 1597463007 : i32
          %parallel_loop3A_253 = vector.broadcast %parallel_loop3A_252 : i32 to vector<16xi32>
          %parallel_loop3A_254 = arith.subi %parallel_loop3A_253, %parallel_loop3A_251 : vector<16xi32>
          %parallel_loop3A_255 = tpu.bitcast %parallel_loop3A_254 : vector<16xi32> -> vector<16xf32>
          %parallel_loop3A_256 = arith.constant 5.000000e-01 : f32
          %parallel_loop3A_257 = vector.broadcast %parallel_loop3A_256 : f32 to vector<16xf32>
          %parallel_loop3A_258 = arith.mulf %parallel_loop3A_257, %parallel_loop3A_247 : vector<16xf32>
          %parallel_loop3A_259 = arith.mulf %parallel_loop3A_258, %parallel_loop3A_255 : vector<16xf32>
          %parallel_loop3A_260 = arith.mulf %parallel_loop3A_259, %parallel_loop3A_255 : vector<16xf32>
          %parallel_loop3A_261 = arith.constant 1.500000e+00 : f32
          %parallel_loop3A_262 = vector.broadcast %parallel_loop3A_261 : f32 to vector<16xf32>
          %parallel_loop3A_263 = arith.subf %parallel_loop3A_262, %parallel_loop3A_260 : vector<16xf32>
          %parallel_loop3A_264 = arith.mulf %parallel_loop3A_255, %parallel_loop3A_263 : vector<16xf32>
          %parallel_loop3A_265 = arith.mulf %parallel_loop3A_258, %parallel_loop3A_264 : vector<16xf32>
          %parallel_loop3A_266 = arith.mulf %parallel_loop3A_265, %parallel_loop3A_264 : vector<16xf32>
          %parallel_loop3A_267 = arith.constant 1.500000e+00 : f32
          %parallel_loop3A_268 = vector.broadcast %parallel_loop3A_267 : f32 to vector<16xf32>
          %parallel_loop3A_269 = arith.subf %parallel_loop3A_268, %parallel_loop3A_266 : vector<16xf32>
          %parallel_loop3A_270 = arith.mulf %parallel_loop3A_264, %parallel_loop3A_269 : vector<16xf32>
          %parallel_loop3A_271 = arith.mulf %parallel_loop3A_247, %parallel_loop3A_270 : vector<16xf32>
          %parallel_loop3A_272 = arith.addf %parallel_loop3A_214, %parallel_loop3A_271 : vector<16xf32>
          %parallel_loop3A_273 = arith.index_cast %parallel_loop3A_154 : i32 to index
          %parallel_loop3A_274 = arith.constant 32 : index
          %parallel_loop3A_275 = tpu.vector_load %arg12[%parallel_loop3A_273, %parallel_loop3A_274] {strides = array<i32>} : memref<128x128xf32, #tpu.memory_space<vmem>>, vector<16xf32>,
          %parallel_loop3A_276 = arith.index_cast %parallel_loop3A_154 : i32 to index
          %parallel_loop3A_277 = arith.constant 96 : index
          %parallel_loop3A_278 = tpu.vector_load %arg12[%parallel_loop3A_276, %parallel_loop3A_277] {strides = array<i32>} : memref<128x128xf32, #tpu.memory_space<vmem>>, vector<16xf32>,
          %parallel_loop3A_279 = arith.constant 64 : i32
          %parallel_loop3A_280 = arith.addi %parallel_loop3A_279, %parallel_loop3A_154 : i32
          %parallel_loop3A_281 = arith.index_cast %parallel_loop3A_280 : i32 to index
          %parallel_loop3A_282 = arith.constant 32 : index
          %parallel_loop3A_283 = tpu.vector_load %arg12[%parallel_loop3A_281, %parallel_loop3A_282] {strides = array<i32>} : memref<128x128xf32, #tpu.memory_space<vmem>>, vector<16xf32>,
          %parallel_loop3A_284 = arith.constant 64 : i32
          %parallel_loop3A_285 = arith.addi %parallel_loop3A_284, %parallel_loop3A_154 : i32
          %parallel_loop3A_286 = arith.index_cast %parallel_loop3A_285 : i32 to index
          %parallel_loop3A_287 = arith.constant 96 : index
          %parallel_loop3A_288 = tpu.vector_load %arg12[%parallel_loop3A_286, %parallel_loop3A_287] {strides = array<i32>} : memref<128x128xf32, #tpu.memory_space<vmem>>, vector<16xf32>,
          %parallel_loop3A_289 = arith.index_cast %parallel_loop3A_154 : i32 to index
          %parallel_loop3A_290 = arith.constant 32 : index
          %parallel_loop3A_291 = tpu.vector_load %arg14[%parallel_loop3A_289, %parallel_loop3A_290] {strides = array<i32>} : memref<64x128xf32, #tpu.memory_space<vmem>>, vector<16xf32>,
          %parallel_loop3A_292 = arith.index_cast %parallel_loop3A_154 : i32 to index
          %parallel_loop3A_293 = arith.constant 96 : index
          %parallel_loop3A_294 = tpu.vector_load %arg14[%parallel_loop3A_292, %parallel_loop3A_293] {strides = array<i32>} : memref<64x128xf32, #tpu.memory_space<vmem>>, vector<16xf32>,
          %parallel_loop3A_295 = arith.mulf %parallel_loop3A_275, %parallel_loop3A_291 : vector<16xf32>
          %parallel_loop3A_296 = arith.mulf %parallel_loop3A_278, %parallel_loop3A_294 : vector<16xf32>
          %parallel_loop3A_297 = arith.subf %parallel_loop3A_295, %parallel_loop3A_296 : vector<16xf32>
          %parallel_loop3A_298 = arith.subf %parallel_loop3A_297, %parallel_loop3A_283 : vector<16xf32>
          %parallel_loop3A_299 = arith.mulf %parallel_loop3A_275, %parallel_loop3A_294 : vector<16xf32>
          %parallel_loop3A_300 = arith.mulf %parallel_loop3A_278, %parallel_loop3A_291 : vector<16xf32>
          %parallel_loop3A_301 = arith.addf %parallel_loop3A_299, %parallel_loop3A_300 : vector<16xf32>
          %parallel_loop3A_302 = arith.subf %parallel_loop3A_301, %parallel_loop3A_288 : vector<16xf32>
          %parallel_loop3A_303 = arith.mulf %parallel_loop3A_298, %parallel_loop3A_298 : vector<16xf32>
          %parallel_loop3A_304 = arith.mulf %parallel_loop3A_302, %parallel_loop3A_302 : vector<16xf32>
          %parallel_loop3A_305 = arith.addf %parallel_loop3A_303, %parallel_loop3A_304 : vector<16xf32>
          %parallel_loop3A_306 = tpu.bitcast %parallel_loop3A_305 : vector<16xf32> -> vector<16xi32>
          %parallel_loop3A_307 = arith.constant 1 : i32
          %parallel_loop3A_308 = vector.broadcast %parallel_loop3A_307 : i32 to vector<16xi32>
          %parallel_loop3A_309 = arith.shrsi %parallel_loop3A_306, %parallel_loop3A_308 : vector<16xi32>
          %parallel_loop3A_310 = arith.constant 1597463007 : i32
          %parallel_loop3A_311 = vector.broadcast %parallel_loop3A_310 : i32 to vector<16xi32>
          %parallel_loop3A_312 = arith.subi %parallel_loop3A_311, %parallel_loop3A_309 : vector<16xi32>
          %parallel_loop3A_313 = tpu.bitcast %parallel_loop3A_312 : vector<16xi32> -> vector<16xf32>
          %parallel_loop3A_314 = arith.constant 5.000000e-01 : f32
          %parallel_loop3A_315 = vector.broadcast %parallel_loop3A_314 : f32 to vector<16xf32>
          %parallel_loop3A_316 = arith.mulf %parallel_loop3A_315, %parallel_loop3A_305 : vector<16xf32>
          %parallel_loop3A_317 = arith.mulf %parallel_loop3A_316, %parallel_loop3A_313 : vector<16xf32>
          %parallel_loop3A_318 = arith.mulf %parallel_loop3A_317, %parallel_loop3A_313 : vector<16xf32>
          %parallel_loop3A_319 = arith.constant 1.500000e+00 : f32
          %parallel_loop3A_320 = vector.broadcast %parallel_loop3A_319 : f32 to vector<16xf32>
          %parallel_loop3A_321 = arith.subf %parallel_loop3A_320, %parallel_loop3A_318 : vector<16xf32>
          %parallel_loop3A_322 = arith.mulf %parallel_loop3A_313, %parallel_loop3A_321 : vector<16xf32>
          %parallel_loop3A_323 = arith.mulf %parallel_loop3A_316, %parallel_loop3A_322 : vector<16xf32>
          %parallel_loop3A_324 = arith.mulf %parallel_loop3A_323, %parallel_loop3A_322 : vector<16xf32>
          %parallel_loop3A_325 = arith.constant 1.500000e+00 : f32
          %parallel_loop3A_326 = vector.broadcast %parallel_loop3A_325 : f32 to vector<16xf32>
          %parallel_loop3A_327 = arith.subf %parallel_loop3A_326, %parallel_loop3A_324 : vector<16xf32>
          %parallel_loop3A_328 = arith.mulf %parallel_loop3A_322, %parallel_loop3A_327 : vector<16xf32>
          %parallel_loop3A_329 = arith.mulf %parallel_loop3A_305, %parallel_loop3A_328 : vector<16xf32>
          %parallel_loop3A_330 = arith.addf %parallel_loop3A_272, %parallel_loop3A_329 : vector<16xf32>
          %parallel_loop3A_331 = arith.index_cast %parallel_loop3A_154 : i32 to index
          %parallel_loop3A_332 = arith.constant 48 : index
          %parallel_loop3A_333 = tpu.vector_load %arg12[%parallel_loop3A_331, %parallel_loop3A_332] {strides = array<i32>} : memref<128x128xf32, #tpu.memory_space<vmem>>, vector<16xf32>,
          %parallel_loop3A_334 = arith.index_cast %parallel_loop3A_154 : i32 to index
          %parallel_loop3A_335 = arith.constant 112 : index
          %parallel_loop3A_336 = tpu.vector_load %arg12[%parallel_loop3A_334, %parallel_loop3A_335] {strides = array<i32>} : memref<128x128xf32, #tpu.memory_space<vmem>>, vector<16xf32>,
          %parallel_loop3A_337 = arith.constant 64 : i32
          %parallel_loop3A_338 = arith.addi %parallel_loop3A_337, %parallel_loop3A_154 : i32
          %parallel_loop3A_339 = arith.index_cast %parallel_loop3A_338 : i32 to index
          %parallel_loop3A_340 = arith.constant 48 : index
          %parallel_loop3A_341 = tpu.vector_load %arg12[%parallel_loop3A_339, %parallel_loop3A_340] {strides = array<i32>} : memref<128x128xf32, #tpu.memory_space<vmem>>, vector<16xf32>,
          %parallel_loop3A_342 = arith.constant 64 : i32
          %parallel_loop3A_343 = arith.addi %parallel_loop3A_342, %parallel_loop3A_154 : i32
          %parallel_loop3A_344 = arith.index_cast %parallel_loop3A_343 : i32 to index
          %parallel_loop3A_345 = arith.constant 112 : index
          %parallel_loop3A_346 = tpu.vector_load %arg12[%parallel_loop3A_344, %parallel_loop3A_345] {strides = array<i32>} : memref<128x128xf32, #tpu.memory_space<vmem>>, vector<16xf32>,
          %parallel_loop3A_347 = arith.index_cast %parallel_loop3A_154 : i32 to index
          %parallel_loop3A_348 = arith.constant 48 : index
          %parallel_loop3A_349 = tpu.vector_load %arg14[%parallel_loop3A_347, %parallel_loop3A_348] {strides = array<i32>} : memref<64x128xf32, #tpu.memory_space<vmem>>, vector<16xf32>,
          %parallel_loop3A_350 = arith.index_cast %parallel_loop3A_154 : i32 to index
          %parallel_loop3A_351 = arith.constant 112 : index
          %parallel_loop3A_352 = tpu.vector_load %arg14[%parallel_loop3A_350, %parallel_loop3A_351] {strides = array<i32>} : memref<64x128xf32, #tpu.memory_space<vmem>>, vector<16xf32>,
          %parallel_loop3A_353 = arith.mulf %parallel_loop3A_333, %parallel_loop3A_349 : vector<16xf32>
          %parallel_loop3A_354 = arith.mulf %parallel_loop3A_336, %parallel_loop3A_352 : vector<16xf32>
          %parallel_loop3A_355 = arith.subf %parallel_loop3A_353, %parallel_loop3A_354 : vector<16xf32>
          %parallel_loop3A_356 = arith.subf %parallel_loop3A_355, %parallel_loop3A_341 : vector<16xf32>
          %parallel_loop3A_357 = arith.mulf %parallel_loop3A_333, %parallel_loop3A_352 : vector<16xf32>
          %parallel_loop3A_358 = arith.mulf %parallel_loop3A_336, %parallel_loop3A_349 : vector<16xf32>
          %parallel_loop3A_359 = arith.addf %parallel_loop3A_357, %parallel_loop3A_358 : vector<16xf32>
          %parallel_loop3A_360 = arith.subf %parallel_loop3A_359, %parallel_loop3A_346 : vector<16xf32>
          %parallel_loop3A_361 = arith.mulf %parallel_loop3A_356, %parallel_loop3A_356 : vector<16xf32>
          %parallel_loop3A_362 = arith.mulf %parallel_loop3A_360, %parallel_loop3A_360 : vector<16xf32>
          %parallel_loop3A_363 = arith.addf %parallel_loop3A_361, %parallel_loop3A_362 : vector<16xf32>
          %parallel_loop3A_364 = tpu.bitcast %parallel_loop3A_363 : vector<16xf32> -> vector<16xi32>
          %parallel_loop3A_365 = arith.constant 1 : i32
          %parallel_loop3A_366 = vector.broadcast %parallel_loop3A_365 : i32 to vector<16xi32>
          %parallel_loop3A_367 = arith.shrsi %parallel_loop3A_364, %parallel_loop3A_366 : vector<16xi32>
          %parallel_loop3A_368 = arith.constant 1597463007 : i32
          %parallel_loop3A_369 = vector.broadcast %parallel_loop3A_368 : i32 to vector<16xi32>
          %parallel_loop3A_370 = arith.subi %parallel_loop3A_369, %parallel_loop3A_367 : vector<16xi32>
          %parallel_loop3A_371 = tpu.bitcast %parallel_loop3A_370 : vector<16xi32> -> vector<16xf32>
          %parallel_loop3A_372 = arith.constant 5.000000e-01 : f32
          %parallel_loop3A_373 = vector.broadcast %parallel_loop3A_372 : f32 to vector<16xf32>
          %parallel_loop3A_374 = arith.mulf %parallel_loop3A_373, %parallel_loop3A_363 : vector<16xf32>
          %parallel_loop3A_375 = arith.mulf %parallel_loop3A_374, %parallel_loop3A_371 : vector<16xf32>
          %parallel_loop3A_376 = arith.mulf %parallel_loop3A_375, %parallel_loop3A_371 : vector<16xf32>
          %parallel_loop3A_377 = arith.constant 1.500000e+00 : f32
          %parallel_loop3A_378 = vector.broadcast %parallel_loop3A_377 : f32 to vector<16xf32>
          %parallel_loop3A_379 = arith.subf %parallel_loop3A_378, %parallel_loop3A_376 : vector<16xf32>
          %parallel_loop3A_380 = arith.mulf %parallel_loop3A_371, %parallel_loop3A_379 : vector<16xf32>
          %parallel_loop3A_381 = arith.mulf %parallel_loop3A_374, %parallel_loop3A_380 : vector<16xf32>
          %parallel_loop3A_382 = arith.mulf %parallel_loop3A_381, %parallel_loop3A_380 : vector<16xf32>
          %parallel_loop3A_383 = arith.constant 1.500000e+00 : f32
          %parallel_loop3A_384 = vector.broadcast %parallel_loop3A_383 : f32 to vector<16xf32>
          %parallel_loop3A_385 = arith.subf %parallel_loop3A_384, %parallel_loop3A_382 : vector<16xf32>
          %parallel_loop3A_386 = arith.mulf %parallel_loop3A_380, %parallel_loop3A_385 : vector<16xf32>
          %parallel_loop3A_387 = arith.mulf %parallel_loop3A_363, %parallel_loop3A_386 : vector<16xf32>
          %parallel_loop3A_388 = arith.addf %parallel_loop3A_330, %parallel_loop3A_387 : vector<16xf32>
          %parallel_loop3A_389 = arith.constant true
          %parallel_loop3A_390 = vector.broadcast %parallel_loop3A_389 : i1 to vector<16xi1>
          %parallel_loop3A_391 = tpu.scan <sum>, %parallel_loop3A_388 masked %parallel_loop3A_390 : vector<16xf32>, vector<16xi1> -> vector<16xf32>
          %parallel_loop3A_392 = vector.extract %parallel_loop3A_391[15] : f32 from vector<16xf32>
          %parallel_loop3A_393 = arith.constant 1.200000e+01 : f32
          %parallel_loop3A_394 = arith.subf %parallel_loop3A_393, %parallel_loop3A_392 : f32
          %parallel_loop3A_395 = vector.broadcast %scan3A_150 : i32 to vector<16xi32>
          %parallel_loop3A_396 = arith.cmpi eq, %iota3A, %parallel_loop3A_395 : vector<16xi32>
          %parallel_loop3A_397 = vector.broadcast %parallel_loop3A_394 : f32 to vector<16xf32>
          %parallel_loop3A_398 = arith.select %parallel_loop3A_396, %parallel_loop3A_397, %scan3A_151 : vector<16xi1>, vector<16xf32>
          %parallel_loop3A_399 = arith.constant 1 : i32
          %parallel_loop3A_400 = arith.addi %scan3A_150, %parallel_loop3A_399 : i32
          %parallel_loop3A_401 = arith.constant 16 : i32
          %parallel_loop3A_402 = arith.muli %parallel_loop3A_134, %parallel_loop3A_401 : i32
          %parallel_loop3A_403 = arith.addi %parallel_loop3A_402, %parallel_loop3A_400 : i32
          %parallel_loop3A_404 = arith.constant 0.000000e+00 : f32
          %parallel_loop3A_405 = vector.broadcast %parallel_loop3A_404 : f32 to vector<16xf32>
          %parallel_loop3A_406 = arith.index_cast %parallel_loop3A_403 : i32 to index
          %parallel_loop3A_407 = arith.constant 0 : index
          %parallel_loop3A_408 = tpu.vector_load %arg12[%parallel_loop3A_406, %parallel_loop3A_407] {strides = array<i32>} : memref<128x128xf32, #tpu.memory_space<vmem>>, vector<16xf32>,
          %parallel_loop3A_409 = arith.index_cast %parallel_loop3A_403 : i32 to index
          %parallel_loop3A_410 = arith.constant 64 : index
          %parallel_loop3A_411 = tpu.vector_load %arg12[%parallel_loop3A_409, %parallel_loop3A_410] {strides = array<i32>} : memref<128x128xf32, #tpu.memory_space<vmem>>, vector<16xf32>,
          %parallel_loop3A_412 = arith.constant 64 : i32
          %parallel_loop3A_413 = arith.addi %parallel_loop3A_412, %parallel_loop3A_403 : i32
          %parallel_loop3A_414 = arith.index_cast %parallel_loop3A_413 : i32 to index
          %parallel_loop3A_415 = arith.constant 0 : index
          %parallel_loop3A_416 = tpu.vector_load %arg12[%parallel_loop3A_414, %parallel_loop3A_415] {strides = array<i32>} : memref<128x128xf32, #tpu.memory_space<vmem>>, vector<16xf32>,
          %parallel_loop3A_417 = arith.constant 64 : i32
          %parallel_loop3A_418 = arith.addi %parallel_loop3A_417, %parallel_loop3A_403 : i32
          %parallel_loop3A_419 = arith.index_cast %parallel_loop3A_418 : i32 to index
          %parallel_loop3A_420 = arith.constant 64 : index
          %parallel_loop3A_421 = tpu.vector_load %arg12[%parallel_loop3A_419, %parallel_loop3A_420] {strides = array<i32>} : memref<128x128xf32, #tpu.memory_space<vmem>>, vector<16xf32>,
          %parallel_loop3A_422 = arith.index_cast %parallel_loop3A_403 : i32 to index
          %parallel_loop3A_423 = arith.constant 0 : index
          %parallel_loop3A_424 = tpu.vector_load %arg14[%parallel_loop3A_422, %parallel_loop3A_423] {strides = array<i32>} : memref<64x128xf32, #tpu.memory_space<vmem>>, vector<16xf32>,
          %parallel_loop3A_425 = arith.index_cast %parallel_loop3A_403 : i32 to index
          %parallel_loop3A_426 = arith.constant 64 : index
          %parallel_loop3A_427 = tpu.vector_load %arg14[%parallel_loop3A_425, %parallel_loop3A_426] {strides = array<i32>} : memref<64x128xf32, #tpu.memory_space<vmem>>, vector<16xf32>,
          %parallel_loop3A_428 = arith.mulf %parallel_loop3A_408, %parallel_loop3A_424 : vector<16xf32>
          %parallel_loop3A_429 = arith.mulf %parallel_loop3A_411, %parallel_loop3A_427 : vector<16xf32>
          %parallel_loop3A_430 = arith.subf %parallel_loop3A_428, %parallel_loop3A_429 : vector<16xf32>
          %parallel_loop3A_431 = arith.subf %parallel_loop3A_430, %parallel_loop3A_416 : vector<16xf32>
          %parallel_loop3A_432 = arith.mulf %parallel_loop3A_408, %parallel_loop3A_427 : vector<16xf32>
          %parallel_loop3A_433 = arith.mulf %parallel_loop3A_411, %parallel_loop3A_424 : vector<16xf32>
          %parallel_loop3A_434 = arith.addf %parallel_loop3A_432, %parallel_loop3A_433 : vector<16xf32>
          %parallel_loop3A_435 = arith.subf %parallel_loop3A_434, %parallel_loop3A_421 : vector<16xf32>
          %parallel_loop3A_436 = arith.mulf %parallel_loop3A_431, %parallel_loop3A_431 : vector<16xf32>
          %parallel_loop3A_437 = arith.mulf %parallel_loop3A_435, %parallel_loop3A_435 : vector<16xf32>
          %parallel_loop3A_438 = arith.addf %parallel_loop3A_436, %parallel_loop3A_437 : vector<16xf32>
          %parallel_loop3A_439 = tpu.bitcast %parallel_loop3A_438 : vector<16xf32> -> vector<16xi32>
          %parallel_loop3A_440 = arith.constant 1 : i32
          %parallel_loop3A_441 = vector.broadcast %parallel_loop3A_440 : i32 to vector<16xi32>
          %parallel_loop3A_442 = arith.shrsi %parallel_loop3A_439, %parallel_loop3A_441 : vector<16xi32>
          %parallel_loop3A_443 = arith.constant 1597463007 : i32
          %parallel_loop3A_444 = vector.broadcast %parallel_loop3A_443 : i32 to vector<16xi32>
          %parallel_loop3A_445 = arith.subi %parallel_loop3A_444, %parallel_loop3A_442 : vector<16xi32>
          %parallel_loop3A_446 = tpu.bitcast %parallel_loop3A_445 : vector<16xi32> -> vector<16xf32>
          %parallel_loop3A_447 = arith.constant 5.000000e-01 : f32
          %parallel_loop3A_448 = vector.broadcast %parallel_loop3A_447 : f32 to vector<16xf32>
          %parallel_loop3A_449 = arith.mulf %parallel_loop3A_448, %parallel_loop3A_438 : vector<16xf32>
          %parallel_loop3A_450 = arith.mulf %parallel_loop3A_449, %parallel_loop3A_446 : vector<16xf32>
          %parallel_loop3A_451 = arith.mulf %parallel_loop3A_450, %parallel_loop3A_446 : vector<16xf32>
          %parallel_loop3A_452 = arith.constant 1.500000e+00 : f32
          %parallel_loop3A_453 = vector.broadcast %parallel_loop3A_452 : f32 to vector<16xf32>
          %parallel_loop3A_454 = arith.subf %parallel_loop3A_453, %parallel_loop3A_451 : vector<16xf32>
          %parallel_loop3A_455 = arith.mulf %parallel_loop3A_446, %parallel_loop3A_454 : vector<16xf32>
          %parallel_loop3A_456 = arith.mulf %parallel_loop3A_449, %parallel_loop3A_455 : vector<16xf32>
          %parallel_loop3A_457 = arith.mulf %parallel_loop3A_456, %parallel_loop3A_455 : vector<16xf32>
          %parallel_loop3A_458 = arith.constant 1.500000e+00 : f32
          %parallel_loop3A_459 = vector.broadcast %parallel_loop3A_458 : f32 to vector<16xf32>
          %parallel_loop3A_460 = arith.subf %parallel_loop3A_459, %parallel_loop3A_457 : vector<16xf32>
          %parallel_loop3A_461 = arith.mulf %parallel_loop3A_455, %parallel_loop3A_460 : vector<16xf32>
          %parallel_loop3A_462 = arith.mulf %parallel_loop3A_438, %parallel_loop3A_461 : vector<16xf32>
          %parallel_loop3A_463 = arith.addf %parallel_loop3A_405, %parallel_loop3A_462 : vector<16xf32>
          %parallel_loop3A_464 = arith.index_cast %parallel_loop3A_403 : i32 to index
          %parallel_loop3A_465 = arith.constant 16 : index
          %parallel_loop3A_466 = tpu.vector_load %arg12[%parallel_loop3A_464, %parallel_loop3A_465] {strides = array<i32>} : memref<128x128xf32, #tpu.memory_space<vmem>>, vector<16xf32>,
          %parallel_loop3A_467 = arith.index_cast %parallel_loop3A_403 : i32 to index
          %parallel_loop3A_468 = arith.constant 80 : index
          %parallel_loop3A_469 = tpu.vector_load %arg12[%parallel_loop3A_467, %parallel_loop3A_468] {strides = array<i32>} : memref<128x128xf32, #tpu.memory_space<vmem>>, vector<16xf32>,
          %parallel_loop3A_470 = arith.constant 64 : i32
          %parallel_loop3A_471 = arith.addi %parallel_loop3A_470, %parallel_loop3A_403 : i32
          %parallel_loop3A_472 = arith.index_cast %parallel_loop3A_471 : i32 to index
          %parallel_loop3A_473 = arith.constant 16 : index
          %parallel_loop3A_474 = tpu.vector_load %arg12[%parallel_loop3A_472, %parallel_loop3A_473] {strides = array<i32>} : memref<128x128xf32, #tpu.memory_space<vmem>>, vector<16xf32>,
          %parallel_loop3A_475 = arith.constant 64 : i32
          %parallel_loop3A_476 = arith.addi %parallel_loop3A_475, %parallel_loop3A_403 : i32
          %parallel_loop3A_477 = arith.index_cast %parallel_loop3A_476 : i32 to index
          %parallel_loop3A_478 = arith.constant 80 : index
          %parallel_loop3A_479 = tpu.vector_load %arg12[%parallel_loop3A_477, %parallel_loop3A_478] {strides = array<i32>} : memref<128x128xf32, #tpu.memory_space<vmem>>, vector<16xf32>,
          %parallel_loop3A_480 = arith.index_cast %parallel_loop3A_403 : i32 to index
          %parallel_loop3A_481 = arith.constant 16 : index
          %parallel_loop3A_482 = tpu.vector_load %arg14[%parallel_loop3A_480, %parallel_loop3A_481] {strides = array<i32>} : memref<64x128xf32, #tpu.memory_space<vmem>>, vector<16xf32>,
          %parallel_loop3A_483 = arith.index_cast %parallel_loop3A_403 : i32 to index
          %parallel_loop3A_484 = arith.constant 80 : index
          %parallel_loop3A_485 = tpu.vector_load %arg14[%parallel_loop3A_483, %parallel_loop3A_484] {strides = array<i32>} : memref<64x128xf32, #tpu.memory_space<vmem>>, vector<16xf32>,
          %parallel_loop3A_486 = arith.mulf %parallel_loop3A_466, %parallel_loop3A_482 : vector<16xf32>
          %parallel_loop3A_487 = arith.mulf %parallel_loop3A_469, %parallel_loop3A_485 : vector<16xf32>
          %parallel_loop3A_488 = arith.subf %parallel_loop3A_486, %parallel_loop3A_487 : vector<16xf32>
          %parallel_loop3A_489 = arith.subf %parallel_loop3A_488, %parallel_loop3A_474 : vector<16xf32>
          %parallel_loop3A_490 = arith.mulf %parallel_loop3A_466, %parallel_loop3A_485 : vector<16xf32>
          %parallel_loop3A_491 = arith.mulf %parallel_loop3A_469, %parallel_loop3A_482 : vector<16xf32>
          %parallel_loop3A_492 = arith.addf %parallel_loop3A_490, %parallel_loop3A_491 : vector<16xf32>
          %parallel_loop3A_493 = arith.subf %parallel_loop3A_492, %parallel_loop3A_479 : vector<16xf32>
          %parallel_loop3A_494 = arith.mulf %parallel_loop3A_489, %parallel_loop3A_489 : vector<16xf32>
          %parallel_loop3A_495 = arith.mulf %parallel_loop3A_493, %parallel_loop3A_493 : vector<16xf32>
          %parallel_loop3A_496 = arith.addf %parallel_loop3A_494, %parallel_loop3A_495 : vector<16xf32>
          %parallel_loop3A_497 = tpu.bitcast %parallel_loop3A_496 : vector<16xf32> -> vector<16xi32>
          %parallel_loop3A_498 = arith.constant 1 : i32
          %parallel_loop3A_499 = vector.broadcast %parallel_loop3A_498 : i32 to vector<16xi32>
          %parallel_loop3A_500 = arith.shrsi %parallel_loop3A_497, %parallel_loop3A_499 : vector<16xi32>
          %parallel_loop3A_501 = arith.constant 1597463007 : i32
          %parallel_loop3A_502 = vector.broadcast %parallel_loop3A_501 : i32 to vector<16xi32>
          %parallel_loop3A_503 = arith.subi %parallel_loop3A_502, %parallel_loop3A_500 : vector<16xi32>
          %parallel_loop3A_504 = tpu.bitcast %parallel_loop3A_503 : vector<16xi32> -> vector<16xf32>
          %parallel_loop3A_505 = arith.constant 5.000000e-01 : f32
          %parallel_loop3A_506 = vector.broadcast %parallel_loop3A_505 : f32 to vector<16xf32>
          %parallel_loop3A_507 = arith.mulf %parallel_loop3A_506, %parallel_loop3A_496 : vector<16xf32>
          %parallel_loop3A_508 = arith.mulf %parallel_loop3A_507, %parallel_loop3A_504 : vector<16xf32>
          %parallel_loop3A_509 = arith.mulf %parallel_loop3A_508, %parallel_loop3A_504 : vector<16xf32>
          %parallel_loop3A_510 = arith.constant 1.500000e+00 : f32
          %parallel_loop3A_511 = vector.broadcast %parallel_loop3A_510 : f32 to vector<16xf32>
          %parallel_loop3A_512 = arith.subf %parallel_loop3A_511, %parallel_loop3A_509 : vector<16xf32>
          %parallel_loop3A_513 = arith.mulf %parallel_loop3A_504, %parallel_loop3A_512 : vector<16xf32>
          %parallel_loop3A_514 = arith.mulf %parallel_loop3A_507, %parallel_loop3A_513 : vector<16xf32>
          %parallel_loop3A_515 = arith.mulf %parallel_loop3A_514, %parallel_loop3A_513 : vector<16xf32>
          %parallel_loop3A_516 = arith.constant 1.500000e+00 : f32
          %parallel_loop3A_517 = vector.broadcast %parallel_loop3A_516 : f32 to vector<16xf32>
          %parallel_loop3A_518 = arith.subf %parallel_loop3A_517, %parallel_loop3A_515 : vector<16xf32>
          %parallel_loop3A_519 = arith.mulf %parallel_loop3A_513, %parallel_loop3A_518 : vector<16xf32>
          %parallel_loop3A_520 = arith.mulf %parallel_loop3A_496, %parallel_loop3A_519 : vector<16xf32>
          %parallel_loop3A_521 = arith.addf %parallel_loop3A_463, %parallel_loop3A_520 : vector<16xf32>
          %parallel_loop3A_522 = arith.index_cast %parallel_loop3A_403 : i32 to index
          %parallel_loop3A_523 = arith.constant 32 : index
          %parallel_loop3A_524 = tpu.vector_load %arg12[%parallel_loop3A_522, %parallel_loop3A_523] {strides = array<i32>} : memref<128x128xf32, #tpu.memory_space<vmem>>, vector<16xf32>,
          %parallel_loop3A_525 = arith.index_cast %parallel_loop3A_403 : i32 to index
          %parallel_loop3A_526 = arith.constant 96 : index
          %parallel_loop3A_527 = tpu.vector_load %arg12[%parallel_loop3A_525, %parallel_loop3A_526] {strides = array<i32>} : memref<128x128xf32, #tpu.memory_space<vmem>>, vector<16xf32>,
          %parallel_loop3A_528 = arith.constant 64 : i32
          %parallel_loop3A_529 = arith.addi %parallel_loop3A_528, %parallel_loop3A_403 : i32
          %parallel_loop3A_530 = arith.index_cast %parallel_loop3A_529 : i32 to index
          %parallel_loop3A_531 = arith.constant 32 : index
          %parallel_loop3A_532 = tpu.vector_load %arg12[%parallel_loop3A_530, %parallel_loop3A_531] {strides = array<i32>} : memref<128x128xf32, #tpu.memory_space<vmem>>, vector<16xf32>,
          %parallel_loop3A_533 = arith.constant 64 : i32
          %parallel_loop3A_534 = arith.addi %parallel_loop3A_533, %parallel_loop3A_403 : i32
          %parallel_loop3A_535 = arith.index_cast %parallel_loop3A_534 : i32 to index
          %parallel_loop3A_536 = arith.constant 96 : index
          %parallel_loop3A_537 = tpu.vector_load %arg12[%parallel_loop3A_535, %parallel_loop3A_536] {strides = array<i32>} : memref<128x128xf32, #tpu.memory_space<vmem>>, vector<16xf32>,
          %parallel_loop3A_538 = arith.index_cast %parallel_loop3A_403 : i32 to index
          %parallel_loop3A_539 = arith.constant 32 : index
          %parallel_loop3A_540 = tpu.vector_load %arg14[%parallel_loop3A_538, %parallel_loop3A_539] {strides = array<i32>} : memref<64x128xf32, #tpu.memory_space<vmem>>, vector<16xf32>,
          %parallel_loop3A_541 = arith.index_cast %parallel_loop3A_403 : i32 to index
          %parallel_loop3A_542 = arith.constant 96 : index
          %parallel_loop3A_543 = tpu.vector_load %arg14[%parallel_loop3A_541, %parallel_loop3A_542] {strides = array<i32>} : memref<64x128xf32, #tpu.memory_space<vmem>>, vector<16xf32>,
          %parallel_loop3A_544 = arith.mulf %parallel_loop3A_524, %parallel_loop3A_540 : vector<16xf32>
          %parallel_loop3A_545 = arith.mulf %parallel_loop3A_527, %parallel_loop3A_543 : vector<16xf32>
          %parallel_loop3A_546 = arith.subf %parallel_loop3A_544, %parallel_loop3A_545 : vector<16xf32>
          %parallel_loop3A_547 = arith.subf %parallel_loop3A_546, %parallel_loop3A_532 : vector<16xf32>
          %parallel_loop3A_548 = arith.mulf %parallel_loop3A_524, %parallel_loop3A_543 : vector<16xf32>
          %parallel_loop3A_549 = arith.mulf %parallel_loop3A_527, %parallel_loop3A_540 : vector<16xf32>
          %parallel_loop3A_550 = arith.addf %parallel_loop3A_548, %parallel_loop3A_549 : vector<16xf32>
          %parallel_loop3A_551 = arith.subf %parallel_loop3A_550, %parallel_loop3A_537 : vector<16xf32>
          %parallel_loop3A_552 = arith.mulf %parallel_loop3A_547, %parallel_loop3A_547 : vector<16xf32>
          %parallel_loop3A_553 = arith.mulf %parallel_loop3A_551, %parallel_loop3A_551 : vector<16xf32>
          %parallel_loop3A_554 = arith.addf %parallel_loop3A_552, %parallel_loop3A_553 : vector<16xf32>
          %parallel_loop3A_555 = tpu.bitcast %parallel_loop3A_554 : vector<16xf32> -> vector<16xi32>
          %parallel_loop3A_556 = arith.constant 1 : i32
          %parallel_loop3A_557 = vector.broadcast %parallel_loop3A_556 : i32 to vector<16xi32>
          %parallel_loop3A_558 = arith.shrsi %parallel_loop3A_555, %parallel_loop3A_557 : vector<16xi32>
          %parallel_loop3A_559 = arith.constant 1597463007 : i32
          %parallel_loop3A_560 = vector.broadcast %parallel_loop3A_559 : i32 to vector<16xi32>
          %parallel_loop3A_561 = arith.subi %parallel_loop3A_560, %parallel_loop3A_558 : vector<16xi32>
          %parallel_loop3A_562 = tpu.bitcast %parallel_loop3A_561 : vector<16xi32> -> vector<16xf32>
          %parallel_loop3A_563 = arith.constant 5.000000e-01 : f32
          %parallel_loop3A_564 = vector.broadcast %parallel_loop3A_563 : f32 to vector<16xf32>
          %parallel_loop3A_565 = arith.mulf %parallel_loop3A_564, %parallel_loop3A_554 : vector<16xf32>
          %parallel_loop3A_566 = arith.mulf %parallel_loop3A_565, %parallel_loop3A_562 : vector<16xf32>
          %parallel_loop3A_567 = arith.mulf %parallel_loop3A_566, %parallel_loop3A_562 : vector<16xf32>
          %parallel_loop3A_568 = arith.constant 1.500000e+00 : f32
          %parallel_loop3A_569 = vector.broadcast %parallel_loop3A_568 : f32 to vector<16xf32>
          %parallel_loop3A_570 = arith.subf %parallel_loop3A_569, %parallel_loop3A_567 : vector<16xf32>
          %parallel_loop3A_571 = arith.mulf %parallel_loop3A_562, %parallel_loop3A_570 : vector<16xf32>
          %parallel_loop3A_572 = arith.mulf %parallel_loop3A_565, %parallel_loop3A_571 : vector<16xf32>
          %parallel_loop3A_573 = arith.mulf %parallel_loop3A_572, %parallel_loop3A_571 : vector<16xf32>
          %parallel_loop3A_574 = arith.constant 1.500000e+00 : f32
          %parallel_loop3A_575 = vector.broadcast %parallel_loop3A_574 : f32 to vector<16xf32>
          %parallel_loop3A_576 = arith.subf %parallel_loop3A_575, %parallel_loop3A_573 : vector<16xf32>
          %parallel_loop3A_577 = arith.mulf %parallel_loop3A_571, %parallel_loop3A_576 : vector<16xf32>
          %parallel_loop3A_578 = arith.mulf %parallel_loop3A_554, %parallel_loop3A_577 : vector<16xf32>
          %parallel_loop3A_579 = arith.addf %parallel_loop3A_521, %parallel_loop3A_578 : vector<16xf32>
          %parallel_loop3A_580 = arith.index_cast %parallel_loop3A_403 : i32 to index
          %parallel_loop3A_581 = arith.constant 48 : index
          %parallel_loop3A_582 = tpu.vector_load %arg12[%parallel_loop3A_580, %parallel_loop3A_581] {strides = array<i32>} : memref<128x128xf32, #tpu.memory_space<vmem>>, vector<16xf32>,
          %parallel_loop3A_583 = arith.index_cast %parallel_loop3A_403 : i32 to index
          %parallel_loop3A_584 = arith.constant 112 : index
          %parallel_loop3A_585 = tpu.vector_load %arg12[%parallel_loop3A_583, %parallel_loop3A_584] {strides = array<i32>} : memref<128x128xf32, #tpu.memory_space<vmem>>, vector<16xf32>,
          %parallel_loop3A_586 = arith.constant 64 : i32
          %parallel_loop3A_587 = arith.addi %parallel_loop3A_586, %parallel_loop3A_403 : i32
          %parallel_loop3A_588 = arith.index_cast %parallel_loop3A_587 : i32 to index
          %parallel_loop3A_589 = arith.constant 48 : index
          %parallel_loop3A_590 = tpu.vector_load %arg12[%parallel_loop3A_588, %parallel_loop3A_589] {strides = array<i32>} : memref<128x128xf32, #tpu.memory_space<vmem>>, vector<16xf32>,
          %parallel_loop3A_591 = arith.constant 64 : i32
          %parallel_loop3A_592 = arith.addi %parallel_loop3A_591, %parallel_loop3A_403 : i32
          %parallel_loop3A_593 = arith.index_cast %parallel_loop3A_592 : i32 to index
          %parallel_loop3A_594 = arith.constant 112 : index
          %parallel_loop3A_595 = tpu.vector_load %arg12[%parallel_loop3A_593, %parallel_loop3A_594] {strides = array<i32>} : memref<128x128xf32, #tpu.memory_space<vmem>>, vector<16xf32>,
          %parallel_loop3A_596 = arith.index_cast %parallel_loop3A_403 : i32 to index
          %parallel_loop3A_597 = arith.constant 48 : index
          %parallel_loop3A_598 = tpu.vector_load %arg14[%parallel_loop3A_596, %parallel_loop3A_597] {strides = array<i32>} : memref<64x128xf32, #tpu.memory_space<vmem>>, vector<16xf32>,
          %parallel_loop3A_599 = arith.index_cast %parallel_loop3A_403 : i32 to index
          %parallel_loop3A_600 = arith.constant 112 : index
          %parallel_loop3A_601 = tpu.vector_load %arg14[%parallel_loop3A_599, %parallel_loop3A_600] {strides = array<i32>} : memref<64x128xf32, #tpu.memory_space<vmem>>, vector<16xf32>,
          %parallel_loop3A_602 = arith.mulf %parallel_loop3A_582, %parallel_loop3A_598 : vector<16xf32>
          %parallel_loop3A_603 = arith.mulf %parallel_loop3A_585, %parallel_loop3A_601 : vector<16xf32>
          %parallel_loop3A_604 = arith.subf %parallel_loop3A_602, %parallel_loop3A_603 : vector<16xf32>
          %parallel_loop3A_605 = arith.subf %parallel_loop3A_604, %parallel_loop3A_590 : vector<16xf32>
          %parallel_loop3A_606 = arith.mulf %parallel_loop3A_582, %parallel_loop3A_601 : vector<16xf32>
          %parallel_loop3A_607 = arith.mulf %parallel_loop3A_585, %parallel_loop3A_598 : vector<16xf32>
          %parallel_loop3A_608 = arith.addf %parallel_loop3A_606, %parallel_loop3A_607 : vector<16xf32>
          %parallel_loop3A_609 = arith.subf %parallel_loop3A_608, %parallel_loop3A_595 : vector<16xf32>
          %parallel_loop3A_610 = arith.mulf %parallel_loop3A_605, %parallel_loop3A_605 : vector<16xf32>
          %parallel_loop3A_611 = arith.mulf %parallel_loop3A_609, %parallel_loop3A_609 : vector<16xf32>
          %parallel_loop3A_612 = arith.addf %parallel_loop3A_610, %parallel_loop3A_611 : vector<16xf32>
          %parallel_loop3A_613 = tpu.bitcast %parallel_loop3A_612 : vector<16xf32> -> vector<16xi32>
          %parallel_loop3A_614 = arith.constant 1 : i32
          %parallel_loop3A_615 = vector.broadcast %parallel_loop3A_614 : i32 to vector<16xi32>
          %parallel_loop3A_616 = arith.shrsi %parallel_loop3A_613, %parallel_loop3A_615 : vector<16xi32>
          %parallel_loop3A_617 = arith.constant 1597463007 : i32
          %parallel_loop3A_618 = vector.broadcast %parallel_loop3A_617 : i32 to vector<16xi32>
          %parallel_loop3A_619 = arith.subi %parallel_loop3A_618, %parallel_loop3A_616 : vector<16xi32>
          %parallel_loop3A_620 = tpu.bitcast %parallel_loop3A_619 : vector<16xi32> -> vector<16xf32>
          %parallel_loop3A_621 = arith.constant 5.000000e-01 : f32
          %parallel_loop3A_622 = vector.broadcast %parallel_loop3A_621 : f32 to vector<16xf32>
          %parallel_loop3A_623 = arith.mulf %parallel_loop3A_622, %parallel_loop3A_612 : vector<16xf32>
          %parallel_loop3A_624 = arith.mulf %parallel_loop3A_623, %parallel_loop3A_620 : vector<16xf32>
          %parallel_loop3A_625 = arith.mulf %parallel_loop3A_624, %parallel_loop3A_620 : vector<16xf32>
          %parallel_loop3A_626 = arith.constant 1.500000e+00 : f32
          %parallel_loop3A_627 = vector.broadcast %parallel_loop3A_626 : f32 to vector<16xf32>
          %parallel_loop3A_628 = arith.subf %parallel_loop3A_627, %parallel_loop3A_625 : vector<16xf32>
          %parallel_loop3A_629 = arith.mulf %parallel_loop3A_620, %parallel_loop3A_628 : vector<16xf32>
          %parallel_loop3A_630 = arith.mulf %parallel_loop3A_623, %parallel_loop3A_629 : vector<16xf32>
          %parallel_loop3A_631 = arith.mulf %parallel_loop3A_630, %parallel_loop3A_629 : vector<16xf32>
          %parallel_loop3A_632 = arith.constant 1.500000e+00 : f32
          %parallel_loop3A_633 = vector.broadcast %parallel_loop3A_632 : f32 to vector<16xf32>
          %parallel_loop3A_634 = arith.subf %parallel_loop3A_633, %parallel_loop3A_631 : vector<16xf32>
          %parallel_loop3A_635 = arith.mulf %parallel_loop3A_629, %parallel_loop3A_634 : vector<16xf32>
          %parallel_loop3A_636 = arith.mulf %parallel_loop3A_612, %parallel_loop3A_635 : vector<16xf32>
          %parallel_loop3A_637 = arith.addf %parallel_loop3A_579, %parallel_loop3A_636 : vector<16xf32>
          %parallel_loop3A_638 = arith.constant true
          %parallel_loop3A_639 = vector.broadcast %parallel_loop3A_638 : i1 to vector<16xi1>
          %parallel_loop3A_640 = tpu.scan <sum>, %parallel_loop3A_637 masked %parallel_loop3A_639 : vector<16xf32>, vector<16xi1> -> vector<16xf32>
          %parallel_loop3A_641 = vector.extract %parallel_loop3A_640[15] : f32 from vector<16xf32>
          %parallel_loop3A_642 = arith.constant 1.200000e+01 : f32
          %parallel_loop3A_643 = arith.subf %parallel_loop3A_642, %parallel_loop3A_641 : f32
          %parallel_loop3A_644 = vector.broadcast %parallel_loop3A_400 : i32 to vector<16xi32>
          %parallel_loop3A_645 = arith.cmpi eq, %iota3A, %parallel_loop3A_644 : vector<16xi32>
          %parallel_loop3A_646 = vector.broadcast %parallel_loop3A_643 : f32 to vector<16xf32>
          %parallel_loop3A_647 = arith.select %parallel_loop3A_645, %parallel_loop3A_646, %parallel_loop3A_398 : vector<16xi1>, vector<16xf32>
          scf.yield %parallel_loop3A_647 : vector<16xf32>
        }
        %parallel_loop3A_142 = arith.constant 16 : i32
        %parallel_loop3A_143 = arith.constant 64 : i32
        %parallel_loop3A_144 = arith.muli %add3A_130, %parallel_loop3A_143 : i32
        %parallel_loop3A_145 = arith.constant 16 : i32
        %parallel_loop3A_146 = arith.muli %parallel_loop3A_134, %parallel_loop3A_145 : i32
        %parallel_loop3A_147 = arith.addi %parallel_loop3A_144, %parallel_loop3A_146 : i32
        %parallel_loop3A_148 = arith.index_cast %parallel_loop3A_147 : i32 to index
        %parallel_loop3A_149 = tpu.vector_load %arg15[%parallel_loop3A_148] {strides = array<i32>} : memref<512xf32, #tpu.memory_space<vmem>>, vector<16xf32>,
        tpu.vector_store %arg15[%parallel_loop3A_148], %parallel_loop3A_141 {strides = array<i32>} : memref<512xf32, #tpu.memory_space<vmem>>, vector<16xf32>,
      } {sc.loop_unroll_factor = 1 : i64, sc.parallel_access}
    }
    %scan3A_57 = arith.constant 4 : i32
    %dma_wait3A_58 = arith.constant 0 : i32
    %dma_wait3A_59 = tpu.memref_slice %arg9[%dma_wait3A_58] : memref<1024xi32, #tpu.memory_space<vmem>> -> memref<128xi32, #tpu.memory_space<vmem>>
    %dma_wait3A_60 = arith.constant 0 : i32
    %dma_wait3A_61 = arith.constant 0 : i32
    %dma_wait3A_62 = tpu.memref_slice %arg3[%dma_wait3A_60, %dma_wait3A_61] : memref<1000000x128xf32, #tpu.memory_space<hbm>> -> memref<1000000x128xf32, #tpu.memory_space<hbm>>
    tpu.wait_indirect_dma semaphore(%arg16 : memref<!tpu.dma_semaphore, #tpu.memory_space<semaphore_mem>>) src(%dma_wait3A_62 : memref<1000000x128xf32, #tpu.memory_space<hbm>>) dst(%arg11 : memref<128x128xf32, #tpu.memory_space<vmem>>)
    %dma_wait3A_63 = arith.constant 0 : i32
    %dma_wait3A_64 = tpu.memref_slice %arg10[%dma_wait3A_63] : memref<512xi32, #tpu.memory_space<vmem>> -> memref<64xi32, #tpu.memory_space<vmem>>
    %dma_wait3A_65 = arith.constant 0 : i32
    %dma_wait3A_66 = arith.constant 0 : i32
    %dma_wait3A_67 = tpu.memref_slice %arg6[%dma_wait3A_65, %dma_wait3A_66] : memref<2048x128xf32, #tpu.memory_space<hbm>> -> memref<2048x128xf32, #tpu.memory_space<hbm>>
    tpu.wait_indirect_dma semaphore(%arg16 : memref<!tpu.dma_semaphore, #tpu.memory_space<semaphore_mem>>) src(%dma_wait3A_67 : memref<2048x128xf32, #tpu.memory_space<hbm>>) dst(%arg13 : memref<64x128xf32, #tpu.memory_space<vmem>>)
    "tpu.region"() ({
      %run_scoped3A = tpu.sem_alloc : memref<!tpu.dma_semaphore, #tpu.memory_space<semaphore_mem>>
      %dma_start3A_68 = tpu.memref_slice %arg5[%mul3A_2] : memref<16384xf32, #tpu.memory_space<hbm>> -> memref<512xf32, #tpu.memory_space<hbm>>
      %dma_start3A_69 = tpu.memref_slice %arg5[%mul3A_2] : memref<16384xf32, #tpu.memory_space<hbm>> -> memref<512xf32, #tpu.memory_space<hbm>>
      tpu.enqueue_dma source(%arg15 : memref<512xf32, #tpu.memory_space<vmem>>) target(%dma_start3A_69 : memref<512xf32, #tpu.memory_space<hbm>>) target_semaphore(%run_scoped3A : memref<!tpu.dma_semaphore, #tpu.memory_space<semaphore_mem>>)
      %dma_wait3A_70 = tpu.memref_slice %arg5[%mul3A_2] : memref<16384xf32, #tpu.memory_space<hbm>> -> memref<512xf32, #tpu.memory_space<hbm>>
      %dma_wait3A_71 = tpu.memref_slice %arg5[%mul3A_2] : memref<16384xf32, #tpu.memory_space<hbm>> -> memref<512xf32, #tpu.memory_space<hbm>>
      tpu.wait_dma2 semaphore(%run_scoped3A : memref<!tpu.dma_semaphore, #tpu.memory_space<semaphore_mem>>) src(%arg15 : memref<512xf32, #tpu.memory_space<vmem>>) dst(%dma_wait3A_71 : memref<512xf32, #tpu.memory_space<hbm>>)
      tpu.yield
    }) : () -> ()
    return
  }
}

</mosaic_0001>

<sc_bundles>
// kernel: kernel.3.cloned.1.call-start
scs
__scs_entry_jumppad:
0x0: {  	(pc) =	sbr.rel $0x88, $3  }
0x1: {  	(tag) =	ssettag $0x0;
	lr =	simm.s32 $0x1  }
0x2: {  	[smem:$0x3F9E] =	sst lr;
	_ =	strace $0xD0000000  }
0x3: {  	_ = 	snop  }
0x4: {  	_ = 	snop  }
0x5: {  	_ = 	snop  }
0x6: {  	_ = 	snop  }
0x7: {  	_ = 	snop  }
__scs_overlays_trampoline_lowered:
0x8: {  	[smem:$0x3FAD] =	sst s0  }
0x9: {  	[smem:$0x3FAE] =	sst s1  }
0xa: {  	[smem:$0x3FAF] =	sst s2  }
0xb: {  	[smem:$0x3FB0] =	sst s3  }
0xc: {  	[smem:$0x3FB1] =	sst s4  }
0xd: {  	[smem:$0x3FB2] =	sst s5  }
0xe: {  	[smem:$0x3FB3] =	sst s6  }
0xf: {  	[smem:$0x3FB4] =	sst s7  }
0x10: {  	[smem:$0x3FB5] =	sst s8  }
0x11: {  	[smem:$0x3FB6] =	sst s9;
	s0 =	simm.s32 @!p0 $0x0  }
0x12: {  	s1 =	sld [smem:$0x3F9C];
	s0 =	simm.s32 @p0 $0x1  }
0x13: {  	[smem:$0x3FB7] =	sst s0;
	s0 =	simm.s32 @!p1 $0x0  }
0x14: {  	s2 =	sld [smem:$0x3F9B];
	s0 =	simm.s32 @p1 $0x1  }
0x15: {  	[smem:$0x3FB8] =	sst s0;
	s0 =	simm.s32 @!p2 $0x0  }
0x16: {  	s3 =	sld [smem:$0x3FDB];
	s0 =	simm.s32 @p2 $0x1  }
0x17: {  	s4 =	simm.s32 $0x1BF5;
	[smem:$0x3FBA] =	sst s0  }
0x18: {  	s0 =	sld [smem:$0x3F9D];
	_ =	swait.ge [sflag:s4], $0x0  }
0x19: {  	s7 =	sld [smem:$0x3F9E]  }
0x1a: {  	s8 =	sadd.s32 $0xFFFFE003, lr  }
0x1b: {  	s9 =	sadd.s32 $0xFFFFFEF7, lr;
	s5 =	simm.s32 $0xFFFFFFFF;
	p2 =	slt.u32 s8, $0xFFFFF086  }
0x1c: {  	p1 =	slt.u32 s9, $0xF7A;
	s5 =	simm.s32 @!p2 $0x0  }
0x1d: {  	s5 =	simm.s32 @p1 $0x1;
	p0 =	seq.s32 s7, s2  }
0x1e: {  	s7 =	smul.u32 @!p0 $0xF7A, s2;
	p2 =	seq.s32 @!p0 s5, $0x0  }
0x1f: {  	s9 =	smul.u32 $0xF7A, s1;
	s8 =	simm.s32 @!p0 $0x1BF5;
	p2 =	por !p2, p0  }
0x20: {  	[sflag:s8] =	ssyncset.s32 @!p0 $0xFFFFF086;
	s6 =	sadd.s32 @!p0 s3, s7;
	s7 =	simm.s32 @!p0 $0x108  }
0x21: {  	s3 =	sadd.s32 s3, s9;
	s6 =	sadd.s32 @!p0 $0x88, s6;
	s7 =	simm.s32 @p2 $0x1082  }
0x22: {  	[simem:s7], [sflag:s8] =	dma.local @!p0 [hbm:s6], $0xF7A  }
0x23: {  	s9 =	sor.u32 $0xD0000000, s2;
	s6 =	simm.s32 $0x108;
	_ =	swait.ge @!p0 [sflag:s8], $0x0  }
0x24: {  	s3 =	sadd.s32 $0x88, s3;
	s6 =	simm.s32 @!p1 $0x1082;
	[sflag:s4] =	ssyncset.s32 $0xFFFFF086  }
0x25: {  	[simem:s6], [sflag:s4] =	dma.local [hbm:s3], $0xF7A  }
0x26: {  	[smem:$0x3F9E] =	sst s1;
	(tag) =	ssettag s2;
	_ =	strace s9  }
0x27: {  	s1 =	sld [smem:$0x3FAE]  }
0x28: {  	s2 =	sld [smem:$0x3FAF]  }
0x29: {  	s4 =	sld [smem:$0x3FB1]  }
0x2a: {  	p0 =	seq.s32 s5, $0x0;
	s5 =	sld [smem:$0x3FB2]  }
0x2b: {  	s6 =	sld [smem:$0x3FB3]  }
0x2c: {  	s7 =	sld [smem:$0x3FB4]  }
0x2d: {  	s3 =	simm.s32 $0x108;
	s8 =	sld [smem:$0x3FB5]  }
0x2e: {  	s3 =	simm.s32 @!p0 $0x1082;
	s9 =	sld [smem:$0x3FB6]  }
0x2f: {  	lr =	sadd.s32 s0, s3;
	s0 =	sld [smem:$0x3FAD]  }
0x30: {  	s3 =	sld [smem:$0x3FB0]  }
0x31: {  	[smem:$0x3FB9] =	sst s10  }
0x32: {  	s10 =	sld [smem:$0x3FB7];
	_ =	sdelay $0x3  }
0x33: {  	p0 =	seq.s32 s10, $0x1;
	s10 =	sld [smem:$0x3FB9];
	_ =	sdelay $0x3  }
0x34: {  	[smem:$0x3FB9] =	sst s10  }
0x35: {  	s10 =	sld [smem:$0x3FB8];
	_ =	sdelay $0x3  }
0x36: {  	p1 =	seq.s32 s10, $0x1;
	s10 =	sld [smem:$0x3FB9];
	_ =	sdelay $0x3  }
0x37: {  	[smem:$0x3FB9] =	sst s10  }
0x38: {  	s10 =	sld [smem:$0x3FBA]  }
0x39: {  	_ = 	snop;
	(pc) =	sbr.ind lr, $3  }
0x3a: {  	_ = 	snop  }
0x3b: {  	_ = 	snop  }
0x3c: {  	p2 =	seq.s32 s10, $0x1;
	s10 =	sld [smem:$0x3FB9]  }
0x3d: {  	_ =	shalt  }
0x3e: {  	_ =	shalt  }
0x3f: {  	_ =	shalt  }
0x40: {  	_ =	shalt  }
0x41: {  	_ =	shalt  }
0x42: {  	_ =	shalt  }
0x43: {  	_ =	shalt  }
0x44: {  	_ =	shalt  }
0x45: {  	_ =	shalt  }
0x46: {  	_ =	shalt  }
0x47: {  	_ =	shalt  }
0x48: {  	_ =	shalt  }
0x49: {  	_ =	shalt  }
0x4a: {  	_ =	shalt  }
0x4b: {  	_ =	shalt  }
0x4c: {  	_ =	shalt  }
0x4d: {  	_ =	shalt  }
0x4e: {  	_ =	shalt  }
0x4f: {  	_ =	shalt  }
0x50: {  	_ =	shalt  }
0x51: {  	_ =	shalt  }
0x52: {  	_ =	shalt  }
0x53: {  	_ =	shalt  }
0x54: {  	_ =	shalt  }
0x55: {  	_ =	shalt  }
0x56: {  	_ =	shalt  }
0x57: {  	_ =	shalt  }
0x58: {  	_ =	shalt  }
0x59: {  	_ =	shalt  }
0x5a: {  	_ =	shalt  }
0x5b: {  	_ =	shalt  }
0x5c: {  	_ =	shalt  }
0x5d: {  	_ =	shalt  }
0x5e: {  	_ =	shalt  }
0x5f: {  	_ =	shalt  }
0x60: {  	_ =	shalt  }
0x61: {  	_ =	shalt  }
0x62: {  	_ =	shalt  }
0x63: {  	_ =	shalt  }
0x64: {  	_ =	shalt  }
0x65: {  	_ =	shalt  }
0x66: {  	_ =	shalt  }
0x67: {  	_ =	shalt  }
0x68: {  	_ =	shalt  }
0x69: {  	_ =	shalt  }
0x6a: {  	_ =	shalt  }
0x6b: {  	_ =	shalt  }
0x6c: {  	_ =	shalt  }
0x6d: {  	_ =	shalt  }
0x6e: {  	_ =	shalt  }
0x6f: {  	_ =	shalt  }
0x70: {  	_ =	shalt  }
0x71: {  	_ =	shalt  }
0x72: {  	_ =	shalt  }
0x73: {  	_ =	shalt  }
0x74: {  	_ =	shalt  }
0x75: {  	_ =	shalt  }
0x76: {  	_ =	shalt  }
0x77: {  	_ =	shalt  }
0x78: {  	_ =	shalt  }
0x79: {  	_ =	shalt  }
0x7a: {  	_ =	shalt  }
0x7b: {  	_ =	shalt  }
0x7c: {  	_ =	shalt  }
0x7d: {  	_ =	shalt  }
0x7e: {  	_ =	shalt  }
0x7f: {  	_ =	shalt  }
0x80: {  	_ =	shalt  }
0x81: {  	_ =	shalt  }
0x82: {  	_ =	shalt  }
0x83: {  	_ =	shalt  }
0x84: {  	_ =	shalt  }
0x85: {  	_ =	shalt  }
0x86: {  	_ =	shalt  }
0x87: {  	_ =	shalt  }
.Lfunc_end0:
.L_simem_size_0:
called_computation_lowered:
.L_overlay_start_0:
0x88: {  	s2 =	sld [smem:$0x3FD9]  }
0x89: {  	s3 =	sld [smem:$0x3FFE];
	_ =	sdelay $0x1  }
0x8a: {  	s1 =	srdreg.scid  }
0x8b: {  	s0 =	sand.u32 $0x1, s1  }
0x8c: {  	s17 =	sshll.u32 s0, $0xA;
	s2 =	sadd.s32 s3, s2  }
0x8d: {  	s2 =	sadd.s32 s2, s17  }
0x8e: {  	[smem:$0x3FC5] =	sst s2  }
0x8f: {  	_ = 	snop  }
0x90: {  	s2 =	sld [smem:$0x3FC8]  }
0x91: {  	s18 =	sld [smem:$0x3FD0];
	(tm) =	ssettm $0x1  }
0x92: {  	s4 =	sld [smem:$0x3FFB];
	_ =	sdelay $0x3  }
0x93: {  	_ =	strace s4  }
0x94: {  	s4 =	sld [smem:$0x3FFC];
	_ =	sdelay $0x3  }
0x95: {  	_ =	strace s4  }
0x96: {  	s4 =	sld [smem:$0x3FFD];
	_ =	sdelay $0x3  }
0x97: {  	_ =	strace s4  }
0x98: {  	_ =	strace $0x8FFFFFFF  }
0x99: {  	s19 =	sld [smem:$0x3FDB];
	_ =	sdelay $0x1  }
0x9a: {  	s5 =	simm.s32 $_scs_section_size  }
0x9b: {  	s6 =	simm.s32 $_size__tile_overlayer_lowered;
	s7 =	simm.s32 $_tile_overlayer_lowered  }
0x9c: {  	s22 =	simm.s32 $0x1BFF;
	s21 =	sshll.u32 s7, $0x1;
	s4 =	sadd.s32 s5, s19  }
0x9d: {  	s8 =	simm.s32 $0x0;
	s20 =	sshll.u32 s6, $0x1;
	s6 =	sadd.s32 s21, s4  }
0x9e: {  	[timem:s8], [sflag:s22] =	dma.local [hbm:s6], s20  }
0x9f: {  	_ =	swait.ge [sflag:s22], s20  }
0xa0: {  	s5 =	ssub.s32 $0x0, s20;
	[sflag:s22] =	ssyncset.done $0x0  }
0xa1: {  	[sflag:s22] =	ssyncadd.s32 s5;
	_ =	sdelay $0x1  }
0xa2: {  	s23 =	simm.s32 $0x1B8B  }
0xa3: {  	_ =	swait.ge [sflag:s23], $0x1  }
0xa4: {  	[sflag:s23] =	ssyncset.done $0x0  }
0xa5: {  	s25 =	simm.s32 $0x1B8E;
	s24 =	sld [smem:$0x3FFE];
	[sflag:s23] =	ssyncadd.s32 $0xFFFFFFFF  }
0xa6: {  	s26 =	simm.s32 $execute0_lowered;
	[smem:$0x3FD2] =	sst s25  }
0xa7: {  	s6 =	sshll.u32 s26, $0x1;
	_ =	strace $0x80000046;
	[dreg:$0x1] =	wrdreg $0xFFFFFFFF  }
0xa8: {  	s28 =	simm.s32 $_size_execute0_lowered;
	s4 =	sadd.s32 s4, s6;
	[dreg:$0x0] =	wrdreg $0x0  }
0xa9: {  	s6 =	sshll.u32 s28, $0x1;
	[dreg:$0x2] =	wrdreg s4  }
0xaa: {  	[dreg:$0x3] =	wrdreg s6  }
0xab: {  	[dreg:$0x4] =	wrdreg $0xC0  }
0xac: {  	_ =	task [dreg:s8], $0x5FFFF  }
0xad: {  	[dreg:$0x1] =	wrdreg $0xFFFFFFFF  }
0xae: {  	[dreg:$0x0] =	wrdreg $0x60  }
0xaf: {  	[dreg:$0x2] =	wrdreg s24  }
0xb0: {  	[dreg:$0x3] =	wrdreg s2  }
0xb1: {  	[dreg:$0x4] =	wrdreg s18  }
0xb2: {  	[dreg:$0x5] =	wrdreg $0x9  }
0xb3: {  	_ =	task.clear_ibuf [dreg:s8], $0x6FFFF;
	_ =	strace $0x90000046  }
0xb4: {  	s29 =	simm.s32 $0x9;
	_ =	strace $0x80000048  }
0xb5: {  	_ =	swait.ge [sflag:s29], $0x1  }
0xb6: {  	[sflag:s29] =	ssyncadd.s32 $0xFFFFFFFF  }
0xb7: {  	_ =	strace $0x90000048  }
0xb8: {  	_ =	sfence  }
0xb9: {  	s30 =	sld [smem:$0x0];
	_ =	sdelay $0x2  }
0xba: {  	s31 =	sshll.u32 s1, $0xD;
	s1 =	sshrl.u32 s1, $0x2  }
0xbb: {  	s3 =	sand.u32 $0x4000, s31;
	s1 =	sadd.s32 s1, s30  }
0xbc: {  	s0 =	sor.u32 s3, s0;
	s1 =	sshll.u32 s1, $0x11  }
0xbd: {  	s0 =	sor.u32 s1, s0  }
0xbe: {  	s0 =	sadd.s32 $0x8F2B, s0  }
0xbf: {  	[sflag:s0] =	ssyncadd.remote.s32 $0x1  }
0xc0: {  	_ =	sfence.sel $0xFFFF  }
0xc1: {  	[dreg:$0x0] =	wrdreg $0xFFFFFFFF;
	(pc) =	sbr.abs _section_cstart, $3  }
0xc2: {  	[dreg:$0x1] =	wrdreg $0xFFFFFFFF  }
0xc3: {  	_ =	task.clear_ibuf [dreg:s8], $0x2FFFF;
	_ =	strace $0x9FFFFFFF  }
0xc4: {  	(tm) =	ssettm $0x7FFFFFFF  }
0xc5: {  	_ =	shalt  }
tec
execute0_lowered:
.L_overlay_start_1:
0x0: {  	(tag) =	ssettag $0x1  }
0x1: {  	s0 =	rddreg [dreg:$0x0]  }
0x2: {  	s2 =	rddreg [dreg:$0x1]  }
0x3: {  	s1 =	rddreg [dreg:$0x2]  }
0x4: {  	s3 =	srdreg.scid;
	s7 =	stileid.u32;
	s11 =	simm.s32 $0x3  }
0x5: {  	s12 =	simm.s32 $0x12600;
	s13 =	simm.s32 $0x2;
	s14 =	simm.s32 $0x80  }
0x6: {  	s16 =	simm.s32 $0x40;
	s18 =	simm.s32 $0x1A600;
	s19 =	simm.s32 $0x16600  }
0x7: {  	s20 =	simm.s32 $0x1C600;
	s21 =	simm.s32 $0x1;
	s23 =	simm.s32 $0x0  }
0x8: {  	s4 =	sand.u32 $0x1, s3;
	s3 =	simm.s32 $0x0;
	s5 =	sshll.u32 s7, $0xA  }
0x9: {  	s25 =	sshll.u32 s7, $0x6;
	s6 =	sshll.u32 s4, $0x9;
	[smem:$0x7FF] =	sst s3  }
0xa: {  	s9 =	ssub.s32 $0x2, s4;
	s15 =	sshll.u32 s4, $0xA;
	s4 =	sadd.s32 $0x44800, s0  }
0xb: {  	s6 =	sor.u32 s6, s5;
	_ =	strace $0x80000047;
	s5 =	smin.u32 s25, $0x3A8  }
0xc: {  	s10 =	sshrl.u32 s9, $0x1;
	s26 =	sshll.u32 s6, $0x4;
	s8 =	sshll.u32 s5, $0x4  }
0xd: {  	s28 =	ssub.s32 s9, s10;
	s29 =	sor.u32 s15, s5;
	s31 =	sshrl.u32 s6, $0x3  }
0xe: {  	s10 =	simm.s32 $0x2000;
	s7 =	sadd.s32 s26, s0;
	s8 =	sadd.s32 s8, s0  }
0xf: {  	v0 =	vlaneseq.u32;
	s30 =	sshll.u32 s29, $0x4;
	s9 =	smax.u32 s28, $0x1;
	s5 =	sadd.s32 $0x4800, s7  }
0x10: {  	v2 =	vmul.u32 $0x80, v0;
	v1 =	vmov s15;
	s6 =	sadd.s32 $0x800, s8;
	s7 =	sadd.s32 s4, s30;
	s8 =	sadd.s32 s1, s31  }
.LBB2_1:
0x11: {  	[tilespmem:s10], [sflag:$0x2] =	stream.linear.gather [hbm4b:s5+s3], $0x10000, $0x38;
	[tilespmem:$0x1E800] =	vst v63  }
0x12: {  	_ = 	snop  }
0x13: {  	[tilespmem:s3], [sflag:$0x3] =	stream.linear.gather [hbm4b:s6+s3], $0x2000, $0x38;
	[tilespmem:$0x1E800] =	vst v63  }
0x14: {  	_ =	swait.ge [sflag:s11], $0x2000  }
0x15: {  	[sflag:s11] =	ssyncset.done $0x0  }
0x16: {  	s0 =	simm.s32 $0x0;
	[sflag:s11] =	ssyncadd.s32 $0xFFFFE000  }
0x17: {  	v3 =	vld [tilespmem:s0+$0x30];
	_ =	sdelay $0x1  }
0x18: {  	v4 =	vld [tilespmem:s0+$0x0];
	_ =	sdelay $0x2  }
0x19: {  	v14 =	vmul.f32 $1.436156650e+01, v3;
	_ =	sdelay $0x1  }
0x1a: {  	v15 =	vmul.f32 $1.436156650e+01, v4;
	v6 =	vmul.f32 v14, v14  }
0x1b: {  	v3 =	vld [tilespmem:s0+$0x20]  }
0x1c: {  	v7 =	vld [tilespmem:s0+$0x10];
	v4 =	vmul.f32 v15, v15;
	v5 =	vmul.f32 $2.197296420e-07, v6  }
0x1d: {  	v8 =	vmul.f32 $2.036224520e-08, v6  }
0x1e: {  	v10 =	vmul.f32 $2.036224520e-08, v4;
	v5 =	vsub.f32 $2.420294190e-05, v5  }
0x1f: {  	v8 =	vsub.f32 $2.699714740e-06, v8  }
0x20: {  	v10 =	vsub.f32 $2.699714740e-06, v10;
	v9 =	vmul.f32 v5, v6;
	v5 =	vmul.f32 $1.436156650e+01, v3  }
0x21: {  	v3 =	vmul.f32 $1.436156650e+01, v7;
	v8 =	vmul.f32 v8, v6  }
0x22: {  	v10 =	vmul.f32 v10, v4;
	v9 =	vadd.f32 $-1.385879000e-03, v9;
	v16 =	vmul.f32 v5, v5  }
0x23: {  	v7 =	vmul.f32 v3, v3;
	v8 =	vadd.f32 $-1.980863310e-04, v8  }
0x24: {  	v10 =	vadd.f32 $-1.980863310e-04, v10;
	v9 =	vmul.f32 v9, v6;
	v11 =	vmul.f32 $2.036224520e-08, v16  }
0x25: {  	v8 =	vmul.f32 v8, v6;
	v12 =	vmul.f32 $2.197296420e-07, v7  }
0x26: {  	v10 =	vmul.f32 v10, v4;
	v13 =	vmul.f32 $2.036224520e-08, v7;
	v9 =	vadd.f32 $4.165977610e-02, v9  }
0x27: {  	v18 =	vmul.f32 $2.197296420e-07, v16;
	v11 =	vsub.f32 $2.699714740e-06, v11;
	v8 =	vadd.f32 $8.332403370e-03, v8  }
0x28: {  	v12 =	vsub.f32 $2.420294190e-05, v12;
	v13 =	vsub.f32 $2.699714740e-06, v13;
	v9 =	vmul.f32 v9, v6  }
0x29: {  	s1 =	simm.s32 $0x80;
	v10 =	vadd.f32 $8.332403370e-03, v10;
	v11 =	vmul.f32 v11, v16;
	v8 =	vmul.f32 v8, v6  }
0x2a: {  	v17 =	vld [tilespmem:s1+$0x30];
	v12 =	vmul.f32 v12, v7;
	v20 =	vmul.f32 v13, v7;
	v9 =	vadd.f32 $-4.999942180e-01, v9  }
0x2b: {  	v19 =	vld [tilespmem:s1+$0x10];
	v10 =	vmul.f32 v10, v4;
	v11 =	vadd.f32 $-1.980863310e-04, v11;
	v8 =	vadd.f32 $-1.666655240e-01, v8  }
0x2c: {  	v13 =	vsub.f32 $2.420294190e-05, v18;
	v20 =	vadd.f32 $-1.980863310e-04, v20;
	v9 =	vmul.f32 v9, v6  }
0x2d: {  	v11 =	vmul.f32 v11, v16;
	v6 =	vmul.f32 v8, v6;
	v8 =	vadd.f32 $-1.666655240e-01, v10  }
0x2e: {  	v18 =	vmul.f32 $2.197296420e-07, v4;
	v12 =	vadd.f32 $-1.385879000e-03, v12;
	v10 =	vld [tilespmem:s1+$0x0];
	v9 =	vadd.f32 $9.999992250e-01, v9  }
0x2f: {  	v20 =	vmul.f32 v20, v7;
	v11 =	vadd.f32 $8.332403370e-03, v11;
	v23 =	vmul.f32 v8, v4  }
0x30: {  	v21 =	vadd.f32 $9.999995820e-01, v6;
	v6 =	vmul.f32 $1.436156650e+01, v19;
	v8 =	vmul.f32 $1.436156650e+01, v17;
	[tilespmem:s0+$0x12630] =	vst v9  }
0x31: {  	v20 =	vadd.f32 $8.332403370e-03, v20;
	v9 =	vmul.f32 v11, v16;
	v11 =	vmul.f32 v13, v16;
	v22 =	vld [tilespmem:s1+$0x20]  }
0x32: {  	v13 =	vsub.f32 $2.420294190e-05, v18;
	v18 =	vmul.f32 v12, v7;
	v19 =	vmul.f32 v8, v8  }
0x33: {  	v63 =	vmul.f32 v21, v14;
	v12 =	vadd.f32 $-1.666655240e-01, v9;
	v9 =	vmul.f32 $1.436156650e+01, v10  }
0x34: {  	v17 =	vadd.f32 $9.999995820e-01, v23;
	v10 =	vmul.f32 v13, v4;
	v13 =	vmul.f32 v6, v6  }
0x35: {  	v11 =	vadd.f32 $-1.385879000e-03, v11;
	v27 =	vmul.f32 $2.197296420e-07, v19;
	v23 =	vmul.f32 v12, v16  }
0x36: {  	v12 =	vmul.f32 $1.436156650e+01, v22;
	v22 =	vadd.f32 $-1.385879000e-03, v10;
	v10 =	vmul.f32 $2.036224520e-08, v19  }
0x37: {  	v18 =	vadd.f32 $4.165977610e-02, v18;
	v15 =	vmul.f32 v17, v15;
	v24 =	vmul.f32 v11, v16  }
0x38: {  	v11 =	vmul.f32 v9, v9;
	v25 =	vmul.f32 $2.197296420e-07, v13;
	v28 =	vsub.f32 $2.699714740e-06, v10  }
0x39: {  	v26 =	vmul.f32 $2.036224520e-08, v13;
	v18 =	vmul.f32 v18, v7;
	v27 =	vsub.f32 $2.420294190e-05, v27  }
0x3a: {  	v24 =	vadd.f32 $4.165977610e-02, v24;
	v29 =	vmul.f32 $2.036224520e-08, v11;
	v28 =	vmul.f32 v28, v19  }
0x3b: {  	v25 =	vsub.f32 $2.420294190e-05, v25;
	v27 =	vmul.f32 v27, v19;
	v18 =	vadd.f32 $-4.999942180e-01, v18  }
0x3c: {  	v10 =	vmul.f32 v12, v12;
	v24 =	vmul.f32 v24, v16;
	v28 =	vadd.f32 $-1.980863310e-04, v28  }
0x3d: {  	v26 =	vsub.f32 $2.699714740e-06, v26;
	v18 =	vmul.f32 v18, v7;
	v25 =	vmul.f32 v25, v13  }
0x3e: {  	v55 =	vadd.f32 $-1.385879000e-03, v27;
	v22 =	vmul.f32 v22, v4;
	v56 =	vmul.f32 v28, v19  }
0x3f: {  	[tilespmem:s0+$0x12640] =	vst v15;
	v57 =	vsub.f32 $2.699714740e-06, v29;
	v15 =	vmul.f32 v26, v13;
	v30 =	vmul.f32 $2.036224520e-08, v10  }
0x40: {  	v17 =	vadd.f32 $-4.999942180e-01, v24;
	v24 =	vmul.f32 v55, v19;
	v27 =	vadd.f32 $8.332403370e-03, v56  }
0x41: {  	v22 =	vadd.f32 $4.165977610e-02, v22;
	v30 =	vsub.f32 $2.699714740e-06, v30;
	v28 =	vmul.f32 v57, v11  }
0x42: {  	v16 =	vmul.f32 v17, v16;
	v17 =	vadd.f32 $4.165977610e-02, v24;
	v59 =	vmul.f32 v27, v19  }
0x43: {  	v18 =	vadd.f32 $9.999992250e-01, v18;
	v22 =	vmul.f32 v22, v4;
	v60 =	vadd.f32 $-1.980863310e-04, v28  }
0x44: {  	v58 =	vmul.f32 v30, v10;
	v17 =	vmul.f32 v17, v19;
	v24 =	vadd.f32 $-1.666655240e-01, v59  }
0x45: {  	v61 =	vadd.f32 $9.999992250e-01, v16;
	v16 =	vadd.f32 $-1.385879000e-03, v25;
	v27 =	vmul.f32 v60, v11  }
0x46: {  	[tilespmem:s0+$0x12670] =	vst v63;
	v62 =	vadd.f32 $-4.999942180e-01, v17;
	v17 =	vadd.f32 $-4.999942180e-01, v22;
	v24 =	vmul.f32 v24, v19  }
0x47: {  	[tilespmem:s0+$0x12610] =	vst v18;
	v22 =	vmul.f32 v20, v7;
	v21 =	vadd.f32 $-1.980863310e-04, v58;
	v18 =	vadd.f32 $8.332403370e-03, v27  }
0x48: {  	s15 =	simm.s32 $0x400;
	[tilespmem:s0+$0x12620] =	vst v61;
	v20 =	vadd.f32 $9.999995820e-01, v23;
	v19 =	vmul.f32 v62, v19;
	v14 =	vadd.f32 $9.999995820e-01, v24  }
.LBB2_2:
0x49: {  	v18 =	vmul.f32 v18, v11;
	v23 =	vmul.f32 $2.197296420e-07, v10  }
0x4a: {  	s24 =	sshra.s32 s15, $0x2;
	p0 =	sne.s32 s15, $0x7E00;
	s15 =	sadd.s32 $0x200, s15;
	v22 =	vadd.f32 $-1.666655240e-01, v22;
	v25 =	vmul.f32 $2.197296420e-07, v11;
	v17 =	vmul.f32 v17, v4  }
0x4b: {  	v24 =	vld [tilespmem:s24+$0x30];
	v21 =	vmul.f32 v21, v10;
	v19 =	vadd.f32 $9.999992250e-01, v19;
	v20 =	vmul.f32 v20, v5;
	v5 =	vmovc v12  }
0x4c: {  	v12 =	vld [tilespmem:s24+$0x10];
	v18 =	vadd.f32 $-1.666655240e-01, v18;
	v23 =	vsub.f32 $2.420294190e-05, v23;
	v22 =	vmul.f32 v22, v7;
	v7 =	vmovc v13  }
0x4d: {  	v4 =	vmovc v11;
	v17 =	vadd.f32 $9.999992250e-01, v17;
	v13 =	vld [tilespmem:s24+$0x0];
	v21 =	vadd.f32 $8.332403370e-03, v21;
	v16 =	vmul.f32 v16, v7  }
0x4e: {  	[tilespmem:s1+$0x12630] =	vst v19;
	v18 =	vmul.f32 v18, v4;
	v19 =	vmul.f32 v23, v10;
	v22 =	vadd.f32 $9.999995820e-01, v22  }
0x4f: {  	v11 =	vld [tilespmem:s24+$0x20];
	[tilespmem:s0+$0x12660] =	vst v20;
	v20 =	vsub.f32 $2.420294190e-05, v25;
	v21 =	vmul.f32 v21, v10;
	v16 =	vadd.f32 $4.165977610e-02, v16  }
0x50: {  	v19 =	vadd.f32 $-1.385879000e-03, v19;
	v22 =	vmul.f32 v22, v3;
	v23 =	vmul.f32 $1.436156650e+01, v24  }
0x51: {  	v3 =	vmovc v6;
	v20 =	vmul.f32 v20, v4;
	v18 =	vadd.f32 $9.999995820e-01, v18;
	v6 =	vmul.f32 $1.436156650e+01, v12  }
0x52: {  	v12 =	vadd.f32 $-1.666655240e-01, v21;
	v16 =	vmul.f32 v16, v7;
	v21 =	vmul.f32 $1.436156650e+01, v13  }
0x53: {  	[tilespmem:s0+$0x12650] =	vst v22;
	v24 =	vmul.f32 v23, v23;
	v19 =	vmul.f32 v19, v10  }
0x54: {  	v18 =	vmul.f32 v18, v9;
	v25 =	vmul.f32 v12, v10;
	[tilespmem:s0+$0x12600] =	vst v17;
	s0 =	smov.u32 s1;
	s1 =	smov.u32 s24  }
0x55: {  	v13 =	vmul.f32 v6, v6;
	v12 =	vmul.f32 $1.436156650e+01, v11;
	v17 =	vadd.f32 $-1.385879000e-03, v20  }
0x56: {  	v20 =	vmul.f32 $2.036224520e-08, v24;
	v11 =	vmul.f32 v21, v21  }
0x57: {  	v15 =	vadd.f32 $-1.980863310e-04, v15;
	v27 =	vmul.f32 $2.197296420e-07, v24;
	v22 =	vmul.f32 $2.197296420e-07, v13  }
0x58: {  	v19 =	vadd.f32 $4.165977610e-02, v19;
	v26 =	vmul.f32 $2.036224520e-08, v13;
	v20 =	vsub.f32 $2.699714740e-06, v20  }
0x59: {  	v28 =	vmul.f32 v12, v12;
	v29 =	vmul.f32 $2.036224520e-08, v11;
	v27 =	vsub.f32 $2.420294190e-05, v27  }
0x5a: {  	v16 =	vadd.f32 $-4.999942180e-01, v16;
	v19 =	vmul.f32 v19, v10;
	v20 =	vmul.f32 v20, v24  }
0x5b: {  	v22 =	vsub.f32 $2.420294190e-05, v22;
	v30 =	vmul.f32 $2.036224520e-08, v28;
	v27 =	vmul.f32 v27, v24  }
0x5c: {  	v16 =	vmul.f32 v16, v7;
	v19 =	vadd.f32 $-4.999942180e-01, v19;
	v20 =	vadd.f32 $-1.980863310e-04, v20  }
0x5d: {  	v9 =	vmovc v21;
	v17 =	vmul.f32 v17, v4;
	v30 =	vsub.f32 $2.699714740e-06, v30;
	v21 =	vadd.f32 $-1.385879000e-03, v27  }
0x5e: {  	v22 =	vmul.f32 v22, v13;
	v27 =	vsub.f32 $2.699714740e-06, v29;
	v20 =	vmul.f32 v20, v24  }
0x5f: {  	v29 =	vmul.f32 v30, v28;
	[tilespmem:s0+$0x12640] =	vst v18;
	v18 =	vmul.f32 v21, v24  }
0x60: {  	v16 =	vadd.f32 $9.999992250e-01, v16;
	v20 =	vadd.f32 $8.332403370e-03, v20;
	v21 =	vmul.f32 v27, v11  }
0x61: {  	v17 =	vadd.f32 $4.165977610e-02, v17;
	v19 =	vmul.f32 v19, v10;
	v10 =	vmovc v28;
	v18 =	vadd.f32 $4.165977610e-02, v18  }
0x62: {  	v15 =	vmul.f32 v15, v7;
	v20 =	vmul.f32 v20, v24;
	v21 =	vadd.f32 $-1.980863310e-04, v21  }
0x63: {  	v17 =	vmul.f32 v17, v4;
	[tilespmem:s0+$0x12610] =	vst v16;
	v16 =	vadd.f32 $9.999992250e-01, v19;
	v18 =	vmul.f32 v18, v24  }
0x64: {  	v19 =	vadd.f32 $-1.666655240e-01, v20;
	v20 =	vmul.f32 v21, v11;
	v21 =	vsub.f32 $2.699714740e-06, v26  }
.Ltmp0:
0x65: {  	v26 =	vadd.f32 $8.332403370e-03, v15;
	[tilespmem:s0+$0x12620] =	vst v16;
	(pc) =	sbr.rel @p0 .LBB2_2-.Ltmp0, $4  }
0x66: {  	v16 =	vadd.f32 $-1.385879000e-03, v22;
	v27 =	vadd.f32 $-4.999942180e-01, v18;
	v19 =	vmul.f32 v19, v24  }
0x67: {  	v17 =	vadd.f32 $-4.999942180e-01, v17;
	v28 =	vmul.f32 v14, v8;
	v8 =	vmovc v23;
	v18 =	vadd.f32 $8.332403370e-03, v20  }
0x68: {  	v15 =	vmul.f32 v21, v13;
	v22 =	vmul.f32 v26, v7;
	v14 =	vadd.f32 $9.999995820e-01, v19  }
0x69: {  	v21 =	vadd.f32 $-1.980863310e-04, v29;
	v20 =	vadd.f32 $9.999995820e-01, v25;
	v19 =	vmul.f32 v27, v24;
	[tilespmem:s0+$0x12670] =	vst v28  }
0x6a: {  	v23 =	vmul.f32 $2.197296420e-07, v10  }
0x6b: {  	v18 =	vmul.f32 v18, v11;
	v22 =	vadd.f32 $-1.666655240e-01, v22;
	v56 =	vmul.f32 $2.197296420e-07, v11  }
0x6c: {  	v4 =	vmul.f32 v17, v4;
	v16 =	vmul.f32 v16, v13;
	v15 =	vadd.f32 $-1.980863310e-04, v15  }
0x6d: {  	v21 =	vmul.f32 v21, v10;
	v19 =	vadd.f32 $9.999992250e-01, v19;
	v23 =	vsub.f32 $2.420294190e-05, v23  }
0x6e: {  	v5 =	vmul.f32 v20, v5;
	v18 =	vadd.f32 $-1.666655240e-01, v18;
	v58 =	vsub.f32 $2.420294190e-05, v56  }
0x6f: {  	v7 =	vmul.f32 v22, v7;
	v16 =	vadd.f32 $4.165977610e-02, v16;
	v23 =	vmul.f32 v23, v10  }
0x70: {  	v15 =	vmul.f32 v15, v13;
	v4 =	vadd.f32 $9.999992250e-01, v4;
	v17 =	vmul.f32 v58, v11  }
0x71: {  	v21 =	vadd.f32 $8.332403370e-03, v21;
	v18 =	vmul.f32 v18, v11;
	v57 =	vadd.f32 $-1.385879000e-03, v23  }
0x72: {  	v16 =	vmul.f32 v16, v13;
	v15 =	vadd.f32 $8.332403370e-03, v15;
	v17 =	vadd.f32 $-1.385879000e-03, v17  }
0x73: {  	v7 =	vadd.f32 $9.999995820e-01, v7;
	v21 =	vmul.f32 v21, v10;
	v59 =	vmul.f32 v57, v10  }
0x74: {  	v16 =	vadd.f32 $-4.999942180e-01, v16;
	v15 =	vmul.f32 v15, v13;
	v17 =	vmul.f32 v17, v11  }
0x75: {  	[tilespmem:s1+$0x12630] =	vst v19;
	v3 =	vmul.f32 v7, v3;
	v18 =	vadd.f32 $9.999995820e-01, v18;
	v20 =	vadd.f32 $4.165977610e-02, v59  }
0x76: {  	[tilespmem:s0+$0x12660] =	vst v5;
	v5 =	vmul.f32 v16, v13;
	v15 =	vadd.f32 $-1.666655240e-01, v15;
	v17 =	vadd.f32 $4.165977610e-02, v17  }
0x77: {  	[tilespmem:s0+$0x12650] =	vst v3;
	v3 =	vmul.f32 v18, v9;
	v20 =	vmul.f32 v20, v10  }
0x78: {  	[tilespmem:s0+$0x12600] =	vst v4;
	v4 =	vadd.f32 $9.999992250e-01, v5;
	v62 =	vmul.f32 v15, v13;
	v61 =	vmul.f32 v17, v11  }
0x79: {  	v7 =	vadd.f32 $-1.666655240e-01, v21;
	[tilespmem:s1+$0x12640] =	vst v3;
	v20 =	vadd.f32 $-4.999942180e-01, v20  }
0x7a: {  	[tilespmem:s1+$0x12610] =	vst v4;
	v4 =	vmul.f32 v14, v8;
	v63 =	vadd.f32 $9.999995820e-01, v62;
	v3 =	vadd.f32 $-4.999942180e-01, v61  }
0x7b: {  	v7 =	vmul.f32 v7, v10;
	v60 =	vmul.f32 v20, v10  }
0x7c: {  	[tilespmem:s1+$0x12670] =	vst v4;
	v4 =	vmul.f32 v63, v6;
	v3 =	vmul.f32 v3, v11  }
0x7d: {  	v7 =	vadd.f32 $9.999995820e-01, v7;
	v5 =	vadd.f32 $9.999992250e-01, v60  }
0x7e: {  	[tilespmem:s1+$0x12650] =	vst v4;
	v3 =	vadd.f32 $9.999992250e-01, v3  }
0x7f: {  	[tilespmem:s1+$0x12620] =	vst v5;
	v5 =	vmul.f32 v7, v12  }
0x80: {  	[tilespmem:s1+$0x12600] =	vst v3  }
0x81: {  	s25 =	simm.s32 $0x0;
	[tilespmem:s1+$0x12660] =	vst v5  }
0x82: {  	v3 =	vmov s25;
	[hbm4b:s7+s25] =	stream.linear.scatter [tilespmem:s12], [sflag:$0x3], $0x2000, $0x38;
	[tilespmem:$0x1E800] =	vst v63  }
0x83: {  	v3 =	vshll.u32 v3, $0x7;
	_ =	swait.ge [sflag:s11], $0x2000  }
0x84: {  	v3 =	vor.u32 v2, v3;
	[sflag:s11] =	ssyncset.done $0x0  }
0x85: {  	[sflag:s11] =	ssyncadd.s32 $0xFFFFE000  }
0x86: {  	_ =	swait.ge [sflag:s13], $0x10000  }
0x87: {  	[sflag:s13] =	ssyncset.done $0x0  }
0x88: {  	[sflag:s13] =	ssyncadd.s32 $0xFFFF0000  }
0x89: {  	s26 =	simm.s32 $0x0;
	v4 =	vld.idx.msk [tilespmem:v3+s10+$0x0], $0xffff  }
0x8a: {  	s28 =	sand.u32 $0xFFFFFFC0, s26;
	v5 =	vor.u32 $0x2, v3  }
0x8b: {  	s15 =	ssub.s32 $0x0, s28;
	s1 =	sadd.s32 $0x0, s28  }
0x8c: {  	s15 =	sand.u32 $0x70, s15;
	s1 =	sand.u32 $0xFFFFFF80, s1  }
0x8d: {  	s1 =	sor.u32 s15, s1  }
0x8e: {  	[tilespmem:s1+$0x12000] =	vst v4  }
0x8f: {  	v4 =	vld.idx.msk [tilespmem:v5+s10+$0x0], $0xffff  }
0x90: {  	v3 =	vor.u32 $0x1, v3;
	_ =	sdelay $0x1  }
0x91: {  	s0 =	sand.u32 $0x3FFFFFC0, s26  }
0x92: {  	s0 =	sadd.s32 $0x12040, s0  }
0x93: {  	s29 =	simm.s32 $0x10;
	[tilespmem:s0+$0x0] =	vst v4  }
0x94: {  	v4 =	vmov s29;
	v3 =	vld.idx.msk [tilespmem:v3+s10+$0x0], $0xffff  }
0x95: {  	v4 =	vshll.u32 v4, $0x7  }
0x96: {  	v4 =	vor.u32 v2, v4;
	_ =	sdelay $0x2  }
0x97: {  	s0 =	simm.s32 $0x12400;
	v3 =	vadd.s32 v1, v3  }
0x98: {  	[tilespmem:s0+$0x0] =	vst v3  }
0x99: {  	s30 =	simm.s32 $0x10;
	v3 =	vld.idx.msk [tilespmem:v4+s10+$0x0], $0xffff  }
0x9a: {  	s31 =	sand.u32 $0xFFFFFFC0, s30;
	v5 =	vor.u32 $0x2, v4  }
0x9b: {  	s24 =	ssub.s32 $0x10, s31;
	s15 =	sadd.s32 $0x10, s31  }
0x9c: {  	s24 =	sand.u32 $0x70, s24;
	s15 =	sand.u32 $0xFFFFFF80, s15  }
0x9d: {  	s15 =	sor.u32 s24, s15  }
0x9e: {  	[tilespmem:s15+$0x12000] =	vst v3  }
0x9f: {  	v3 =	vld.idx.msk [tilespmem:v5+s10+$0x0], $0xffff  }
0xa0: {  	v4 =	vor.u32 $0x1, v4;
	_ =	sdelay $0x1  }
0xa1: {  	s1 =	sand.u32 $0x3FFFFFC0, s30  }
0xa2: {  	s1 =	sadd.s32 $0x12050, s1  }
0xa3: {  	s15 =	simm.s32 $0x20;
	[tilespmem:s1+$0x0] =	vst v3  }
0xa4: {  	s25 =	simm.s32 $0x3;
	s24 =	simm.s32 $0x2;
	s1 =	simm.s32 $0x12050;
	v3 =	vld.idx.msk [tilespmem:v4+s10+$0x0], $0xffff;
	v4 =	vmov s15  }
.LBB2_4:
0xa5: {  	p0 =	sne.s32 s25, $0x1F;
	v4 =	vshll.u32 v4, $0x7  }
0xa6: {  	v4 =	vor.u32 v2, v4;
	_ =	sdelay $0x2  }
0xa7: {  	s0 =	sadd.s32 $0x10, s0;
	v3 =	vadd.s32 v1, v3  }
0xa8: {  	[tilespmem:s0+$0x0] =	vst v3  }
0xa9: {  	v3 =	vld.idx.msk [tilespmem:v4+s10+$0x0], $0xffff  }
0xaa: {  	s26 =	sshll.u32 s24, $0x4;
	s24 =	smov.u32 s25  }
0xab: {  	s28 =	sand.u32 $0xFFFFFFC0, s26;
	v5 =	vor.u32 $0x2, v4  }
0xac: {  	s29 =	ssub.s32 s15, s28;
	s28 =	sadd.s32 s28, s15  }
0xad: {  	s28 =	sand.u32 $0xFFFFFF80, s28;
	s29 =	sand.u32 $0x70, s29  }
0xae: {  	s28 =	sor.u32 s29, s28  }
0xaf: {  	[tilespmem:s28+$0x12000] =	vst v3  }
0xb0: {  	v3 =	vld.idx.msk [tilespmem:v5+s10+$0x0], $0xffff;
	_ =	sdelay $0x1  }
0xb1: {  	v4 =	vor.u32 $0x1, v4;
	_ =	sdelay $0x1  }
.Ltmp1:
0xb2: {  	s1 =	sadd.s32 $0x10, s1;
	s26 =	sand.u32 $0x3FFFFFC0, s26;
	(pc) =	sbr.rel @p0 .LBB2_4-.Ltmp1, $4  }
0xb3: {  	s26 =	sadd.s32 s26, s1  }
0xb4: {  	[tilespmem:s26+$0x0] =	vst v3  }
0xb5: {  	s15 =	sadd.s32 $0x10, s15;
	v3 =	vld.idx.msk [tilespmem:v4+s10+$0x0], $0xffff  }
0xb6: {  	s25 =	sadd.s32 $0x1, s25;
	v4 =	vmov s15  }
0xb7: {  	v4 =	vshll.u32 v4, $0x7  }
0xb8: {  	v4 =	vor.u32 v2, v4;
	_ =	sdelay $0x2  }
0xb9: {  	s0 =	sadd.s32 $0x10, s0;
	v3 =	vadd.s32 v1, v3  }
0xba: {  	[tilespmem:s0+$0x0] =	vst v3  }
0xbb: {  	s24 =	sshll.u32 s24, $0x4;
	v3 =	vld.idx.msk [tilespmem:v4+s10+$0x0], $0xffff  }
0xbc: {  	s25 =	sand.u32 $0xFFFFFFC0, s24;
	v5 =	vor.u32 $0x2, v4  }
0xbd: {  	s26 =	ssub.s32 s15, s25;
	s25 =	sadd.s32 s25, s15  }
0xbe: {  	s15 =	sand.u32 $0xFFFFFF80, s25;
	s28 =	sand.u32 $0x70, s26  }
0xbf: {  	s15 =	sor.u32 s28, s15  }
0xc0: {  	[tilespmem:s15+$0x12000] =	vst v3  }
0xc1: {  	v3 =	vld.idx.msk [tilespmem:v5+s10+$0x0], $0xffff  }
0xc2: {  	v4 =	vor.u32 $0x1, v4;
	_ =	sdelay $0x1  }
0xc3: {  	s1 =	sadd.s32 $0x10, s1;
	s29 =	sand.u32 $0x3FFFFFC0, s24  }
0xc4: {  	s1 =	sadd.s32 s29, s1  }
0xc5: {  	[tilespmem:s1+$0x0] =	vst v3  }
0xc6: {  	v3 =	vld.idx.msk [tilespmem:v4+s10+$0x0], $0xffff;
	_ =	sdelay $0x4  }
0xc7: {  	s0 =	sadd.s32 $0x10, s0;
	v3 =	vadd.s32 v1, v3  }
0xc8: {  	[tilespmem:s0+$0x0] =	vst v3  }
0xc9: {  	s30 =	simm.s32 $0x12000;
	[bflag:$0x0] =	sbarrier.arrive $0xFFFF  }
0xca: {  	[tilespmem:s12], [sflag:$0x1] =	stream.indirect.gather [hbm4b:s2+s14], $0x80, s30, s14, $0xb8;
	[tilespmem:$0x1E800] =	vst v63  }
0xcb: {  	s31 =	simm.s32 $0x12400;
	s24 =	simm.s32 $0x0  }
0xcc: {  	[tilespmem:s18], [sflag:$0x1] =	stream.indirect.gather [hbm4b:s4+s16], $0x80, s31, s16, $0xb8;
	[tilespmem:$0x1E800] =	vst v63  }
.LBB2_6:
0xcd: {  	s0 =	sshllo.u32 s24, $0x1  }
0xce: {  	s1 =	sshll.u32 s0, $0x7  }
0xcf: {  	s0 =	sshll.u32 s0, $0x8;
	s1 =	sand.u32 $0x3FFFFF80, s1  }
0xd0: {  	s25 =	sshrl.u32 s0, $0x2;
	s1 =	sadd.s32 $0x12000, s1  }
0xd1: {  	[tilespmem:s19], [sflag:$0x2] =	stream.indirect.gather [hbm4b:s2+s14], $0x80, s1, s14, $0xb8;
	[tilespmem:$0x1E800] =	vst v63  }
0xd2: {  	s0 =	sadd.s32 $0x12400, s25  }
0xd3: {  	[tilespmem:s20], [sflag:$0x2] =	stream.indirect.gather [hbm4b:s4+s16], $0x80, s0, s16, $0xb8;
	[tilespmem:$0x1E800] =	vst v63  }
0xd4: {  	_ =	swait.ge [sflag:s21], $0x4000  }
0xd5: {  	[sflag:s21] =	ssyncset.done $0x0  }
0xd6: {  	s31 =	sshll.u32 s24, $0x7;
	[sflag:s21] =	ssyncadd.s32 $0xFFFFC000  }
0xd7: {  	s26 =	sshll.u32 s24, $0x1;
	s0 =	sand.u32 $0x3FFFFF80, s31;
	_ =	swait.ge [sflag:s21], $0x2000  }
0xd8: {  	s15 =	simm.s32 $0x1A680;
	s0 =	sadd.s32 $0x1E600, s0;
	[sflag:s21] =	ssyncset.done $0x0  }
0xd9: {  	s30 =	simm.s32 $0x0;
	s1 =	simm.s32 $0x14600;
	v3 =	vmov s0;
	[sflag:s21] =	ssyncadd.s32 $0xFFFFE000  }
.LBB2_7:
0xda: {  	v4 =	vld [tilespmem:s1+$0xB0]  }
0xdb: {  	v5 =	vld [tilespmem:s1+$0xFFFFE0B0]  }
0xdc: {  	v6 =	vld [tilespmem:s1+$0xFFFFE0F0]  }
0xdd: {  	v7 =	vld [tilespmem:s15+$0x30]  }
0xde: {  	v8 =	vld [tilespmem:s15+$0x70]  }
0xdf: {  	v9 =	vld [tilespmem:s1+$0xFFFFE030]  }
0xe0: {  	v10 =	vld [tilespmem:s1+$0xFFFFE070]  }
0xe1: {  	v11 =	vld [tilespmem:s15+$0xFFFFFFB0]  }
0xe2: {  	v12 =	vld [tilespmem:s15+$0xFFFFFFF0]  }
0xe3: {  	v13 =	vld [tilespmem:s1+$0xFFFFE0A0]  }
0xe4: {  	v14 =	vld [tilespmem:s1+$0xFFFFE0E0]  }
0xe5: {  	v15 =	vld [tilespmem:s15+$0x20]  }
0xe6: {  	v16 =	vld [tilespmem:s15+$0x60]  }
0xe7: {  	v17 =	vld [tilespmem:s1+$0xFFFFE020]  }
0xe8: {  	v18 =	vld [tilespmem:s1+$0xFFFFE060]  }
0xe9: {  	v19 =	vld [tilespmem:s15+$0xFFFFFFA0]  }
0xea: {  	v20 =	vld [tilespmem:s15+$0xFFFFFFE0]  }
0xeb: {  	v21 =	vld [tilespmem:s1+$0xFFFFE090]  }
0xec: {  	v22 =	vld [tilespmem:s1+$0xFFFFE0D0]  }
0xed: {  	v23 =	vld [tilespmem:s15+$0x10]  }
0xee: {  	v24 =	vld [tilespmem:s15+$0x50]  }
0xef: {  	v26 =	vld [tilespmem:s1+$0xFFFFE010]  }
0xf0: {  	v30 =	vld [tilespmem:s1+$0xFFFFE080]  }
0xf1: {  	v32 =	vld [tilespmem:s1+$0xFFFFE0C0]  }
0xf2: {  	v33 =	vld [tilespmem:s15+$0x0];
	v25 =	vmul.f32 v7, v5;
	v27 =	vmul.f32 v8, v6  }
0xf3: {  	v58 =	vld [tilespmem:s15+$0x40];
	v5 =	vmul.f32 v8, v5;
	v28 =	vmul.f32 v11, v9  }
0xf4: {  	v34 =	vld [tilespmem:s1+$0xFFFFE000];
	v6 =	vmul.f32 v7, v6;
	v29 =	vmul.f32 v12, v10  }
0xf5: {  	v60 =	vld [tilespmem:s1+$0xFFFFE040];
	v9 =	vmul.f32 v12, v9;
	v10 =	vmul.f32 v11, v10  }
0xf6: {  	v61 =	vld [tilespmem:s15+$0xFFFFFF80];
	v11 =	vmul.f32 v15, v13;
	v31 =	vmul.f32 v16, v14  }
0xf7: {  	v62 =	vld [tilespmem:s15+$0xFFFFFFC0];
	v13 =	vmul.f32 v16, v13;
	v57 =	vmul.f32 v19, v17  }
0xf8: {  	v38 =	vld [tilespmem:s1+$0xF0];
	v14 =	vmul.f32 v15, v14;
	v15 =	vmul.f32 v20, v18  }
0xf9: {  	v63 =	vld [tilespmem:s1+$0x30];
	v17 =	vmul.f32 v20, v17;
	v18 =	vmul.f32 v19, v18  }
0xfa: {  	v39 =	vld [tilespmem:s1+$0x70];
	v59 =	vmul.f32 v23, v21;
	v35 =	vmul.f32 v24, v22  }
0xfb: {  	v42 =	vld [tilespmem:s1+$0xA0];
	v21 =	vmul.f32 v24, v21;
	v22 =	vmul.f32 v23, v22;
	v25 =	vsub.f32 v25, v27  }
0xfc: {  	v44 =	vld [tilespmem:s1+$0xE0];
	v41 =	vmul.f32 v61, v34;
	v5 =	vadd.f32 v5, v6;
	v28 =	vsub.f32 v28, v29  }
0xfd: {  	v8 =	vld [tilespmem:s1+$0xFFFFE050];
	v46 =	vmul.f32 v62, v34;
	v9 =	vadd.f32 v9, v10;
	v11 =	vsub.f32 v11, v31  }
0xfe: {  	v7 =	vld [tilespmem:s15+$0xFFFFFF90];
	v23 =	vmul.f32 v61, v60;
	v13 =	vadd.f32 v13, v14;
	v14 =	vsub.f32 v57, v15  }
0xff: {  	v12 =	vld [tilespmem:s15+$0xFFFFFFD0];
	v15 =	vmul.f32 v62, v60;
	v43 =	vadd.f32 v17, v18;
	v45 =	vsub.f32 v59, v35  }
0x100: {  	v47 =	vld [tilespmem:s1+$0x20];
	v40 =	vmul.f32 v33, v32;
	v21 =	vadd.f32 v21, v22;
	v20 =	vadd.f32 v46, v23  }
0x101: {  	v49 =	vld [tilespmem:s1+$0xD0];
	v6 =	vmul.f32 v58, v32;
	v15 =	vsub.f32 v41, v15;
	v4 =	vsub.f32 v25, v4  }
0x102: {  	v50 =	vld [tilespmem:s1+$0x10];
	v10 =	vmul.f32 v58, v30;
	v5 =	vsub.f32 v5, v38;
	v51 =	vsub.f32 v28, v63  }
0x103: {  	v52 =	vld [tilespmem:s1+$0x50];
	v9 =	vsub.f32 v9, v39;
	v11 =	vsub.f32 v11, v42;
	v36 =	vmul.f32 v7, v26  }
0x104: {  	v54 =	vld [tilespmem:s1+$0x0];
	v13 =	vsub.f32 v13, v44;
	v37 =	vmul.f32 v12, v8;
	v12 =	vmul.f32 v12, v26  }
0x105: {  	v53 =	vld [tilespmem:s1+$0x80];
	v14 =	vsub.f32 v14, v47;
	v7 =	vmul.f32 v7, v8;
	v8 =	vmul.f32 v33, v30  }
0x106: {  	v55 =	vld [tilespmem:s1+$0xC0];
	v56 =	vsub.f32 v21, v49;
	v4 =	vmul.f32 v4, v4;
	v57 =	vmul.f32 v51, v51  }
0x107: {  	v59 =	vmul.f32 v5, v5;
	v48 =	vsub.f32 v36, v37;
	v7 =	vadd.f32 v12, v7;
	v12 =	vld [tilespmem:s1+$0x60]  }
0x108: {  	v5 =	vmul.f32 v9, v9;
	v6 =	vsub.f32 v8, v6;
	v8 =	vadd.f32 v10, v40;
	v10 =	vld [tilespmem:s1+$0x90]  }
0x109: {  	v58 =	vld [tilespmem:s1+$0x40];
	v9 =	vmul.f32 v11, v11;
	v11 =	vmul.f32 v14, v14;
	v14 =	vsub.f32 v15, v54  }
0x10a: {  	v13 =	vmul.f32 v13, v13;
	v60 =	vmul.f32 v56, v56;
	v22 =	vsub.f32 v48, v50  }
0x10b: {  	v14 =	vmul.f32 v14, v14;
	v5 =	vadd.f32 v5, v57;
	v7 =	vsub.f32 v7, v52  }
0x10c: {  	v6 =	vsub.f32 v6, v53;
	v8 =	vsub.f32 v8, v55;
	v15 =	vmul.f32 v22, v22  }
0x10d: {  	v61 =	vmul.f32 v7, v7;
	v12 =	vsub.f32 v43, v12;
	v10 =	vsub.f32 v45, v10  }
0x10e: {  	v7 =	vsub.f32 v20, v58;
	v62 =	vmul.f32 v6, v6;
	v63 =	vmul.f32 v8, v8  }
0x10f: {  	v6 =	vadd.f32 v59, v4;
	v12 =	vmul.f32 v12, v12;
	v10 =	vmul.f32 v10, v10  }
0x110: {  	v8 =	vadd.f32 v13, v9;
	v20 =	vmul.f32 v7, v7;
	v9 =	vadd.f32 v61, v15  }
0x111: {  	s31 =	simm.s32 $0x0;
	v4 =	vimm.f32 $0.0e+00;
	v7 =	vadd.f32 v12, v11;
	v10 =	vadd.f32 v60, v10  }
0x112: {  	s0 =	simm.s32 $0x2;
	s29 =	smov.u32 s1;
	s28 =	smov.u32 s15;
	v13 =	vshra.s32 v6, $0x1;
	v11 =	vadd.f32 v20, v14;
	v12 =	vadd.f32 v63, v62  }
.LBB2_8:
0x113: {  	p0 =	slt.u32 s0, $0xE;
	v14 =	vshra.s32 v5, $0x1;
	v15 =	vmul.f32 $5.000000000e-01, v5;
	v16 =	vmul.f32 $5.000000000e-01, v6  }
0x114: {  	v17 =	vshra.s32 v7, $0x1;
	v18 =	vshra.s32 v8, $0x1;
	v19 =	vmul.f32 $5.000000000e-01, v8  }
0x115: {  	v20 =	vmul.f32 $5.000000000e-01, v7;
	v21 =	vshra.s32 v10, $0x1;
	v22 =	vmul.f32 $5.000000000e-01, v10  }
0x116: {  	v23 =	vshra.s32 v9, $0x1;
	v24 =	vmul.f32 $5.000000000e-01, v9;
	v25 =	vshra.s32 v12, $0x1  }
0x117: {  	v26 =	vshra.s32 v11, $0x1;
	v27 =	vmul.f32 $5.000000000e-01, v11;
	v28 =	vmul.f32 $5.000000000e-01, v12  }
0x118: {  	v13 =	vsub.s32 $0x5F3759DF, v13;
	v14 =	vsub.s32 $0x5F3759DF, v14;
	v18 =	vsub.s32 $0x5F3759DF, v18  }
0x119: {  	v17 =	vsub.s32 $0x5F3759DF, v17;
	v21 =	vsub.s32 $0x5F3759DF, v21;
	v29 =	vmul.f32 v13, v16  }
0x11a: {  	v23 =	vsub.s32 $0x5F3759DF, v23;
	v30 =	vmul.f32 v14, v15;
	v31 =	vmul.f32 v18, v19  }
0x11b: {  	v32 =	vmul.f32 v17, v20;
	v25 =	vsub.s32 $0x5F3759DF, v25;
	v33 =	vmul.f32 v21, v22  }
0x11c: {  	v26 =	vsub.s32 $0x5F3759DF, v26;
	v34 =	vmul.f32 v23, v24;
	v35 =	vmul.f32 v25, v28  }
0x11d: {  	v36 =	vmul.f32 v26, v27;
	v29 =	vmul.f32 v13, v29  }
0x11e: {  	v30 =	vmul.f32 v14, v30;
	v31 =	vmul.f32 v18, v31  }
0x11f: {  	v32 =	vmul.f32 v17, v32;
	v33 =	vmul.f32 v21, v33  }
0x120: {  	v34 =	vmul.f32 v23, v34;
	v30 =	vsub.f32 $1.500000000e+00, v30;
	v29 =	vsub.f32 $1.500000000e+00, v29  }
0x121: {  	v35 =	vmul.f32 v25, v35;
	v32 =	vsub.f32 $1.500000000e+00, v32;
	v31 =	vsub.f32 $1.500000000e+00, v31  }
0x122: {  	v36 =	vmul.f32 v26, v36;
	v34 =	vsub.f32 $1.500000000e+00, v34;
	v33 =	vsub.f32 $1.500000000e+00, v33  }
0x123: {  	v14 =	vmul.f32 v14, v30;
	v30 =	vsub.f32 $1.500000000e+00, v35;
	v29 =	vmul.f32 v13, v29  }
0x124: {  	s29 =	sadd.s32 $0x100, s29;
	v35 =	vsub.f32 $1.500000000e+00, v36;
	v17 =	vmul.f32 v17, v32;
	v18 =	vmul.f32 v18, v31  }
0x125: {  	v23 =	vmul.f32 v23, v34;
	v21 =	vmul.f32 v21, v33;
	v13 =	vld [tilespmem:s29+$0xB0]  }
0x126: {  	v26 =	vmul.f32 v26, v35;
	v25 =	vmul.f32 v25, v30;
	v31 =	vld [tilespmem:s29+$0xFFFFE0B0]  }
0x127: {  	s28 =	sadd.s32 $0x100, s28;
	v15 =	vmul.f32 v14, v15;
	v16 =	vmul.f32 v29, v16;
	v30 =	vld [tilespmem:s29+$0xFFFFE0F0]  }
0x128: {  	v19 =	vmul.f32 v18, v19;
	v28 =	vmul.f32 v25, v28;
	v32 =	vld [tilespmem:s28+$0x30]  }
0x129: {  	v20 =	vmul.f32 v17, v20;
	v22 =	vmul.f32 v21, v22;
	v33 =	vld [tilespmem:s28+$0x70]  }
0x12a: {  	v24 =	vmul.f32 v23, v24;
	v28 =	vmul.f32 v28, v25;
	v34 =	vld [tilespmem:s29+$0xFFFFE030]  }
0x12b: {  	v27 =	vmul.f32 v26, v27;
	v16 =	vmul.f32 v16, v29;
	v35 =	vld [tilespmem:s29+$0xFFFFE070]  }
0x12c: {  	v15 =	vmul.f32 v15, v14;
	v22 =	vmul.f32 v22, v21;
	v28 =	vsub.f32 $1.500000000e+00, v28;
	v36 =	vld [tilespmem:s28+$0xFFFFFFB0]  }
0x12d: {  	v19 =	vmul.f32 v19, v18;
	v27 =	vmul.f32 v27, v26;
	v37 =	vld [tilespmem:s28+$0xFFFFFFF0]  }
0x12e: {  	v20 =	vmul.f32 v20, v17;
	v22 =	vsub.f32 $1.500000000e+00, v22;
	v25 =	vmul.f32 v28, v25;
	v38 =	vld [tilespmem:s29+$0xFFFFE0A0]  }
0x12f: {  	v24 =	vmul.f32 v24, v23;
	v16 =	vsub.f32 $1.500000000e+00, v16;
	v27 =	vsub.f32 $1.500000000e+00, v27;
	v28 =	vld [tilespmem:s29+$0xFFFFE0E0]  }
0x130: {  	v19 =	vsub.f32 $1.500000000e+00, v19;
	v21 =	vmul.f32 v22, v21;
	v12 =	vmul.f32 v25, v12;
	v39 =	vld [tilespmem:s28+$0x20]  }
0x131: {  	v24 =	vsub.f32 $1.500000000e+00, v24;
	v15 =	vsub.f32 $1.500000000e+00, v15;
	v25 =	vmul.f32 v27, v26;
	v22 =	vld [tilespmem:s28+$0x60]  }
0x132: {  	v18 =	vmul.f32 v19, v18;
	v10 =	vmul.f32 v21, v10;
	v12 =	vadd.f32 $0.0e+00, v12;
	v26 =	vld [tilespmem:s29+$0xFFFFE020]  }
0x133: {  	v20 =	vsub.f32 $1.500000000e+00, v20;
	v21 =	vmul.f32 v24, v23;
	v11 =	vmul.f32 v25, v11;
	v19 =	vld [tilespmem:s29+$0xFFFFE060]  }
0x134: {  	v8 =	vmul.f32 v18, v8;
	v10 =	vadd.f32 v10, v12;
	v12 =	vmul.f32 v16, v29;
	v23 =	vld [tilespmem:s28+$0xFFFFFFA0]  }
0x135: {  	v17 =	vmul.f32 v20, v17;
	v9 =	vmul.f32 v21, v9;
	v11 =	vadd.f32 $0.0e+00, v11;
	v16 =	vld [tilespmem:s28+$0xFFFFFFE0]  }
0x136: {  	v8 =	vadd.f32 v8, v10;
	v6 =	vmul.f32 v12, v6;
	v18 =	vld [tilespmem:s29+$0xFFFFE090]  }
0x137: {  	v7 =	vmul.f32 v17, v7;
	v9 =	vadd.f32 v9, v11;
	v11 =	vmul.f32 v15, v14;
	v10 =	vld [tilespmem:s29+$0xFFFFE0D0]  }
0x138: {  	v6 =	vadd.f32 v6, v8;
	v12 =	vld [tilespmem:s28+$0x10]  }
0x139: {  	v14 =	vmul.f32 v32, v31;
	v7 =	vadd.f32 v7, v9;
	v5 =	vmul.f32 v11, v5;
	v8 =	vld [tilespmem:s28+$0x50]  }
0x13a: {  	v15 =	vmul.f32 v33, v31;
	v11 =	vmul.f32 v33, v30;
	v9 =	vld [tilespmem:s29+$0xFFFFE010];
	(xrf2) =	vadd.scan.msk.f32 $0xffff, v6  }
0x13b: {  	v20 =	vmul.f32 v32, v30;
	v17 =	vmul.f32 v36, v34;
	v5 =	vadd.f32 v5, v7;
	v6 =	vld [tilespmem:s29+$0xFFFFE050]  }
0x13c: {  	v21 =	vmul.f32 v37, v35;
	v24 =	vmul.f32 v37, v34;
	v7 =	vld [tilespmem:s28+$0xFFFFFF90]  }
0x13d: {  	v27 =	vmul.f32 v36, v35;
	v29 =	vmul.f32 v39, v38;
	v25 =	vld [tilespmem:s28+$0xFFFFFFD0];
	(xrf2) =	vadd.scan.msk.f32 $0xffff, v5  }
0x13e: {  	v30 =	vmul.f32 v22, v28;
	v22 =	vmul.f32 v22, v38;
	v5 =	vld [tilespmem:s29+$0xFFFFE080]  }
0x13f: {  	v28 =	vmul.f32 v39, v28;
	v31 =	vmul.f32 v23, v26;
	v32 =	vld [tilespmem:s29+$0xFFFFE0C0]  }
0x140: {  	v33 =	vmul.f32 v16, v19;
	v16 =	vmul.f32 v16, v26;
	v26 =	vld [tilespmem:s28+$0x0]  }
0x141: {  	v19 =	vmul.f32 v23, v19;
	v34 =	vmul.f32 v12, v18;
	v23 =	vld [tilespmem:s28+$0x40]  }
0x142: {  	v36 =	vmul.f32 v8, v10;
	v8 =	vmul.f32 v8, v18;
	v35 =	vld [tilespmem:s29+$0xFFFFE000]  }
0x143: {  	v10 =	vmul.f32 v12, v10;
	v37 =	vmul.f32 v7, v9;
	v18 =	vld [tilespmem:s29+$0xFFFFE040]  }
0x144: {  	v38 =	vmul.f32 v25, v6;
	v9 =	vmul.f32 v25, v9;
	v12 =	vld [tilespmem:s28+$0xFFFFFF80];
	v25, _, _ =	vpop (xrf2)  }
0x145: {  	v6 =	vmul.f32 v7, v6;
	v39 =	vld [tilespmem:s28+$0xFFFFFFC0];
	v7 =	vmul.f32 v26, v5  }
0x146: {  	v11 =	vsub.f32 v14, v11;
	v14 =	vadd.f32 v15, v20;
	v40 =	vmul.f32 v23, v32;
	v41 =	vld [tilespmem:s29+$0xF0]  }
0x147: {  	v17 =	vsub.f32 v17, v21;
	v20 =	vadd.f32 v24, v27;
	v5 =	vmul.f32 v23, v5;
	v15 =	vld [tilespmem:s29+$0x30];
	v21, _, _ =	vpop (xrf2)  }
0x148: {  	v24 =	vmul.f32 v26, v32;
	v26 =	vsub.f32 v29, v30;
	v23 =	vld [tilespmem:s29+$0x70];
	(v2sf) =	vpush v21, $0xF  }
0x149: {  	v22 =	vadd.f32 v22, v28;
	v21 =	vmul.f32 v12, v35;
	v27 =	vld [tilespmem:s29+$0xA0];
	(v2sf) =	vpush v25, $0xF  }
0x14a: {  	v28 =	vsub.f32 v31, v33;
	v16 =	vadd.f32 v16, v19;
	v25 =	vmul.f32 v39, v18;
	v19 =	vld [tilespmem:s29+$0xE0]  }
0x14b: {  	v31 =	vsub.f32 v34, v36;
	v8 =	vadd.f32 v8, v10;
	v29 =	vmul.f32 v39, v35;
	v30 =	vld [tilespmem:s29+$0x20]  }
0x14c: {  	v6 =	vadd.f32 v9, v6;
	v10 =	vmul.f32 v12, v18;
	v12 =	vsub.f32 v37, v38;
	v9 =	vld [tilespmem:s29+$0x60]  }
0x14d: {  	v7 =	vsub.f32 v7, v40;
	v5 =	vadd.f32 v5, v24;
	v18 =	vld [tilespmem:s29+$0x90]  }
0x14e: {  	v21 =	vsub.f32 v21, v25;
	v10 =	vadd.f32 v29, v10;
	v24 =	vld [tilespmem:s29+$0xD0]  }
0x14f: {  	v11 =	vsub.f32 v11, v13;
	v13 =	vsub.f32 v14, v41;
	v14 =	vmov s31;
	v25 =	vld [tilespmem:s29+$0x10]  }
0x150: {  	s17 =	sadd.s32 $0x1, s31;
	s31 =	smov.u32 s0;
	v15 =	vsub.f32 v17, v15;
	vm0 =	veq.s32 v14, v0;
	v17 =	vsub.f32 v20, v23;
	v29 =	vld [tilespmem:s29+$0x50]  }
0x151: {  	v20 =	vsub.f32 v26, v27;
	v19 =	vsub.f32 v22, v19;
	v22 =	vmov s17;
	v14 =	vld [tilespmem:s29+$0x80]  }
0x152: {  	v23 =	vsub.f32 v28, v30;
	vm1 =	veq.s32 v22, v0;
	v9 =	vsub.f32 v16, v9;
	v16 =	vld [tilespmem:s29+$0xC0]  }
0x153: {  	v11 =	vmul.f32 v11, v11;
	v18 =	vsub.f32 v31, v18;
	v22 =	vld [tilespmem:s29+$0x0];
	v8 =	vsub.f32 v8, v24  }
0x154: {  	v13 =	vmul.f32 v13, v13;
	v15 =	vmul.f32 v15, v15;
	v24 =	vld [tilespmem:s29+$0x40];
	v12 =	vsub.f32 v12, v25  }
0x155: {  	v17 =	vmul.f32 v17, v17;
	v20 =	vmul.f32 v20, v20;
	v6 =	vsub.f32 v6, v29  }
0x156: {  	v23 =	vmul.f32 v23, v23;
	v7 =	vsub.f32 v7, v14;
	v14 =	vmul.f32 v19, v19  }
0x157: {  	v9 =	vmul.f32 v9, v9;
	v5 =	vsub.f32 v5, v16;
	v16 =	vmul.f32 v18, v18;
	s17 =	spop (v2sf)  }
0x158: {  	v12 =	vmul.f32 v12, v12;
	v19 =	vmul.f32 v8, v8;
	v18 =	vsub.f32 v21, v22;
	s17 =	ssub.f32 $1.200000000e+01, s17;
	s22 =	spop (v2sf)  }
0x159: {  	v21 =	vmul.f32 v7, v7;
	v8 =	vsub.f32 v10, v24;
	v10 =	vmul.f32 v6, v6;
	s22 =	ssub.f32 $1.200000000e+01, s22  }
.Ltmp2:
0x15a: {  	v22 =	vmul.f32 v5, v5;
	v18 =	vmul.f32 v18, v18;
	v4 =	vsel vm0, s17, v4;
	(pc) =	sbr.rel @p0 .LBB2_8-.Ltmp2, $4  }
0x15b: {  	v5 =	vadd.f32 v17, v15;
	v6 =	vadd.f32 v13, v11;
	v4 =	vsel vm1, s22, v4  }
0x15c: {  	v7 =	vadd.f32 v9, v23;
	v11 =	vmul.f32 v8, v8;
	v8 =	vadd.f32 v14, v20  }
0x15d: {  	v9 =	vadd.f32 v10, v12;
	v10 =	vadd.f32 v19, v16  }
0x15e: {  	s0 =	sadd.s32 $0x2, s0;
	v12 =	vadd.f32 v22, v21;
	v13 =	vshra.s32 v6, $0x1;
	v11 =	vadd.f32 v11, v18  }
0x15f: {  	v14 =	vshra.s32 v5, $0x1;
	v15 =	vmul.f32 $5.000000000e-01, v5;
	v16 =	vmul.f32 $5.000000000e-01, v6  }
0x160: {  	v17 =	vshra.s32 v7, $0x1;
	v18 =	vshra.s32 v8, $0x1;
	v19 =	vmul.f32 $5.000000000e-01, v8  }
0x161: {  	v20 =	vmul.f32 $5.000000000e-01, v7;
	v21 =	vshra.s32 v10, $0x1;
	v22 =	vmul.f32 $5.000000000e-01, v10  }
0x162: {  	v23 =	vshra.s32 v9, $0x1;
	v24 =	vmul.f32 $5.000000000e-01, v9;
	v13 =	vsub.s32 $0x5F3759DF, v13  }
0x163: {  	v25 =	vshra.s32 v12, $0x1;
	v26 =	vshra.s32 v11, $0x1;
	v27 =	vmul.f32 $5.000000000e-01, v11  }
0x164: {  	v28 =	vmul.f32 $5.000000000e-01, v12;
	v14 =	vsub.s32 $0x5F3759DF, v14;
	v18 =	vsub.s32 $0x5F3759DF, v18  }
0x165: {  	v17 =	vsub.s32 $0x5F3759DF, v17;
	v21 =	vsub.s32 $0x5F3759DF, v21;
	v29 =	vmul.f32 v13, v16  }
0x166: {  	v23 =	vsub.s32 $0x5F3759DF, v23;
	v30 =	vmul.f32 v14, v15;
	v31 =	vmul.f32 v18, v19  }
0x167: {  	v32 =	vmul.f32 v17, v20;
	v25 =	vsub.s32 $0x5F3759DF, v25;
	v33 =	vmul.f32 v21, v22  }
0x168: {  	v26 =	vsub.s32 $0x5F3759DF, v26;
	v34 =	vmul.f32 v23, v24;
	v35 =	vmul.f32 v25, v28  }
0x169: {  	v36 =	vmul.f32 v26, v27;
	v29 =	vmul.f32 v13, v29  }
0x16a: {  	v30 =	vmul.f32 v14, v30;
	v31 =	vmul.f32 v18, v31  }
0x16b: {  	v32 =	vmul.f32 v17, v32;
	v33 =	vmul.f32 v21, v33  }
0x16c: {  	v34 =	vmul.f32 v23, v34;
	v30 =	vsub.f32 $1.500000000e+00, v30;
	v29 =	vsub.f32 $1.500000000e+00, v29  }
0x16d: {  	v35 =	vmul.f32 v25, v35;
	v32 =	vsub.f32 $1.500000000e+00, v32;
	v31 =	vsub.f32 $1.500000000e+00, v31  }
0x16e: {  	v36 =	vmul.f32 v26, v36;
	v34 =	vsub.f32 $1.500000000e+00, v34;
	v33 =	vsub.f32 $1.500000000e+00, v33  }
0x16f: {  	v50 =	vsub.f32 $1.500000000e+00, v35;
	v14 =	vmul.f32 v14, v30;
	v13 =	vmul.f32 v13, v29  }
0x170: {  	v51 =	vsub.f32 $1.500000000e+00, v36;
	v17 =	vmul.f32 v17, v32;
	v18 =	vmul.f32 v18, v31  }
0x171: {  	v23 =	vmul.f32 v23, v34;
	v21 =	vmul.f32 v21, v33  }
0x172: {  	v26 =	vmul.f32 v26, v51;
	v25 =	vmul.f32 v25, v50  }
0x173: {  	v15 =	vmul.f32 v14, v15;
	v16 =	vmul.f32 v13, v16  }
0x174: {  	v19 =	vmul.f32 v18, v19;
	v20 =	vmul.f32 v17, v20  }
0x175: {  	v22 =	vmul.f32 v21, v22;
	v28 =	vmul.f32 v25, v28  }
0x176: {  	v24 =	vmul.f32 v23, v24;
	v27 =	vmul.f32 v26, v27  }
0x177: {  	v16 =	vmul.f32 v16, v13;
	v28 =	vmul.f32 v28, v25  }
0x178: {  	v15 =	vmul.f32 v15, v14;
	v27 =	vmul.f32 v27, v26  }
0x179: {  	v22 =	vmul.f32 v22, v21;
	v19 =	vmul.f32 v19, v18;
	v28 =	vsub.f32 $1.500000000e+00, v28  }
0x17a: {  	v24 =	vmul.f32 v24, v23;
	v20 =	vmul.f32 v20, v17;
	v27 =	vsub.f32 $1.500000000e+00, v27  }
0x17b: {  	v22 =	vsub.f32 $1.500000000e+00, v22;
	v16 =	vsub.f32 $1.500000000e+00, v16;
	v25 =	vmul.f32 v28, v25  }
0x17c: {  	v24 =	vsub.f32 $1.500000000e+00, v24;
	v19 =	vsub.f32 $1.500000000e+00, v19;
	v53 =	vmul.f32 v27, v26  }
0x17d: {  	v15 =	vsub.f32 $1.500000000e+00, v15;
	v21 =	vmul.f32 v22, v21;
	v52 =	vmul.f32 v25, v12  }
0x17e: {  	v20 =	vsub.f32 $1.500000000e+00, v20;
	v55 =	vmul.f32 v24, v23;
	v54 =	vmul.f32 v53, v11  }
0x17f: {  	v18 =	vmul.f32 v19, v18;
	v56 =	vmul.f32 v21, v10;
	v12 =	vadd.f32 $0.0e+00, v52  }
0x180: {  	v17 =	vmul.f32 v20, v17;
	v57 =	vmul.f32 v55, v9;
	v11 =	vadd.f32 $0.0e+00, v54  }
0x181: {  	v59 =	vmul.f32 v16, v13;
	v58 =	vmul.f32 v18, v8;
	v10 =	vadd.f32 v56, v12  }
0x182: {  	v61 =	vmul.f32 v15, v14;
	v60 =	vmul.f32 v17, v7;
	v9 =	vadd.f32 v57, v11  }
0x183: {  	v62 =	vmul.f32 v59, v6;
	v8 =	vadd.f32 v58, v10  }
0x184: {  	v5 =	vmul.f32 v61, v5;
	v7 =	vadd.f32 v60, v9  }
0x185: {  	v6 =	vadd.f32 v62, v8  }
0x186: {  	v5 =	vadd.f32 v5, v7  }
0x187: {  	(xrf2) =	vadd.scan.msk.f32 $0xffff, v6  }
0x188: {  	(xrf2) =	vadd.scan.msk.f32 $0xffff, v5;
	_ =	sdelay $0x8  }
0x189: {  	v5, _, _ =	vpop (xrf2)  }
0x18a: {  	v63, _, _ =	vpop (xrf2)  }
0x18b: {  	(v2sf) =	vpush v63, $0xF;
	_ =	sdelay $0x1  }
0x18c: {  	(v2sf) =	vpush v5, $0xF;
	_ =	sdelay $0xc  }
0x18d: {  	s29 =	sshll.u32 s30, $0x4;
	s30 =	sadd.s32 $0x1, s30;
	s0 =	spop (v2sf)  }
0x18e: {  	p0 =	sne.s32 s30, $0x4;
	s0 =	ssub.f32 $1.200000000e+01, s0  }
.Ltmp3:
0x18f: {  	s17 =	sadd.s32 $0x1, s31;
	v5 =	vmov s31;
	s22 =	spop (v2sf);
	(pc) =	sbr.rel @p0 .LBB2_7-.Ltmp3, $4  }
0x190: {  	vm0 =	veq.s32 v5, v0;
	v5 =	vmov s17;
	s28 =	ssub.f32 $1.200000000e+01, s22  }
0x191: {  	vm15 =	veq.s32 v5, v0;
	v4 =	vsel vm0, s0, v4  }
0x192: {  	s31 =	sand.u32 $0x3FFFFFF0, s29;
	v4 =	vsel vm15, s28, v4  }
0x193: {  	s15 =	sadd.s32 $0x800, s15;
	s1 =	sadd.s32 $0x800, s1;
	[tilespmem:v3+s31+$0x0 ss:$0x1] =	vst.idx.msk $0xffff, v4  }
0x194: {  	s0 =	smin.u32 s26, $0x5  }
0x195: {  	s0 =	sadd.s32 $0x2, s0  }
0x196: {  	s1 =	sshll.u32 s0, $0x7  }
0x197: {  	s0 =	sshll.u32 s0, $0x6;
	s1 =	sor.u32 $0x12000, s1  }
0x198: {  	[tilespmem:s12], [sflag:$0x1] =	stream.indirect.gather [hbm4b:s2+s14], $0x80, s1, s14, $0xb8;
	[tilespmem:$0x1E800] =	vst v63  }
0x199: {  	s0 =	sor.u32 $0x12400, s0  }
0x19a: {  	[tilespmem:s18], [sflag:$0x1] =	stream.indirect.gather [hbm4b:s4+s16], $0x80, s0, s16, $0xb8;
	[tilespmem:$0x1E800] =	vst v63  }
0x19b: {  	_ =	swait.ge [sflag:s13], $0x4000  }
0x19c: {  	[sflag:s13] =	ssyncset.done $0x0  }
0x19d: {  	[sflag:s13] =	ssyncadd.s32 $0xFFFFC000  }
0x19e: {  	_ =	swait.ge [sflag:s13], $0x2000  }
0x19f: {  	s31 =	sadd.s32 $0x1E600, s25;
	s25 =	simm.s32 $0x0;
	[sflag:s13] =	ssyncset.done $0x0  }
0x1a0: {  	s26 =	simm.s32 $0x1C680;
	s28 =	simm.s32 $0x18600;
	v3 =	vmov s31;
	[sflag:s13] =	ssyncadd.s32 $0xFFFFE000  }
.LBB2_11:
0x1a1: {  	v4 =	vld [tilespmem:s28+$0xB0]  }
0x1a2: {  	v5 =	vld [tilespmem:s28+$0xFFFFE0B0]  }
0x1a3: {  	v6 =	vld [tilespmem:s28+$0xFFFFE0F0]  }
0x1a4: {  	v7 =	vld [tilespmem:s26+$0x30]  }
0x1a5: {  	v8 =	vld [tilespmem:s26+$0x70]  }
0x1a6: {  	v9 =	vld [tilespmem:s28+$0xFFFFE030]  }
0x1a7: {  	v10 =	vld [tilespmem:s28+$0xFFFFE070]  }
0x1a8: {  	v11 =	vld [tilespmem:s26+$0xFFFFFFB0]  }
0x1a9: {  	v12 =	vld [tilespmem:s26+$0xFFFFFFF0]  }
0x1aa: {  	v13 =	vld [tilespmem:s28+$0xFFFFE0A0]  }
0x1ab: {  	v14 =	vld [tilespmem:s28+$0xFFFFE0E0]  }
0x1ac: {  	v15 =	vld [tilespmem:s26+$0x20]  }
0x1ad: {  	v16 =	vld [tilespmem:s26+$0x60]  }
0x1ae: {  	v17 =	vld [tilespmem:s28+$0xFFFFE020]  }
0x1af: {  	v18 =	vld [tilespmem:s28+$0xFFFFE060]  }
0x1b0: {  	v19 =	vld [tilespmem:s26+$0xFFFFFFA0]  }
0x1b1: {  	v20 =	vld [tilespmem:s26+$0xFFFFFFE0]  }
0x1b2: {  	v21 =	vld [tilespmem:s28+$0xFFFFE090]  }
0x1b3: {  	v22 =	vld [tilespmem:s28+$0xFFFFE0D0]  }
0x1b4: {  	v23 =	vld [tilespmem:s26+$0x10]  }
0x1b5: {  	v24 =	vld [tilespmem:s26+$0x50]  }
0x1b6: {  	v26 =	vld [tilespmem:s28+$0xFFFFE010]  }
0x1b7: {  	v30 =	vld [tilespmem:s28+$0xFFFFE080]  }
0x1b8: {  	v32 =	vld [tilespmem:s28+$0xFFFFE0C0]  }
0x1b9: {  	v33 =	vld [tilespmem:s26+$0x0];
	v25 =	vmul.f32 v7, v5;
	v27 =	vmul.f32 v8, v6  }
0x1ba: {  	v58 =	vld [tilespmem:s26+$0x40];
	v5 =	vmul.f32 v8, v5;
	v28 =	vmul.f32 v11, v9  }
0x1bb: {  	v34 =	vld [tilespmem:s28+$0xFFFFE000];
	v6 =	vmul.f32 v7, v6;
	v29 =	vmul.f32 v12, v10  }
0x1bc: {  	v60 =	vld [tilespmem:s28+$0xFFFFE040];
	v9 =	vmul.f32 v12, v9;
	v10 =	vmul.f32 v11, v10  }
0x1bd: {  	v61 =	vld [tilespmem:s26+$0xFFFFFF80];
	v11 =	vmul.f32 v15, v13;
	v31 =	vmul.f32 v16, v14  }
0x1be: {  	v62 =	vld [tilespmem:s26+$0xFFFFFFC0];
	v13 =	vmul.f32 v16, v13;
	v57 =	vmul.f32 v19, v17  }
0x1bf: {  	v38 =	vld [tilespmem:s28+$0xF0];
	v14 =	vmul.f32 v15, v14;
	v15 =	vmul.f32 v20, v18  }
0x1c0: {  	v63 =	vld [tilespmem:s28+$0x30];
	v17 =	vmul.f32 v20, v17;
	v18 =	vmul.f32 v19, v18  }
0x1c1: {  	v39 =	vld [tilespmem:s28+$0x70];
	v59 =	vmul.f32 v23, v21;
	v35 =	vmul.f32 v24, v22  }
0x1c2: {  	v42 =	vld [tilespmem:s28+$0xA0];
	v21 =	vmul.f32 v24, v21;
	v22 =	vmul.f32 v23, v22;
	v25 =	vsub.f32 v25, v27  }
0x1c3: {  	v44 =	vld [tilespmem:s28+$0xE0];
	v41 =	vmul.f32 v61, v34;
	v5 =	vadd.f32 v5, v6;
	v28 =	vsub.f32 v28, v29  }
0x1c4: {  	v8 =	vld [tilespmem:s28+$0xFFFFE050];
	v46 =	vmul.f32 v62, v34;
	v9 =	vadd.f32 v9, v10;
	v11 =	vsub.f32 v11, v31  }
0x1c5: {  	v7 =	vld [tilespmem:s26+$0xFFFFFF90];
	v23 =	vmul.f32 v61, v60;
	v13 =	vadd.f32 v13, v14;
	v14 =	vsub.f32 v57, v15  }
0x1c6: {  	v12 =	vld [tilespmem:s26+$0xFFFFFFD0];
	v15 =	vmul.f32 v62, v60;
	v43 =	vadd.f32 v17, v18;
	v45 =	vsub.f32 v59, v35  }
0x1c7: {  	v47 =	vld [tilespmem:s28+$0x20];
	v40 =	vmul.f32 v33, v32;
	v21 =	vadd.f32 v21, v22;
	v20 =	vadd.f32 v46, v23  }
0x1c8: {  	v49 =	vld [tilespmem:s28+$0xD0];
	v6 =	vmul.f32 v58, v32;
	v15 =	vsub.f32 v41, v15;
	v4 =	vsub.f32 v25, v4  }
0x1c9: {  	v50 =	vld [tilespmem:s28+$0x10];
	v10 =	vmul.f32 v58, v30;
	v5 =	vsub.f32 v5, v38;
	v51 =	vsub.f32 v28, v63  }
0x1ca: {  	v52 =	vld [tilespmem:s28+$0x50];
	v9 =	vsub.f32 v9, v39;
	v11 =	vsub.f32 v11, v42;
	v36 =	vmul.f32 v7, v26  }
0x1cb: {  	v54 =	vld [tilespmem:s28+$0x0];
	v13 =	vsub.f32 v13, v44;
	v37 =	vmul.f32 v12, v8;
	v12 =	vmul.f32 v12, v26  }
0x1cc: {  	v53 =	vld [tilespmem:s28+$0x80];
	v14 =	vsub.f32 v14, v47;
	v7 =	vmul.f32 v7, v8;
	v8 =	vmul.f32 v33, v30  }
0x1cd: {  	v55 =	vld [tilespmem:s28+$0xC0];
	v56 =	vsub.f32 v21, v49;
	v4 =	vmul.f32 v4, v4;
	v57 =	vmul.f32 v51, v51  }
0x1ce: {  	v59 =	vmul.f32 v5, v5;
	v48 =	vsub.f32 v36, v37;
	v7 =	vadd.f32 v12, v7;
	v12 =	vld [tilespmem:s28+$0x60]  }
0x1cf: {  	v5 =	vmul.f32 v9, v9;
	v6 =	vsub.f32 v8, v6;
	v8 =	vadd.f32 v10, v40;
	v10 =	vld [tilespmem:s28+$0x90]  }
0x1d0: {  	v58 =	vld [tilespmem:s28+$0x40];
	v9 =	vmul.f32 v11, v11;
	v11 =	vmul.f32 v14, v14;
	v14 =	vsub.f32 v15, v54  }
0x1d1: {  	v13 =	vmul.f32 v13, v13;
	v60 =	vmul.f32 v56, v56;
	v22 =	vsub.f32 v48, v50  }
0x1d2: {  	v14 =	vmul.f32 v14, v14;
	v5 =	vadd.f32 v5, v57;
	v7 =	vsub.f32 v7, v52  }
0x1d3: {  	v6 =	vsub.f32 v6, v53;
	v8 =	vsub.f32 v8, v55;
	v15 =	vmul.f32 v22, v22  }
0x1d4: {  	v61 =	vmul.f32 v7, v7;
	v12 =	vsub.f32 v43, v12;
	v10 =	vsub.f32 v45, v10  }
0x1d5: {  	v7 =	vsub.f32 v20, v58;
	v62 =	vmul.f32 v6, v6;
	v63 =	vmul.f32 v8, v8  }
0x1d6: {  	v6 =	vadd.f32 v59, v4;
	v12 =	vmul.f32 v12, v12;
	v10 =	vmul.f32 v10, v10  }
0x1d7: {  	v8 =	vadd.f32 v13, v9;
	v20 =	vmul.f32 v7, v7;
	v9 =	vadd.f32 v61, v15  }
0x1d8: {  	s30 =	simm.s32 $0x2;
	v4 =	vimm.f32 $0.0e+00;
	v7 =	vadd.f32 v12, v11;
	v10 =	vadd.f32 v60, v10  }
0x1d9: {  	s0 =	smov.u32 s28;
	s1 =	smov.u32 s26;
	s29 =	simm.s32 $0x0;
	v13 =	vshra.s32 v6, $0x1;
	v11 =	vadd.f32 v20, v14;
	v12 =	vadd.f32 v63, v62  }
.LBB2_12:
0x1da: {  	p0 =	slt.u32 s30, $0xE;
	v14 =	vshra.s32 v5, $0x1;
	v15 =	vmul.f32 $5.000000000e-01, v5;
	v16 =	vmul.f32 $5.000000000e-01, v6  }
0x1db: {  	v17 =	vshra.s32 v7, $0x1;
	v18 =	vshra.s32 v8, $0x1;
	v19 =	vmul.f32 $5.000000000e-01, v8  }
0x1dc: {  	v20 =	vmul.f32 $5.000000000e-01, v7;
	v21 =	vshra.s32 v10, $0x1;
	v22 =	vmul.f32 $5.000000000e-01, v10  }
0x1dd: {  	v23 =	vshra.s32 v9, $0x1;
	v24 =	vmul.f32 $5.000000000e-01, v9;
	v25 =	vshra.s32 v12, $0x1  }
0x1de: {  	v26 =	vshra.s32 v11, $0x1;
	v27 =	vmul.f32 $5.000000000e-01, v11;
	v28 =	vmul.f32 $5.000000000e-01, v12  }
0x1df: {  	v13 =	vsub.s32 $0x5F3759DF, v13;
	v14 =	vsub.s32 $0x5F3759DF, v14;
	v18 =	vsub.s32 $0x5F3759DF, v18  }
0x1e0: {  	v17 =	vsub.s32 $0x5F3759DF, v17;
	v21 =	vsub.s32 $0x5F3759DF, v21;
	v29 =	vmul.f32 v13, v16  }
0x1e1: {  	v23 =	vsub.s32 $0x5F3759DF, v23;
	v30 =	vmul.f32 v14, v15;
	v31 =	vmul.f32 v18, v19  }
0x1e2: {  	v32 =	vmul.f32 v17, v20;
	v25 =	vsub.s32 $0x5F3759DF, v25;
	v33 =	vmul.f32 v21, v22  }
0x1e3: {  	v26 =	vsub.s32 $0x5F3759DF, v26;
	v34 =	vmul.f32 v23, v24;
	v35 =	vmul.f32 v25, v28  }
0x1e4: {  	v36 =	vmul.f32 v26, v27;
	v29 =	vmul.f32 v13, v29  }
0x1e5: {  	v30 =	vmul.f32 v14, v30;
	v31 =	vmul.f32 v18, v31  }
0x1e6: {  	v32 =	vmul.f32 v17, v32;
	v33 =	vmul.f32 v21, v33  }
0x1e7: {  	v34 =	vmul.f32 v23, v34;
	v30 =	vsub.f32 $1.500000000e+00, v30;
	v29 =	vsub.f32 $1.500000000e+00, v29  }
0x1e8: {  	v35 =	vmul.f32 v25, v35;
	v32 =	vsub.f32 $1.500000000e+00, v32;
	v31 =	vsub.f32 $1.500000000e+00, v31  }
0x1e9: {  	v36 =	vmul.f32 v26, v36;
	v34 =	vsub.f32 $1.500000000e+00, v34;
	v33 =	vsub.f32 $1.500000000e+00, v33  }
0x1ea: {  	v14 =	vmul.f32 v14, v30;
	v30 =	vsub.f32 $1.500000000e+00, v35;
	v29 =	vmul.f32 v13, v29  }
0x1eb: {  	s0 =	sadd.s32 $0x100, s0;
	v35 =	vsub.f32 $1.500000000e+00, v36;
	v17 =	vmul.f32 v17, v32;
	v18 =	vmul.f32 v18, v31  }
0x1ec: {  	v23 =	vmul.f32 v23, v34;
	v21 =	vmul.f32 v21, v33;
	v13 =	vld [tilespmem:s0+$0xB0]  }
0x1ed: {  	v26 =	vmul.f32 v26, v35;
	v25 =	vmul.f32 v25, v30;
	v31 =	vld [tilespmem:s0+$0xFFFFE0B0]  }
0x1ee: {  	s1 =	sadd.s32 $0x100, s1;
	v15 =	vmul.f32 v14, v15;
	v16 =	vmul.f32 v29, v16;
	v30 =	vld [tilespmem:s0+$0xFFFFE0F0]  }
0x1ef: {  	v19 =	vmul.f32 v18, v19;
	v28 =	vmul.f32 v25, v28;
	v32 =	vld [tilespmem:s1+$0x30]  }
0x1f0: {  	v20 =	vmul.f32 v17, v20;
	v22 =	vmul.f32 v21, v22;
	v33 =	vld [tilespmem:s1+$0x70]  }
0x1f1: {  	v24 =	vmul.f32 v23, v24;
	v28 =	vmul.f32 v28, v25;
	v34 =	vld [tilespmem:s0+$0xFFFFE030]  }
0x1f2: {  	v27 =	vmul.f32 v26, v27;
	v16 =	vmul.f32 v16, v29;
	v35 =	vld [tilespmem:s0+$0xFFFFE070]  }
0x1f3: {  	v15 =	vmul.f32 v15, v14;
	v22 =	vmul.f32 v22, v21;
	v28 =	vsub.f32 $1.500000000e+00, v28;
	v36 =	vld [tilespmem:s1+$0xFFFFFFB0]  }
0x1f4: {  	v19 =	vmul.f32 v19, v18;
	v27 =	vmul.f32 v27, v26;
	v37 =	vld [tilespmem:s1+$0xFFFFFFF0]  }
0x1f5: {  	v20 =	vmul.f32 v20, v17;
	v22 =	vsub.f32 $1.500000000e+00, v22;
	v25 =	vmul.f32 v28, v25;
	v38 =	vld [tilespmem:s0+$0xFFFFE0A0]  }
0x1f6: {  	v24 =	vmul.f32 v24, v23;
	v16 =	vsub.f32 $1.500000000e+00, v16;
	v27 =	vsub.f32 $1.500000000e+00, v27;
	v28 =	vld [tilespmem:s0+$0xFFFFE0E0]  }
0x1f7: {  	v19 =	vsub.f32 $1.500000000e+00, v19;
	v21 =	vmul.f32 v22, v21;
	v12 =	vmul.f32 v25, v12;
	v39 =	vld [tilespmem:s1+$0x20]  }
0x1f8: {  	v24 =	vsub.f32 $1.500000000e+00, v24;
	v15 =	vsub.f32 $1.500000000e+00, v15;
	v25 =	vmul.f32 v27, v26;
	v22 =	vld [tilespmem:s1+$0x60]  }
0x1f9: {  	v18 =	vmul.f32 v19, v18;
	v10 =	vmul.f32 v21, v10;
	v12 =	vadd.f32 $0.0e+00, v12;
	v26 =	vld [tilespmem:s0+$0xFFFFE020]  }
0x1fa: {  	v20 =	vsub.f32 $1.500000000e+00, v20;
	v21 =	vmul.f32 v24, v23;
	v11 =	vmul.f32 v25, v11;
	v19 =	vld [tilespmem:s0+$0xFFFFE060]  }
0x1fb: {  	v8 =	vmul.f32 v18, v8;
	v10 =	vadd.f32 v10, v12;
	v12 =	vmul.f32 v16, v29;
	v23 =	vld [tilespmem:s1+$0xFFFFFFA0]  }
0x1fc: {  	v17 =	vmul.f32 v20, v17;
	v9 =	vmul.f32 v21, v9;
	v11 =	vadd.f32 $0.0e+00, v11;
	v16 =	vld [tilespmem:s1+$0xFFFFFFE0]  }
0x1fd: {  	v8 =	vadd.f32 v8, v10;
	v6 =	vmul.f32 v12, v6;
	v18 =	vld [tilespmem:s0+$0xFFFFE090]  }
0x1fe: {  	v7 =	vmul.f32 v17, v7;
	v9 =	vadd.f32 v9, v11;
	v11 =	vmul.f32 v15, v14;
	v10 =	vld [tilespmem:s0+$0xFFFFE0D0]  }
0x1ff: {  	v6 =	vadd.f32 v6, v8;
	v12 =	vld [tilespmem:s1+$0x10]  }
0x200: {  	v14 =	vmul.f32 v32, v31;
	v7 =	vadd.f32 v7, v9;
	v5 =	vmul.f32 v11, v5;
	v8 =	vld [tilespmem:s1+$0x50]  }
0x201: {  	v15 =	vmul.f32 v33, v31;
	v11 =	vmul.f32 v33, v30;
	v9 =	vld [tilespmem:s0+$0xFFFFE010];
	(xrf2) =	vadd.scan.msk.f32 $0xffff, v6  }
0x202: {  	v20 =	vmul.f32 v32, v30;
	v17 =	vmul.f32 v36, v34;
	v5 =	vadd.f32 v5, v7;
	v6 =	vld [tilespmem:s0+$0xFFFFE050]  }
0x203: {  	v21 =	vmul.f32 v37, v35;
	v24 =	vmul.f32 v37, v34;
	v7 =	vld [tilespmem:s1+$0xFFFFFF90]  }
0x204: {  	v27 =	vmul.f32 v36, v35;
	v29 =	vmul.f32 v39, v38;
	v25 =	vld [tilespmem:s1+$0xFFFFFFD0];
	(xrf2) =	vadd.scan.msk.f32 $0xffff, v5  }
0x205: {  	v30 =	vmul.f32 v22, v28;
	v22 =	vmul.f32 v22, v38;
	v5 =	vld [tilespmem:s0+$0xFFFFE080]  }
0x206: {  	v28 =	vmul.f32 v39, v28;
	v31 =	vmul.f32 v23, v26;
	v32 =	vld [tilespmem:s0+$0xFFFFE0C0]  }
0x207: {  	v33 =	vmul.f32 v16, v19;
	v16 =	vmul.f32 v16, v26;
	v26 =	vld [tilespmem:s1+$0x0]  }
0x208: {  	v19 =	vmul.f32 v23, v19;
	v34 =	vmul.f32 v12, v18;
	v23 =	vld [tilespmem:s1+$0x40]  }
0x209: {  	v36 =	vmul.f32 v8, v10;
	v8 =	vmul.f32 v8, v18;
	v35 =	vld [tilespmem:s0+$0xFFFFE000]  }
0x20a: {  	v10 =	vmul.f32 v12, v10;
	v37 =	vmul.f32 v7, v9;
	v18 =	vld [tilespmem:s0+$0xFFFFE040]  }
0x20b: {  	v38 =	vmul.f32 v25, v6;
	v9 =	vmul.f32 v25, v9;
	v12 =	vld [tilespmem:s1+$0xFFFFFF80];
	v25, _, _ =	vpop (xrf2)  }
0x20c: {  	v6 =	vmul.f32 v7, v6;
	v39 =	vld [tilespmem:s1+$0xFFFFFFC0];
	v7 =	vmul.f32 v26, v5  }
0x20d: {  	v11 =	vsub.f32 v14, v11;
	v14 =	vadd.f32 v15, v20;
	v40 =	vmul.f32 v23, v32;
	v41 =	vld [tilespmem:s0+$0xF0]  }
0x20e: {  	v17 =	vsub.f32 v17, v21;
	v20 =	vadd.f32 v24, v27;
	v5 =	vmul.f32 v23, v5;
	v15 =	vld [tilespmem:s0+$0x30];
	v21, _, _ =	vpop (xrf2)  }
0x20f: {  	v24 =	vmul.f32 v26, v32;
	v26 =	vsub.f32 v29, v30;
	v23 =	vld [tilespmem:s0+$0x70];
	(v2sf) =	vpush v21, $0xF  }
0x210: {  	v22 =	vadd.f32 v22, v28;
	v21 =	vmul.f32 v12, v35;
	v27 =	vld [tilespmem:s0+$0xA0];
	(v2sf) =	vpush v25, $0xF  }
0x211: {  	v28 =	vsub.f32 v31, v33;
	v16 =	vadd.f32 v16, v19;
	v25 =	vmul.f32 v39, v18;
	v19 =	vld [tilespmem:s0+$0xE0]  }
0x212: {  	v31 =	vsub.f32 v34, v36;
	v8 =	vadd.f32 v8, v10;
	v29 =	vmul.f32 v39, v35;
	v30 =	vld [tilespmem:s0+$0x20]  }
0x213: {  	v6 =	vadd.f32 v9, v6;
	v10 =	vmul.f32 v12, v18;
	v12 =	vsub.f32 v37, v38;
	v9 =	vld [tilespmem:s0+$0x60]  }
0x214: {  	v7 =	vsub.f32 v7, v40;
	v5 =	vadd.f32 v5, v24;
	v18 =	vld [tilespmem:s0+$0x90]  }
0x215: {  	v21 =	vsub.f32 v21, v25;
	v10 =	vadd.f32 v29, v10;
	v24 =	vld [tilespmem:s0+$0xD0]  }
0x216: {  	v11 =	vsub.f32 v11, v13;
	v13 =	vsub.f32 v14, v41;
	v14 =	vmov s29;
	v25 =	vld [tilespmem:s0+$0x10]  }
0x217: {  	s15 =	sadd.s32 $0x1, s29;
	s29 =	smov.u32 s30;
	v15 =	vsub.f32 v17, v15;
	vm0 =	veq.s32 v14, v0;
	v17 =	vsub.f32 v20, v23;
	v29 =	vld [tilespmem:s0+$0x50]  }
0x218: {  	v20 =	vsub.f32 v26, v27;
	v19 =	vsub.f32 v22, v19;
	v22 =	vmov s15;
	v14 =	vld [tilespmem:s0+$0x80]  }
0x219: {  	v23 =	vsub.f32 v28, v30;
	vm1 =	veq.s32 v22, v0;
	v9 =	vsub.f32 v16, v9;
	v16 =	vld [tilespmem:s0+$0xC0]  }
0x21a: {  	v11 =	vmul.f32 v11, v11;
	v18 =	vsub.f32 v31, v18;
	v22 =	vld [tilespmem:s0+$0x0];
	v8 =	vsub.f32 v8, v24  }
0x21b: {  	v13 =	vmul.f32 v13, v13;
	v15 =	vmul.f32 v15, v15;
	v24 =	vld [tilespmem:s0+$0x40];
	v12 =	vsub.f32 v12, v25  }
0x21c: {  	v17 =	vmul.f32 v17, v17;
	v20 =	vmul.f32 v20, v20;
	v6 =	vsub.f32 v6, v29  }
0x21d: {  	v23 =	vmul.f32 v23, v23;
	v7 =	vsub.f32 v7, v14;
	v14 =	vmul.f32 v19, v19  }
0x21e: {  	v9 =	vmul.f32 v9, v9;
	v5 =	vsub.f32 v5, v16;
	v16 =	vmul.f32 v18, v18;
	s15 =	spop (v2sf)  }
0x21f: {  	v12 =	vmul.f32 v12, v12;
	v19 =	vmul.f32 v8, v8;
	v18 =	vsub.f32 v21, v22;
	s15 =	ssub.f32 $1.200000000e+01, s15;
	s17 =	spop (v2sf)  }
0x220: {  	v21 =	vmul.f32 v7, v7;
	v8 =	vsub.f32 v10, v24;
	v10 =	vmul.f32 v6, v6;
	s17 =	ssub.f32 $1.200000000e+01, s17  }
.Ltmp4:
0x221: {  	v22 =	vmul.f32 v5, v5;
	v18 =	vmul.f32 v18, v18;
	v4 =	vsel vm0, s15, v4;
	(pc) =	sbr.rel @p0 .LBB2_12-.Ltmp4, $4  }
0x222: {  	v5 =	vadd.f32 v17, v15;
	v6 =	vadd.f32 v13, v11;
	v4 =	vsel vm1, s17, v4  }
0x223: {  	v7 =	vadd.f32 v9, v23;
	v11 =	vmul.f32 v8, v8;
	v8 =	vadd.f32 v14, v20  }
0x224: {  	v9 =	vadd.f32 v10, v12;
	v10 =	vadd.f32 v19, v16  }
0x225: {  	s30 =	sadd.s32 $0x2, s30;
	v12 =	vadd.f32 v22, v21;
	v13 =	vshra.s32 v6, $0x1;
	v11 =	vadd.f32 v11, v18  }
0x226: {  	v14 =	vshra.s32 v5, $0x1;
	v15 =	vmul.f32 $5.000000000e-01, v5;
	v16 =	vmul.f32 $5.000000000e-01, v6  }
0x227: {  	v17 =	vshra.s32 v7, $0x1;
	v18 =	vshra.s32 v8, $0x1;
	v19 =	vmul.f32 $5.000000000e-01, v8  }
0x228: {  	v20 =	vmul.f32 $5.000000000e-01, v7;
	v21 =	vshra.s32 v10, $0x1;
	v22 =	vmul.f32 $5.000000000e-01, v10  }
0x229: {  	v23 =	vshra.s32 v9, $0x1;
	v24 =	vmul.f32 $5.000000000e-01, v9;
	v13 =	vsub.s32 $0x5F3759DF, v13  }
0x22a: {  	v25 =	vshra.s32 v12, $0x1;
	v26 =	vshra.s32 v11, $0x1;
	v27 =	vmul.f32 $5.000000000e-01, v11  }
0x22b: {  	v28 =	vmul.f32 $5.000000000e-01, v12;
	v14 =	vsub.s32 $0x5F3759DF, v14;
	v18 =	vsub.s32 $0x5F3759DF, v18  }
0x22c: {  	v17 =	vsub.s32 $0x5F3759DF, v17;
	v21 =	vsub.s32 $0x5F3759DF, v21;
	v29 =	vmul.f32 v13, v16  }
0x22d: {  	v23 =	vsub.s32 $0x5F3759DF, v23;
	v30 =	vmul.f32 v14, v15;
	v31 =	vmul.f32 v18, v19  }
0x22e: {  	v32 =	vmul.f32 v17, v20;
	v25 =	vsub.s32 $0x5F3759DF, v25;
	v33 =	vmul.f32 v21, v22  }
0x22f: {  	v26 =	vsub.s32 $0x5F3759DF, v26;
	v34 =	vmul.f32 v23, v24;
	v35 =	vmul.f32 v25, v28  }
0x230: {  	v36 =	vmul.f32 v26, v27;
	v29 =	vmul.f32 v13, v29  }
0x231: {  	v30 =	vmul.f32 v14, v30;
	v31 =	vmul.f32 v18, v31  }
0x232: {  	v32 =	vmul.f32 v17, v32;
	v33 =	vmul.f32 v21, v33  }
0x233: {  	v34 =	vmul.f32 v23, v34;
	v30 =	vsub.f32 $1.500000000e+00, v30;
	v29 =	vsub.f32 $1.500000000e+00, v29  }
0x234: {  	v35 =	vmul.f32 v25, v35;
	v32 =	vsub.f32 $1.500000000e+00, v32;
	v31 =	vsub.f32 $1.500000000e+00, v31  }
0x235: {  	v36 =	vmul.f32 v26, v36;
	v34 =	vsub.f32 $1.500000000e+00, v34;
	v33 =	vsub.f32 $1.500000000e+00, v33  }
0x236: {  	v50 =	vsub.f32 $1.500000000e+00, v35;
	v14 =	vmul.f32 v14, v30;
	v13 =	vmul.f32 v13, v29  }
0x237: {  	v51 =	vsub.f32 $1.500000000e+00, v36;
	v17 =	vmul.f32 v17, v32;
	v18 =	vmul.f32 v18, v31  }
0x238: {  	v23 =	vmul.f32 v23, v34;
	v21 =	vmul.f32 v21, v33  }
0x239: {  	v26 =	vmul.f32 v26, v51;
	v25 =	vmul.f32 v25, v50  }
0x23a: {  	v15 =	vmul.f32 v14, v15;
	v16 =	vmul.f32 v13, v16  }
0x23b: {  	v19 =	vmul.f32 v18, v19;
	v20 =	vmul.f32 v17, v20  }
0x23c: {  	v22 =	vmul.f32 v21, v22;
	v28 =	vmul.f32 v25, v28  }
0x23d: {  	v24 =	vmul.f32 v23, v24;
	v27 =	vmul.f32 v26, v27  }
0x23e: {  	v16 =	vmul.f32 v16, v13;
	v28 =	vmul.f32 v28, v25  }
0x23f: {  	v15 =	vmul.f32 v15, v14;
	v27 =	vmul.f32 v27, v26  }
0x240: {  	v22 =	vmul.f32 v22, v21;
	v19 =	vmul.f32 v19, v18;
	v28 =	vsub.f32 $1.500000000e+00, v28  }
0x241: {  	v24 =	vmul.f32 v24, v23;
	v20 =	vmul.f32 v20, v17;
	v27 =	vsub.f32 $1.500000000e+00, v27  }
0x242: {  	v22 =	vsub.f32 $1.500000000e+00, v22;
	v16 =	vsub.f32 $1.500000000e+00, v16;
	v25 =	vmul.f32 v28, v25  }
0x243: {  	v24 =	vsub.f32 $1.500000000e+00, v24;
	v19 =	vsub.f32 $1.500000000e+00, v19;
	v53 =	vmul.f32 v27, v26  }
0x244: {  	v15 =	vsub.f32 $1.500000000e+00, v15;
	v21 =	vmul.f32 v22, v21;
	v52 =	vmul.f32 v25, v12  }
0x245: {  	v20 =	vsub.f32 $1.500000000e+00, v20;
	v55 =	vmul.f32 v24, v23;
	v54 =	vmul.f32 v53, v11  }
0x246: {  	v18 =	vmul.f32 v19, v18;
	v56 =	vmul.f32 v21, v10;
	v12 =	vadd.f32 $0.0e+00, v52  }
0x247: {  	v17 =	vmul.f32 v20, v17;
	v57 =	vmul.f32 v55, v9;
	v11 =	vadd.f32 $0.0e+00, v54  }
0x248: {  	v59 =	vmul.f32 v16, v13;
	v58 =	vmul.f32 v18, v8;
	v10 =	vadd.f32 v56, v12  }
0x249: {  	v61 =	vmul.f32 v15, v14;
	v60 =	vmul.f32 v17, v7;
	v9 =	vadd.f32 v57, v11  }
0x24a: {  	v62 =	vmul.f32 v59, v6;
	v8 =	vadd.f32 v58, v10  }
0x24b: {  	v5 =	vmul.f32 v61, v5;
	v7 =	vadd.f32 v60, v9  }
0x24c: {  	v6 =	vadd.f32 v62, v8  }
0x24d: {  	v5 =	vadd.f32 v5, v7  }
0x24e: {  	(xrf2) =	vadd.scan.msk.f32 $0xffff, v6  }
0x24f: {  	(xrf2) =	vadd.scan.msk.f32 $0xffff, v5;
	_ =	sdelay $0x8  }
0x250: {  	v5, _, _ =	vpop (xrf2)  }
0x251: {  	v63, _, _ =	vpop (xrf2)  }
0x252: {  	(v2sf) =	vpush v63, $0xF;
	_ =	sdelay $0x1  }
0x253: {  	(v2sf) =	vpush v5, $0xF;
	_ =	sdelay $0xc  }
0x254: {  	s30 =	sshll.u32 s25, $0x4;
	s25 =	sadd.s32 $0x1, s25;
	s0 =	spop (v2sf)  }
0x255: {  	p0 =	sne.s32 s25, $0x4;
	s0 =	ssub.f32 $1.200000000e+01, s0  }
.Ltmp5:
0x256: {  	s1 =	sadd.s32 $0x1, s29;
	v5 =	vmov s29;
	s15 =	spop (v2sf);
	(pc) =	sbr.rel @p0 .LBB2_11-.Ltmp5, $4  }
0x257: {  	vm0 =	veq.s32 v5, v0;
	v5 =	vmov s1;
	s29 =	ssub.f32 $1.200000000e+01, s15  }
0x258: {  	vm15 =	veq.s32 v5, v0;
	v4 =	vsel vm0, s0, v4  }
0x259: {  	s31 =	sand.u32 $0x3FFFFFF0, s30;
	v4 =	vsel vm15, s29, v4  }
0x25a: {  	s26 =	sadd.s32 $0x800, s26;
	s28 =	sadd.s32 $0x800, s28;
	[tilespmem:v3+s31+$0x0 ss:$0x1] =	vst.idx.msk $0xffff, v4  }
0x25b: {  	s24 =	sadd.s32 $0x1, s24  }
0x25c: {  	p0 =	sne.s32 s24, $0x4  }
.Ltmp6:
0x25d: {  	_ = 	snop;
	(pc) =	sbr.rel @p0 .LBB2_6-.Ltmp6, $1  }
0x25e: {  	_ =	sdelay $0x3  }
0x25f: {  	_ =	swait.ge [sflag:s21], $0x4000  }
0x260: {  	[sflag:s21] =	ssyncset.done $0x0  }
0x261: {  	[sflag:s21] =	ssyncadd.s32 $0xFFFFC000  }
0x262: {  	s23 =	sadd.s32 $0x1, s23;
	_ =	swait.ge [sflag:s21], $0x2000  }
0x263: {  	p0 =	sne.s32 s23, s9;
	[sflag:s21] =	ssyncset.done $0x0  }
.Ltmp7:
0x264: {  	s0 =	simm.s32 $0x1E600;
	[sflag:s21] =	ssyncadd.s32 $0xFFFFE000;
	(pc) =	sbr.rel @p0 .LBB2_1-.Ltmp7, $4  }
0x265: {  	[hbm4b:s8+s3] =	stream.linear.scatter [tilespmem:s0], [sflag:$0x3], $0x200, $0x38;
	[tilespmem:$0x1E800] =	vst v63  }
0x266: {  	_ =	swait.ge [sflag:s11], $0x200  }
0x267: {  	[sflag:s11] =	ssyncset.done $0x0  }
0x268: {  	[sflag:s11] =	ssyncadd.s32 $0xFFFFFE00  }
0x269: {  	_ =	sfence.sel $0x180000  }
0x26a: {  	[bflag:$0x0] =	sbarrier.arrive $0xFFFF  }
0x26b: {  	_ =	strace $0x90000047  }
0x26c: {  	s0 =	stileid.u32;
	[bflag:$0x2] =	sbarrier.arrive $0xFFFF  }
0x26d: {  	p0 =	sne.s32 s0, $0x0;
	s0 =	rddreg [dreg:$0x3]  }
0x26e: {  	s0 =	sadd.s32 @!p0 $0x100000, s0  }
0x26f: {  	[sflag:s0] =	ssyncadd.tile.s32 @!p0 $0x1;
	_ =	shalt  }
.Lfunc_end2:
_tile_overlayer_lowered:
.L_overlay_start_2:
0x270: {  	(tag) =	ssettag $0x2  }
0x271: {  	s0 =	rddreg [dreg:$0x0];
	s2 =	stileid.u32  }
0x272: {  	s1 =	rddreg [dreg:$0x1];
	p0 =	sne.s32 s2, $0x0  }
0x273: {  	s3 =	rddreg [dreg:$0x2];
	[bflag:$0x3] =	sbarrier.arrive $0xFFFF;
	s2 =	simm.s32 @!p0 $0x1C03  }
0x274: {  	[timem:s3], [sflag:s2] =	dma.local @!p0 [hbm:s0], s1  }
0x275: {  	s0 =	simm.s32 @!p0 $0x3  }
0x276: {  	_ =	swait.ge @!p0 [sflag:s0], s1  }
0x277: {  	s1 =	ssub.s32 @!p0 $0x0, s1;
	[sflag:s0] =	ssyncset.done @!p0 $0x0  }
0x278: {  	[sflag:s0] =	ssyncadd.s32 @!p0 s1  }
0x279: {  	[bflag:$0x3] =	sbarrier.arrive $0xFFFF  }
0x27a: {  	_ =	shalt  }

</sc_bundles>
